<compile_context>
chip_gen: v7x
topology: tpu7x:2x2x1
jax: 0.10.2.dev20260603
libtpu: 0.0.44.dev20260713+nightly
codegen_flags: <defaults>
</compile_context>

<pallas_src>
import jax
import jax.numpy as jnp
from jax import lax
from jax.experimental import pallas as pl
from jax.experimental.pallas import tpu as pltpu
from jax.experimental.pallas import tpu_sc as plsc

N_NODES = 10000
D = 128

NP = 10240
N_WORKERS = 32
CHUNK = 128
CHUNKS = 79
EPW = CHUNK * CHUNKS
EP = EPW * N_WORKERS
ROWS_PER_TILE = NP // 16
WB_CHUNKS = ROWS_PER_TILE // CHUNK

_SC_MESH = plsc.VectorSubcoreMesh(core_axis_name="c", subcore_axis_name="s")


def _zero_block(ref):
  zero16 = jnp.zeros((16,), jnp.float32)

  @pl.loop(0, CHUNK)
  def _z(r):
    for j in range(D // 16):
      ref[r, pl.ds(j * 16, 16)] = zero16


def _sc_agg_body(hw_hbm, src_hbm, dst_hbm, out_hbm,
                 acc, src_v, dst_v, rows_v, sem):
  c = lax.axis_index("c")
  s = lax.axis_index("s")
  wid = s * 2 + c
  cbase = wid * CHUNKS

  _zero_block(rows_v)
  for k in range(WB_CHUNKS):
    pltpu.sync_copy(rows_v, acc.at[pl.ds(s * ROWS_PER_TILE + k * CHUNK, CHUNK)])

  plsc.subcore_barrier()

  @pl.loop(0, CHUNKS)
  def _edges(i):
    base = (cbase + i) * CHUNK
    pltpu.sync_copy(src_hbm.at[pl.ds(base, CHUNK)], src_v)
    pltpu.sync_copy(dst_hbm.at[pl.ds(base, CHUNK)], dst_v)
    pltpu.async_copy(hw_hbm.at[src_v], rows_v, sem).wait()
    pltpu.sync_copy(rows_v, acc.at[dst_v], add=True)

  plsc.subcore_barrier()

  for k in range(WB_CHUNKS):
    row0 = s * ROWS_PER_TILE + k * CHUNK
    pltpu.sync_copy(acc.at[pl.ds(row0, CHUNK)],
                    out_hbm.at[pl.ds(c * NP + row0, CHUNK)])


_sc_agg = pl.kernel(
    _sc_agg_body,
    out_type=jax.ShapeDtypeStruct((2 * NP, D), jnp.float32),
    mesh=_SC_MESH,
    scratch_types=(
        pltpu.VMEM_SHARED((NP, D), jnp.float32),
        pltpu.VMEM((CHUNK,), jnp.int32),
        pltpu.VMEM((CHUNK,), jnp.int32),
        pltpu.VMEM((CHUNK, D), jnp.float32),
        pltpu.SemaphoreType.DMA,
    ),
)


def _sc_deg_body(dst_hbm, deg_hbm, degacc, dst_v, ones_v):
  c = lax.axis_index("c")
  s = lax.axis_index("s")
  wid = s * 2 + c
  cbase = wid * CHUNKS

  _zero_block(ones_v)
  for k in range(WB_CHUNKS):
    pltpu.sync_copy(ones_v,
                    degacc.at[pl.ds(s * ROWS_PER_TILE + k * CHUNK, CHUNK)])

  one16 = jnp.ones((16,), jnp.float32)

  @pl.loop(0, CHUNK)
  def _fill(r):
    for j in range(D // 16):
      ones_v[r, pl.ds(j * 16, 16)] = one16

  plsc.subcore_barrier()

  @pl.loop(0, CHUNKS)
  def _edges(i):
    base = (cbase + i) * CHUNK
    pltpu.sync_copy(dst_hbm.at[pl.ds(base, CHUNK)], dst_v)
    pltpu.sync_copy(ones_v, degacc.at[dst_v], add=True)

  plsc.subcore_barrier()

  for k in range(WB_CHUNKS):
    row0 = s * ROWS_PER_TILE + k * CHUNK
    pltpu.sync_copy(degacc.at[pl.ds(row0, CHUNK)],
                    deg_hbm.at[pl.ds(c * NP + row0, CHUNK)])


_sc_deg = pl.kernel(
    _sc_deg_body,
    out_type=jax.ShapeDtypeStruct((2 * NP, D), jnp.float32),
    mesh=_SC_MESH,
    scratch_types=(
        pltpu.VMEM_SHARED((NP, D), jnp.float32),
        pltpu.VMEM((CHUNK,), jnp.int32),
        pltpu.VMEM((CHUNK, D), jnp.float32),
    ),
)



_BLK = 1024


def _mm_body(h_ref, w_ref, o_ref):
  o_ref[...] = jnp.dot(h_ref[...], w_ref[...],
                       preferred_element_type=jnp.float32)


def _tc_matmul(h, w):
  return pl.pallas_call(
      _mm_body,
      grid=(NP // _BLK,),
      in_specs=[
          pl.BlockSpec((_BLK, D), lambda i: (i, 0)),
          pl.BlockSpec((D, D), lambda i: (0, 0)),
      ],
      out_specs=pl.BlockSpec((_BLK, D), lambda i: (i, 0)),
      out_shape=jax.ShapeDtypeStruct((NP, D), jnp.float32),
  )(h, w)


def _post_mm_body(p_ref, dp_ref, b_ref, w_ref, o_ref):
  agg = p_ref[0] + p_ref[1]
  deg = dp_ref[0, :, 0] + dp_ref[1, :, 0]
  deg = jnp.maximum(deg, 1.0)
  h = agg / deg[:, None] + b_ref[...]
  h = jnp.maximum(h, 0.0)
  o_ref[...] = jnp.dot(h, w_ref[...], preferred_element_type=jnp.float32)


def _tc_post_mm(p, dp, b, w):
  return pl.pallas_call(
      _post_mm_body,
      grid=(NP // _BLK,),
      in_specs=[
          pl.BlockSpec((2, _BLK, D), lambda i: (0, i, 0)),
          pl.BlockSpec((2, _BLK, D), lambda i: (0, i, 0)),
          pl.BlockSpec((D,), lambda i: (0,)),
          pl.BlockSpec((D, D), lambda i: (0, 0)),
      ],
      out_specs=pl.BlockSpec((_BLK, D), lambda i: (i, 0)),
      out_shape=jax.ShapeDtypeStruct((NP, D), jnp.float32),
  )(p, dp, b, w)


def _post_final_body(p_ref, dp_ref, b_ref, o_ref):
  agg = p_ref[0] + p_ref[1]
  deg = dp_ref[0, :, 0] + dp_ref[1, :, 0]
  deg = jnp.maximum(deg, 1.0)
  o_ref[...] = agg / deg[:, None] + b_ref[...]


def _tc_post_final(p, dp, b):
  return pl.pallas_call(
      _post_final_body,
      grid=(NP // _BLK,),
      in_specs=[
          pl.BlockSpec((2, _BLK, D), lambda i: (0, i, 0)),
          pl.BlockSpec((2, _BLK, D), lambda i: (0, i, 0)),
          pl.BlockSpec((D,), lambda i: (0,)),
      ],
      out_specs=pl.BlockSpec((_BLK, D), lambda i: (i, 0)),
      out_shape=jax.ShapeDtypeStruct((NP, D), jnp.float32),
  )(p, dp, b)


@jax.jit
def kernel(features, edge_index, W1, b1, W2, b2, W3, b3):
  src = edge_index[0].astype(jnp.int32)
  dst = edge_index[1].astype(jnp.int32)
  n_extra = EP - src.shape[0]
  pad_idx = jnp.full((n_extra,), N_NODES, jnp.int32)
  src = jnp.concatenate([src, pad_idx])
  dst = jnp.concatenate([dst, pad_idx])

  feat_pad = jnp.zeros((NP, D), features.dtype).at[:N_NODES].set(features)

  dp = _sc_deg(dst).reshape(2, NP, D)
  hw = _tc_matmul(feat_pad, W1)
  p = _sc_agg(hw, src, dst).reshape(2, NP, D)
  hw = _tc_post_mm(p, dp, b1, W2)
  p = _sc_agg(hw, src, dst).reshape(2, NP, D)
  hw = _tc_post_mm(p, dp, b2, W3)
  p = _sc_agg(hw, src, dst).reshape(2, NP, D)
  out = _tc_post_final(p, dp, b3)
  return out[:N_NODES]

# --- scband reference (transcript-rebuilt; emitter-appended) ---
"""Pipeline reference for scband-gcndrop-edge-91087666413880 (READ-ONLY COPY).

The authoritative reference and input builder live on the scoring server;
editing this copy changes nothing except your own understanding.
"""

import jax, jax.numpy as jnp
import numpy as np

N_NODES = 10000
N_EDGES = 320000
IN_FEATS = 128
N_HIDDEN = 128
N_CLASSES = 128


def setup_inputs(seed: int = 0) -> dict:
    key = jax.random.key(seed)
    ks = jax.random.split(key, 8)
    features = jax.random.normal(ks[0], (N_NODES, IN_FEATS), dtype=jnp.float32)
    edge_index = jax.random.randint(ks[1], (2, N_EDGES), 0, N_NODES, dtype=jnp.int32).astype(jnp.int64)
    # GraphConv weights (3 layers: in->hidden, hidden->hidden, hidden->classes)
    W1 = jax.random.normal(ks[2], (IN_FEATS, N_HIDDEN), dtype=jnp.float32) * 0.05
    b1 = jnp.zeros((N_HIDDEN,), dtype=jnp.float32)
    W2 = jax.random.normal(ks[3], (N_HIDDEN, N_HIDDEN), dtype=jnp.float32) * 0.05
    b2 = jnp.zeros((N_HIDDEN,), dtype=jnp.float32)
    W3 = jax.random.normal(ks[4], (N_HIDDEN, N_CLASSES), dtype=jnp.float32) * 0.05
    b3 = jnp.zeros((N_CLASSES,), dtype=jnp.float32)
    return {"features": features, "edge_index": edge_index,
            "W1": W1, "b1": b1, "W2": W2, "b2": b2, "W3": W3, "b3": b3}


def _graph_conv(h, src, dst, W, b, activation):
    # DGL GraphConv with norm='right': sum messages from src at dst,
    # then divide by in-degree of dst, then linear transform + bias.
    agg = jnp.zeros((N_NODES, h.shape[1]), dtype=h.dtype).at[dst].add(h[src])
    deg = jnp.zeros((N_NODES,), dtype=h.dtype).at[dst].add(1.0)
    deg = jnp.maximum(deg, 1.0)
    h = agg / deg[:, None]
    h = h @ W + b
    if activation is not None:
        h = activation(h)
    return h


def reference(features, edge_index, W1, b1, W2, b2, W3, b3):
    # sample_rate=1.0 -> no DropEdge resampling; dropout is identity in eval mode.
    src = edge_index[0]
    dst = edge_index[1]
    h = features
    h = _graph_conv(h, src, dst, W1, b1, jax.nn.relu)
    h = _graph_conv(h, src, dst, W2, b2, jax.nn.relu)
    h = _graph_conv(h, src, dst, W3, b3, None)
    return h

if __name__ == "__main__":
    import jax
    _d = setup_inputs()
    print(jax.jit(kernel)(*tuple(_d.values())))

</pallas_src>

<mosaic_0001>
#map = affine_map<(d0, d1) -> (0, 0)>
#map1 = affine_map<(d0, d1) -> (0)>
module attributes {stable_mosaic.version = 14 : i64} {
  func.func @_sc_agg_body(%arg0: i32, %arg1: i32, %arg2: memref<10240x128xf32, #tpu.memory_space<hbm>>, %arg3: memref<323584xi32, #tpu.memory_space<hbm>>, %arg4: memref<323584xi32, #tpu.memory_space<hbm>>, %arg5: memref<20480x128xf32, #tpu.memory_space<hbm>>, %arg6: memref<10240x128xf32, #tpu.memory_space<vmem_shared>>, %arg7: memref<128xi32, #tpu.memory_space<vmem>>, %arg8: memref<128xi32, #tpu.memory_space<vmem>>, %arg9: memref<128x128xf32, #tpu.memory_space<vmem>>, %arg10: memref<!tpu.dma_semaphore, #tpu.memory_space<semaphore_mem>>) attributes {dimension_semantics = [#tpu.dimension_semantics<core_parallel>, #tpu.dimension_semantics<subcore_parallel>], iteration_bounds = array<i64: 2, 16>, scalar_prefetch = 0 : i64, scratch_operands = 5 : i64, tpu.core_type = #tpu.core_type<sc_vector_subcore>, window_params = [{transform_indices = #map}, {transform_indices = #map1}, {transform_indices = #map1}, {transform_indices = #map}]} {
    %mul3A = arith.constant 2 : i32
    %mul3A_0 = arith.muli %arg1, %mul3A : i32
    %add3A = arith.addi %mul3A_0, %arg0 : i32
    %mul3A_1 = arith.constant 79 : i32
    %mul3A_2 = arith.muli %add3A, %mul3A_1 : i32
    %broadcast_in_dim3A = arith.constant 0.000000e+00 : f32
    %broadcast_in_dim3A_3 = vector.broadcast %broadcast_in_dim3A : f32 to vector<16xf32>
    %scan3A = arith.constant 0 : i32
    %scan3A_4 = arith.constant 128 : i32
    %scan3A_5 = arith.addi %scan3A, %scan3A_4 : i32
    %scan3A_6 = arith.constant 1 : i32
    scf.for %scan3A_69 = %scan3A to %scan3A_5 step %scan3A_6  : i32 {
      %mul3A_70 = arith.constant 1 : i32
      %mul3A_71 = arith.muli %scan3A_69, %mul3A_70 : i32
      %add3A_72 = arith.constant 0 : i32
      %add3A_73 = arith.addi %add3A_72, %mul3A_71 : i32
      %swap3A = arith.index_cast %add3A_73 : i32 to index
      %swap3A_74 = arith.constant 0 : index
      %swap3A_75 = tpu.vector_load %arg9[%swap3A, %swap3A_74] {strides = array<i32>} : memref<128x128xf32, #tpu.memory_space<vmem>>, vector<1x16xf32>,
      %swap3A_76 = vector.shape_cast %swap3A_75 : vector<1x16xf32> to vector<16xf32>
      %swap3A_77 = vector.shape_cast %broadcast_in_dim3A_3 : vector<16xf32> to vector<1x16xf32>
      tpu.vector_store %arg9[%swap3A, %swap3A_74], %swap3A_77 {strides = array<i32>} : memref<128x128xf32, #tpu.memory_space<vmem>>, vector<1x16xf32>,
      %swap3A_78 = arith.index_cast %add3A_73 : i32 to index
      %swap3A_79 = arith.constant 16 : index
      %swap3A_80 = tpu.vector_load %arg9[%swap3A_78, %swap3A_79] {strides = array<i32>} : memref<128x128xf32, #tpu.memory_space<vmem>>, vector<1x16xf32>,
      %swap3A_81 = vector.shape_cast %swap3A_80 : vector<1x16xf32> to vector<16xf32>
      %swap3A_82 = vector.shape_cast %broadcast_in_dim3A_3 : vector<16xf32> to vector<1x16xf32>
      tpu.vector_store %arg9[%swap3A_78, %swap3A_79], %swap3A_82 {strides = array<i32>} : memref<128x128xf32, #tpu.memory_space<vmem>>, vector<1x16xf32>,
      %swap3A_83 = arith.index_cast %add3A_73 : i32 to index
      %swap3A_84 = arith.constant 32 : index
      %swap3A_85 = tpu.vector_load %arg9[%swap3A_83, %swap3A_84] {strides = array<i32>} : memref<128x128xf32, #tpu.memory_space<vmem>>, vector<1x16xf32>,
      %swap3A_86 = vector.shape_cast %swap3A_85 : vector<1x16xf32> to vector<16xf32>
      %swap3A_87 = vector.shape_cast %broadcast_in_dim3A_3 : vector<16xf32> to vector<1x16xf32>
      tpu.vector_store %arg9[%swap3A_83, %swap3A_84], %swap3A_87 {strides = array<i32>} : memref<128x128xf32, #tpu.memory_space<vmem>>, vector<1x16xf32>,
      %swap3A_88 = arith.index_cast %add3A_73 : i32 to index
      %swap3A_89 = arith.constant 48 : index
      %swap3A_90 = tpu.vector_load %arg9[%swap3A_88, %swap3A_89] {strides = array<i32>} : memref<128x128xf32, #tpu.memory_space<vmem>>, vector<1x16xf32>,
      %swap3A_91 = vector.shape_cast %swap3A_90 : vector<1x16xf32> to vector<16xf32>
      %swap3A_92 = vector.shape_cast %broadcast_in_dim3A_3 : vector<16xf32> to vector<1x16xf32>
      tpu.vector_store %arg9[%swap3A_88, %swap3A_89], %swap3A_92 {strides = array<i32>} : memref<128x128xf32, #tpu.memory_space<vmem>>, vector<1x16xf32>,
      %swap3A_93 = arith.index_cast %add3A_73 : i32 to index
      %swap3A_94 = arith.constant 64 : index
      %swap3A_95 = tpu.vector_load %arg9[%swap3A_93, %swap3A_94] {strides = array<i32>} : memref<128x128xf32, #tpu.memory_space<vmem>>, vector<1x16xf32>,
      %swap3A_96 = vector.shape_cast %swap3A_95 : vector<1x16xf32> to vector<16xf32>
      %swap3A_97 = vector.shape_cast %broadcast_in_dim3A_3 : vector<16xf32> to vector<1x16xf32>
      tpu.vector_store %arg9[%swap3A_93, %swap3A_94], %swap3A_97 {strides = array<i32>} : memref<128x128xf32, #tpu.memory_space<vmem>>, vector<1x16xf32>,
      %swap3A_98 = arith.index_cast %add3A_73 : i32 to index
      %swap3A_99 = arith.constant 80 : index
      %swap3A_100 = tpu.vector_load %arg9[%swap3A_98, %swap3A_99] {strides = array<i32>} : memref<128x128xf32, #tpu.memory_space<vmem>>, vector<1x16xf32>,
      %swap3A_101 = vector.shape_cast %swap3A_100 : vector<1x16xf32> to vector<16xf32>
      %swap3A_102 = vector.shape_cast %broadcast_in_dim3A_3 : vector<16xf32> to vector<1x16xf32>
      tpu.vector_store %arg9[%swap3A_98, %swap3A_99], %swap3A_102 {strides = array<i32>} : memref<128x128xf32, #tpu.memory_space<vmem>>, vector<1x16xf32>,
      %swap3A_103 = arith.index_cast %add3A_73 : i32 to index
      %swap3A_104 = arith.constant 96 : index
      %swap3A_105 = tpu.vector_load %arg9[%swap3A_103, %swap3A_104] {strides = array<i32>} : memref<128x128xf32, #tpu.memory_space<vmem>>, vector<1x16xf32>,
      %swap3A_106 = vector.shape_cast %swap3A_105 : vector<1x16xf32> to vector<16xf32>
      %swap3A_107 = vector.shape_cast %broadcast_in_dim3A_3 : vector<16xf32> to vector<1x16xf32>
      tpu.vector_store %arg9[%swap3A_103, %swap3A_104], %swap3A_107 {strides = array<i32>} : memref<128x128xf32, #tpu.memory_space<vmem>>, vector<1x16xf32>,
      %swap3A_108 = arith.index_cast %add3A_73 : i32 to index
      %swap3A_109 = arith.constant 112 : index
      %swap3A_110 = tpu.vector_load %arg9[%swap3A_108, %swap3A_109] {strides = array<i32>} : memref<128x128xf32, #tpu.memory_space<vmem>>, vector<1x16xf32>,
      %swap3A_111 = vector.shape_cast %swap3A_110 : vector<1x16xf32> to vector<16xf32>
      %swap3A_112 = vector.shape_cast %broadcast_in_dim3A_3 : vector<16xf32> to vector<1x16xf32>
      tpu.vector_store %arg9[%swap3A_108, %swap3A_109], %swap3A_112 {strides = array<i32>} : memref<128x128xf32, #tpu.memory_space<vmem>>, vector<1x16xf32>,
    }
    %scan3A_7 = arith.constant 128 : i32
    %mul3A_8 = arith.constant 640 : i32
    %mul3A_9 = arith.muli %arg1, %mul3A_8 : i32
    %add3A_10 = arith.constant 0 : i32
    %add3A_11 = arith.addi %mul3A_9, %add3A_10 : i32
    "tpu.region"() ({
      %run_scoped3A = tpu.sem_alloc : memref<!tpu.dma_semaphore, #tpu.memory_space<semaphore_mem>>
      %dma_start3A = arith.constant 0 : i32
      %dma_start3A_69 = tpu.memref_slice %arg6[%add3A_11, %dma_start3A] : memref<10240x128xf32, #tpu.memory_space<vmem_shared>> -> memref<128x128xf32, #tpu.memory_space<vmem_shared>>
      %dma_start3A_70 = arith.constant 0 : i32
      %dma_start3A_71 = tpu.memref_slice %arg6[%add3A_11, %dma_start3A_70] : memref<10240x128xf32, #tpu.memory_space<vmem_shared>> -> memref<128x128xf32, #tpu.memory_space<vmem_shared>>
      tpu.enqueue_dma source(%arg9 : memref<128x128xf32, #tpu.memory_space<vmem>>) target(%dma_start3A_71 : memref<128x128xf32, #tpu.memory_space<vmem_shared>>) target_semaphore(%run_scoped3A : memref<!tpu.dma_semaphore, #tpu.memory_space<semaphore_mem>>)
      %dma_wait3A = arith.constant 0 : i32
      %dma_wait3A_72 = tpu.memref_slice %arg6[%add3A_11, %dma_wait3A] : memref<10240x128xf32, #tpu.memory_space<vmem_shared>> -> memref<128x128xf32, #tpu.memory_space<vmem_shared>>
      %dma_wait3A_73 = arith.constant 0 : i32
      %dma_wait3A_74 = tpu.memref_slice %arg6[%add3A_11, %dma_wait3A_73] : memref<10240x128xf32, #tpu.memory_space<vmem_shared>> -> memref<128x128xf32, #tpu.memory_space<vmem_shared>>
      tpu.wait_dma2 semaphore(%run_scoped3A : memref<!tpu.dma_semaphore, #tpu.memory_space<semaphore_mem>>) src(%arg9 : memref<128x128xf32, #tpu.memory_space<vmem>>) dst(%dma_wait3A_74 : memref<128x128xf32, #tpu.memory_space<vmem_shared>>)
      tpu.yield
    }) : () -> ()
    %mul3A_12 = arith.constant 640 : i32
    %mul3A_13 = arith.muli %arg1, %mul3A_12 : i32
    %add3A_14 = arith.constant 128 : i32
    %add3A_15 = arith.addi %mul3A_13, %add3A_14 : i32
    "tpu.region"() ({
      %run_scoped3A = tpu.sem_alloc : memref<!tpu.dma_semaphore, #tpu.memory_space<semaphore_mem>>
      %dma_start3A = arith.constant 0 : i32
      %dma_start3A_69 = tpu.memref_slice %arg6[%add3A_15, %dma_start3A] : memref<10240x128xf32, #tpu.memory_space<vmem_shared>> -> memref<128x128xf32, #tpu.memory_space<vmem_shared>>
      %dma_start3A_70 = arith.constant 0 : i32
      %dma_start3A_71 = tpu.memref_slice %arg6[%add3A_15, %dma_start3A_70] : memref<10240x128xf32, #tpu.memory_space<vmem_shared>> -> memref<128x128xf32, #tpu.memory_space<vmem_shared>>
      tpu.enqueue_dma source(%arg9 : memref<128x128xf32, #tpu.memory_space<vmem>>) target(%dma_start3A_71 : memref<128x128xf32, #tpu.memory_space<vmem_shared>>) target_semaphore(%run_scoped3A : memref<!tpu.dma_semaphore, #tpu.memory_space<semaphore_mem>>)
      %dma_wait3A = arith.constant 0 : i32
      %dma_wait3A_72 = tpu.memref_slice %arg6[%add3A_15, %dma_wait3A] : memref<10240x128xf32, #tpu.memory_space<vmem_shared>> -> memref<128x128xf32, #tpu.memory_space<vmem_shared>>
      %dma_wait3A_73 = arith.constant 0 : i32
      %dma_wait3A_74 = tpu.memref_slice %arg6[%add3A_15, %dma_wait3A_73] : memref<10240x128xf32, #tpu.memory_space<vmem_shared>> -> memref<128x128xf32, #tpu.memory_space<vmem_shared>>
      tpu.wait_dma2 semaphore(%run_scoped3A : memref<!tpu.dma_semaphore, #tpu.memory_space<semaphore_mem>>) src(%arg9 : memref<128x128xf32, #tpu.memory_space<vmem>>) dst(%dma_wait3A_74 : memref<128x128xf32, #tpu.memory_space<vmem_shared>>)
      tpu.yield
    }) : () -> ()
    %mul3A_16 = arith.constant 640 : i32
    %mul3A_17 = arith.muli %arg1, %mul3A_16 : i32
    %add3A_18 = arith.constant 256 : i32
    %add3A_19 = arith.addi %mul3A_17, %add3A_18 : i32
    "tpu.region"() ({
      %run_scoped3A = tpu.sem_alloc : memref<!tpu.dma_semaphore, #tpu.memory_space<semaphore_mem>>
      %dma_start3A = arith.constant 0 : i32
      %dma_start3A_69 = tpu.memref_slice %arg6[%add3A_19, %dma_start3A] : memref<10240x128xf32, #tpu.memory_space<vmem_shared>> -> memref<128x128xf32, #tpu.memory_space<vmem_shared>>
      %dma_start3A_70 = arith.constant 0 : i32
      %dma_start3A_71 = tpu.memref_slice %arg6[%add3A_19, %dma_start3A_70] : memref<10240x128xf32, #tpu.memory_space<vmem_shared>> -> memref<128x128xf32, #tpu.memory_space<vmem_shared>>
      tpu.enqueue_dma source(%arg9 : memref<128x128xf32, #tpu.memory_space<vmem>>) target(%dma_start3A_71 : memref<128x128xf32, #tpu.memory_space<vmem_shared>>) target_semaphore(%run_scoped3A : memref<!tpu.dma_semaphore, #tpu.memory_space<semaphore_mem>>)
      %dma_wait3A = arith.constant 0 : i32
      %dma_wait3A_72 = tpu.memref_slice %arg6[%add3A_19, %dma_wait3A] : memref<10240x128xf32, #tpu.memory_space<vmem_shared>> -> memref<128x128xf32, #tpu.memory_space<vmem_shared>>
      %dma_wait3A_73 = arith.constant 0 : i32
      %dma_wait3A_74 = tpu.memref_slice %arg6[%add3A_19, %dma_wait3A_73] : memref<10240x128xf32, #tpu.memory_space<vmem_shared>> -> memref<128x128xf32, #tpu.memory_space<vmem_shared>>
      tpu.wait_dma2 semaphore(%run_scoped3A : memref<!tpu.dma_semaphore, #tpu.memory_space<semaphore_mem>>) src(%arg9 : memref<128x128xf32, #tpu.memory_space<vmem>>) dst(%dma_wait3A_74 : memref<128x128xf32, #tpu.memory_space<vmem_shared>>)
      tpu.yield
    }) : () -> ()
    %mul3A_20 = arith.constant 640 : i32
    %mul3A_21 = arith.muli %arg1, %mul3A_20 : i32
    %add3A_22 = arith.constant 384 : i32
    %add3A_23 = arith.addi %mul3A_21, %add3A_22 : i32
    "tpu.region"() ({
      %run_scoped3A = tpu.sem_alloc : memref<!tpu.dma_semaphore, #tpu.memory_space<semaphore_mem>>
      %dma_start3A = arith.constant 0 : i32
      %dma_start3A_69 = tpu.memref_slice %arg6[%add3A_23, %dma_start3A] : memref<10240x128xf32, #tpu.memory_space<vmem_shared>> -> memref<128x128xf32, #tpu.memory_space<vmem_shared>>
      %dma_start3A_70 = arith.constant 0 : i32
      %dma_start3A_71 = tpu.memref_slice %arg6[%add3A_23, %dma_start3A_70] : memref<10240x128xf32, #tpu.memory_space<vmem_shared>> -> memref<128x128xf32, #tpu.memory_space<vmem_shared>>
      tpu.enqueue_dma source(%arg9 : memref<128x128xf32, #tpu.memory_space<vmem>>) target(%dma_start3A_71 : memref<128x128xf32, #tpu.memory_space<vmem_shared>>) target_semaphore(%run_scoped3A : memref<!tpu.dma_semaphore, #tpu.memory_space<semaphore_mem>>)
      %dma_wait3A = arith.constant 0 : i32
      %dma_wait3A_72 = tpu.memref_slice %arg6[%add3A_23, %dma_wait3A] : memref<10240x128xf32, #tpu.memory_space<vmem_shared>> -> memref<128x128xf32, #tpu.memory_space<vmem_shared>>
      %dma_wait3A_73 = arith.constant 0 : i32
      %dma_wait3A_74 = tpu.memref_slice %arg6[%add3A_23, %dma_wait3A_73] : memref<10240x128xf32, #tpu.memory_space<vmem_shared>> -> memref<128x128xf32, #tpu.memory_space<vmem_shared>>
      tpu.wait_dma2 semaphore(%run_scoped3A : memref<!tpu.dma_semaphore, #tpu.memory_space<semaphore_mem>>) src(%arg9 : memref<128x128xf32, #tpu.memory_space<vmem>>) dst(%dma_wait3A_74 : memref<128x128xf32, #tpu.memory_space<vmem_shared>>)
      tpu.yield
    }) : () -> ()
    %mul3A_24 = arith.constant 640 : i32
    %mul3A_25 = arith.muli %arg1, %mul3A_24 : i32
    %add3A_26 = arith.constant 512 : i32
    %add3A_27 = arith.addi %mul3A_25, %add3A_26 : i32
    "tpu.region"() ({
      %run_scoped3A = tpu.sem_alloc : memref<!tpu.dma_semaphore, #tpu.memory_space<semaphore_mem>>
      %dma_start3A = arith.constant 0 : i32
      %dma_start3A_69 = tpu.memref_slice %arg6[%add3A_27, %dma_start3A] : memref<10240x128xf32, #tpu.memory_space<vmem_shared>> -> memref<128x128xf32, #tpu.memory_space<vmem_shared>>
      %dma_start3A_70 = arith.constant 0 : i32
      %dma_start3A_71 = tpu.memref_slice %arg6[%add3A_27, %dma_start3A_70] : memref<10240x128xf32, #tpu.memory_space<vmem_shared>> -> memref<128x128xf32, #tpu.memory_space<vmem_shared>>
      tpu.enqueue_dma source(%arg9 : memref<128x128xf32, #tpu.memory_space<vmem>>) target(%dma_start3A_71 : memref<128x128xf32, #tpu.memory_space<vmem_shared>>) target_semaphore(%run_scoped3A : memref<!tpu.dma_semaphore, #tpu.memory_space<semaphore_mem>>)
      %dma_wait3A = arith.constant 0 : i32
      %dma_wait3A_72 = tpu.memref_slice %arg6[%add3A_27, %dma_wait3A] : memref<10240x128xf32, #tpu.memory_space<vmem_shared>> -> memref<128x128xf32, #tpu.memory_space<vmem_shared>>
      %dma_wait3A_73 = arith.constant 0 : i32
      %dma_wait3A_74 = tpu.memref_slice %arg6[%add3A_27, %dma_wait3A_73] : memref<10240x128xf32, #tpu.memory_space<vmem_shared>> -> memref<128x128xf32, #tpu.memory_space<vmem_shared>>
      tpu.wait_dma2 semaphore(%run_scoped3A : memref<!tpu.dma_semaphore, #tpu.memory_space<semaphore_mem>>) src(%arg9 : memref<128x128xf32, #tpu.memory_space<vmem>>) dst(%dma_wait3A_74 : memref<128x128xf32, #tpu.memory_space<vmem_shared>>)
      tpu.yield
    }) : () -> ()
    %barrier3A = arith.constant 0 : index
    tpu.barrier barrier_id(%barrier3A)
    %scan3A_28 = arith.constant 0 : i32
    %scan3A_29 = arith.constant 79 : i32
    %scan3A_30 = arith.addi %scan3A_28, %scan3A_29 : i32
    %scan3A_31 = arith.constant 1 : i32
    scf.for %scan3A_69 = %scan3A_28 to %scan3A_30 step %scan3A_31  : i32 {
      %mul3A_70 = arith.constant 1 : i32
      %mul3A_71 = arith.muli %scan3A_69, %mul3A_70 : i32
      %add3A_72 = arith.constant 0 : i32
      %add3A_73 = arith.addi %add3A_72, %mul3A_71 : i32
      %add3A_74 = arith.addi %mul3A_2, %add3A_73 : i32
      %mul3A_75 = arith.constant 128 : i32
      %mul3A_76 = arith.muli %add3A_74, %mul3A_75 : i32
      "tpu.region"() ({
        %run_scoped3A = tpu.sem_alloc : memref<!tpu.dma_semaphore, #tpu.memory_space<semaphore_mem>>
        %dma_start3A_81 = tpu.memref_slice %arg3[%mul3A_76] : memref<323584xi32, #tpu.memory_space<hbm>> -> memref<128xi32, #tpu.memory_space<hbm>>
        %dma_start3A_82 = tpu.memref_slice %arg3[%mul3A_76] : memref<323584xi32, #tpu.memory_space<hbm>> -> memref<128xi32, #tpu.memory_space<hbm>>
        tpu.enqueue_dma source(%dma_start3A_82 : memref<128xi32, #tpu.memory_space<hbm>>) target(%arg7 : memref<128xi32, #tpu.memory_space<vmem>>) target_semaphore(%run_scoped3A : memref<!tpu.dma_semaphore, #tpu.memory_space<semaphore_mem>>)
        %dma_wait3A_83 = tpu.memref_slice %arg3[%mul3A_76] : memref<323584xi32, #tpu.memory_space<hbm>> -> memref<128xi32, #tpu.memory_space<hbm>>
        %dma_wait3A_84 = tpu.memref_slice %arg3[%mul3A_76] : memref<323584xi32, #tpu.memory_space<hbm>> -> memref<128xi32, #tpu.memory_space<hbm>>
        tpu.wait_dma2 semaphore(%run_scoped3A : memref<!tpu.dma_semaphore, #tpu.memory_space<semaphore_mem>>) src(%dma_wait3A_84 : memref<128xi32, #tpu.memory_space<hbm>>) dst(%arg7 : memref<128xi32, #tpu.memory_space<vmem>>)
        tpu.yield
      }) : () -> ()
      "tpu.region"() ({
        %run_scoped3A = tpu.sem_alloc : memref<!tpu.dma_semaphore, #tpu.memory_space<semaphore_mem>>
        %dma_start3A_81 = tpu.memref_slice %arg4[%mul3A_76] : memref<323584xi32, #tpu.memory_space<hbm>> -> memref<128xi32, #tpu.memory_space<hbm>>
        %dma_start3A_82 = tpu.memref_slice %arg4[%mul3A_76] : memref<323584xi32, #tpu.memory_space<hbm>> -> memref<128xi32, #tpu.memory_space<hbm>>
        tpu.enqueue_dma source(%dma_start3A_82 : memref<128xi32, #tpu.memory_space<hbm>>) target(%arg8 : memref<128xi32, #tpu.memory_space<vmem>>) target_semaphore(%run_scoped3A : memref<!tpu.dma_semaphore, #tpu.memory_space<semaphore_mem>>)
        %dma_wait3A_83 = tpu.memref_slice %arg4[%mul3A_76] : memref<323584xi32, #tpu.memory_space<hbm>> -> memref<128xi32, #tpu.memory_space<hbm>>
        %dma_wait3A_84 = tpu.memref_slice %arg4[%mul3A_76] : memref<323584xi32, #tpu.memory_space<hbm>> -> memref<128xi32, #tpu.memory_space<hbm>>
        tpu.wait_dma2 semaphore(%run_scoped3A : memref<!tpu.dma_semaphore, #tpu.memory_space<semaphore_mem>>) src(%dma_wait3A_84 : memref<128xi32, #tpu.memory_space<hbm>>) dst(%arg8 : memref<128xi32, #tpu.memory_space<vmem>>)
        tpu.yield
      }) : () -> ()
      %dma_start3A = arith.constant 0 : i32
      %dma_start3A_77 = arith.constant 0 : i32
      %dma_start3A_78 = tpu.memref_slice %arg2[%dma_start3A, %dma_start3A_77] : memref<10240x128xf32, #tpu.memory_space<hbm>> -> memref<10240x128xf32, #tpu.memory_space<hbm>>
      tpu.enqueue_indirect_dma source(%dma_start3A_78 : memref<10240x128xf32, #tpu.memory_space<hbm>>) target(%arg9 : memref<128x128xf32, #tpu.memory_space<vmem>>) offsets(%arg7 : memref<128xi32, #tpu.memory_space<vmem>>) semaphore(%arg10 : memref<!tpu.dma_semaphore, #tpu.memory_space<semaphore_mem>>)
      %dma_wait3A = arith.constant 0 : i32
      %dma_wait3A_79 = arith.constant 0 : i32
      %dma_wait3A_80 = tpu.memref_slice %arg2[%dma_wait3A, %dma_wait3A_79] : memref<10240x128xf32, #tpu.memory_space<hbm>> -> memref<10240x128xf32, #tpu.memory_space<hbm>>
      tpu.wait_indirect_dma semaphore(%arg10 : memref<!tpu.dma_semaphore, #tpu.memory_space<semaphore_mem>>) src(%dma_wait3A_80 : memref<10240x128xf32, #tpu.memory_space<hbm>>) dst(%arg9 : memref<128x128xf32, #tpu.memory_space<vmem>>)
      "tpu.region"() ({
        %run_scoped3A = tpu.sem_alloc : memref<!tpu.dma_semaphore, #tpu.memory_space<semaphore_mem>>
        %dma_start3A_81 = arith.constant 0 : i32
        %dma_start3A_82 = arith.constant 0 : i32
        %dma_start3A_83 = tpu.memref_slice %arg6[%dma_start3A_81, %dma_start3A_82] : memref<10240x128xf32, #tpu.memory_space<vmem_shared>> -> memref<10240x128xf32, #tpu.memory_space<vmem_shared>>
        tpu.enqueue_indirect_dma source(%arg9 : memref<128x128xf32, #tpu.memory_space<vmem>>) target(%dma_start3A_83 : memref<10240x128xf32, #tpu.memory_space<vmem_shared>>) offsets(%arg8 : memref<128xi32, #tpu.memory_space<vmem>>) semaphore(%run_scoped3A : memref<!tpu.dma_semaphore, #tpu.memory_space<semaphore_mem>>) {add = true}
        %dma_wait3A_84 = arith.constant 0 : i32
        %dma_wait3A_85 = arith.constant 0 : i32
        %dma_wait3A_86 = tpu.memref_slice %arg6[%dma_wait3A_84, %dma_wait3A_85] : memref<10240x128xf32, #tpu.memory_space<vmem_shared>> -> memref<10240x128xf32, #tpu.memory_space<vmem_shared>>
        tpu.wait_indirect_dma semaphore(%run_scoped3A : memref<!tpu.dma_semaphore, #tpu.memory_space<semaphore_mem>>) src(%arg9 : memref<128x128xf32, #tpu.memory_space<vmem>>) dst(%dma_wait3A_86 : memref<10240x128xf32, #tpu.memory_space<vmem_shared>>)
        tpu.yield
      }) : () -> ()
    }
    %scan3A_32 = arith.constant 79 : i32
    %barrier3A_33 = arith.constant 0 : index
    tpu.barrier barrier_id(%barrier3A_33)
    %mul3A_34 = arith.constant 640 : i32
    %mul3A_35 = arith.muli %arg1, %mul3A_34 : i32
    %add3A_36 = arith.constant 0 : i32
    %add3A_37 = arith.addi %mul3A_35, %add3A_36 : i32
    %mul3A_38 = arith.constant 10240 : i32
    %mul3A_39 = arith.muli %arg0, %mul3A_38 : i32
    %add3A_40 = arith.addi %mul3A_39, %add3A_37 : i32
    "tpu.region"() ({
      %run_scoped3A = tpu.sem_alloc : memref<!tpu.dma_semaphore, #tpu.memory_space<semaphore_mem>>
      %dma_start3A = arith.constant 0 : i32
      %dma_start3A_69 = tpu.memref_slice %arg5[%add3A_40, %dma_start3A] : memref<20480x128xf32, #tpu.memory_space<hbm>> -> memref<128x128xf32, #tpu.memory_space<hbm>>
      %dma_start3A_70 = arith.constant 0 : i32
      %dma_start3A_71 = tpu.memref_slice %arg6[%add3A_37, %dma_start3A_70] : memref<10240x128xf32, #tpu.memory_space<vmem_shared>> -> memref<128x128xf32, #tpu.memory_space<vmem_shared>>
      tpu.enqueue_dma source(%dma_start3A_71 : memref<128x128xf32, #tpu.memory_space<vmem_shared>>) target(%dma_start3A_69 : memref<128x128xf32, #tpu.memory_space<hbm>>) target_semaphore(%run_scoped3A : memref<!tpu.dma_semaphore, #tpu.memory_space<semaphore_mem>>)
      %dma_wait3A = arith.constant 0 : i32
      %dma_wait3A_72 = tpu.memref_slice %arg5[%add3A_40, %dma_wait3A] : memref<20480x128xf32, #tpu.memory_space<hbm>> -> memref<128x128xf32, #tpu.memory_space<hbm>>
      %dma_wait3A_73 = arith.constant 0 : i32
      %dma_wait3A_74 = tpu.memref_slice %arg6[%add3A_37, %dma_wait3A_73] : memref<10240x128xf32, #tpu.memory_space<vmem_shared>> -> memref<128x128xf32, #tpu.memory_space<vmem_shared>>
      tpu.wait_dma2 semaphore(%run_scoped3A : memref<!tpu.dma_semaphore, #tpu.memory_space<semaphore_mem>>) src(%dma_wait3A_74 : memref<128x128xf32, #tpu.memory_space<vmem_shared>>) dst(%dma_wait3A_72 : memref<128x128xf32, #tpu.memory_space<hbm>>)
      tpu.yield
    }) : () -> ()
    %mul3A_41 = arith.constant 640 : i32
    %mul3A_42 = arith.muli %arg1, %mul3A_41 : i32
    %add3A_43 = arith.constant 128 : i32
    %add3A_44 = arith.addi %mul3A_42, %add3A_43 : i32
    %mul3A_45 = arith.constant 10240 : i32
    %mul3A_46 = arith.muli %arg0, %mul3A_45 : i32
    %add3A_47 = arith.addi %mul3A_46, %add3A_44 : i32
    "tpu.region"() ({
      %run_scoped3A = tpu.sem_alloc : memref<!tpu.dma_semaphore, #tpu.memory_space<semaphore_mem>>
      %dma_start3A = arith.constant 0 : i32
      %dma_start3A_69 = tpu.memref_slice %arg5[%add3A_47, %dma_start3A] : memref<20480x128xf32, #tpu.memory_space<hbm>> -> memref<128x128xf32, #tpu.memory_space<hbm>>
      %dma_start3A_70 = arith.constant 0 : i32
      %dma_start3A_71 = tpu.memref_slice %arg6[%add3A_44, %dma_start3A_70] : memref<10240x128xf32, #tpu.memory_space<vmem_shared>> -> memref<128x128xf32, #tpu.memory_space<vmem_shared>>
      tpu.enqueue_dma source(%dma_start3A_71 : memref<128x128xf32, #tpu.memory_space<vmem_shared>>) target(%dma_start3A_69 : memref<128x128xf32, #tpu.memory_space<hbm>>) target_semaphore(%run_scoped3A : memref<!tpu.dma_semaphore, #tpu.memory_space<semaphore_mem>>)
      %dma_wait3A = arith.constant 0 : i32
      %dma_wait3A_72 = tpu.memref_slice %arg5[%add3A_47, %dma_wait3A] : memref<20480x128xf32, #tpu.memory_space<hbm>> -> memref<128x128xf32, #tpu.memory_space<hbm>>
      %dma_wait3A_73 = arith.constant 0 : i32
      %dma_wait3A_74 = tpu.memref_slice %arg6[%add3A_44, %dma_wait3A_73] : memref<10240x128xf32, #tpu.memory_space<vmem_shared>> -> memref<128x128xf32, #tpu.memory_space<vmem_shared>>
      tpu.wait_dma2 semaphore(%run_scoped3A : memref<!tpu.dma_semaphore, #tpu.memory_space<semaphore_mem>>) src(%dma_wait3A_74 : memref<128x128xf32, #tpu.memory_space<vmem_shared>>) dst(%dma_wait3A_72 : memref<128x128xf32, #tpu.memory_space<hbm>>)
      tpu.yield
    }) : () -> ()
    %mul3A_48 = arith.constant 640 : i32
    %mul3A_49 = arith.muli %arg1, %mul3A_48 : i32
    %add3A_50 = arith.constant 256 : i32
    %add3A_51 = arith.addi %mul3A_49, %add3A_50 : i32
    %mul3A_52 = arith.constant 10240 : i32
    %mul3A_53 = arith.muli %arg0, %mul3A_52 : i32
    %add3A_54 = arith.addi %mul3A_53, %add3A_51 : i32
    "tpu.region"() ({
      %run_scoped3A = tpu.sem_alloc : memref<!tpu.dma_semaphore, #tpu.memory_space<semaphore_mem>>
      %dma_start3A = arith.constant 0 : i32
      %dma_start3A_69 = tpu.memref_slice %arg5[%add3A_54, %dma_start3A] : memref<20480x128xf32, #tpu.memory_space<hbm>> -> memref<128x128xf32, #tpu.memory_space<hbm>>
      %dma_start3A_70 = arith.constant 0 : i32
      %dma_start3A_71 = tpu.memref_slice %arg6[%add3A_51, %dma_start3A_70] : memref<10240x128xf32, #tpu.memory_space<vmem_shared>> -> memref<128x128xf32, #tpu.memory_space<vmem_shared>>
      tpu.enqueue_dma source(%dma_start3A_71 : memref<128x128xf32, #tpu.memory_space<vmem_shared>>) target(%dma_start3A_69 : memref<128x128xf32, #tpu.memory_space<hbm>>) target_semaphore(%run_scoped3A : memref<!tpu.dma_semaphore, #tpu.memory_space<semaphore_mem>>)
      %dma_wait3A = arith.constant 0 : i32
      %dma_wait3A_72 = tpu.memref_slice %arg5[%add3A_54, %dma_wait3A] : memref<20480x128xf32, #tpu.memory_space<hbm>> -> memref<128x128xf32, #tpu.memory_space<hbm>>
      %dma_wait3A_73 = arith.constant 0 : i32
      %dma_wait3A_74 = tpu.memref_slice %arg6[%add3A_51, %dma_wait3A_73] : memref<10240x128xf32, #tpu.memory_space<vmem_shared>> -> memref<128x128xf32, #tpu.memory_space<vmem_shared>>
      tpu.wait_dma2 semaphore(%run_scoped3A : memref<!tpu.dma_semaphore, #tpu.memory_space<semaphore_mem>>) src(%dma_wait3A_74 : memref<128x128xf32, #tpu.memory_space<vmem_shared>>) dst(%dma_wait3A_72 : memref<128x128xf32, #tpu.memory_space<hbm>>)
      tpu.yield
    }) : () -> ()
    %mul3A_55 = arith.constant 640 : i32
    %mul3A_56 = arith.muli %arg1, %mul3A_55 : i32
    %add3A_57 = arith.constant 384 : i32
    %add3A_58 = arith.addi %mul3A_56, %add3A_57 : i32
    %mul3A_59 = arith.constant 10240 : i32
    %mul3A_60 = arith.muli %arg0, %mul3A_59 : i32
    %add3A_61 = arith.addi %mul3A_60, %add3A_58 : i32
    "tpu.region"() ({
      %run_scoped3A = tpu.sem_alloc : memref<!tpu.dma_semaphore, #tpu.memory_space<semaphore_mem>>
      %dma_start3A = arith.constant 0 : i32
      %dma_start3A_69 = tpu.memref_slice %arg5[%add3A_61, %dma_start3A] : memref<20480x128xf32, #tpu.memory_space<hbm>> -> memref<128x128xf32, #tpu.memory_space<hbm>>
      %dma_start3A_70 = arith.constant 0 : i32
      %dma_start3A_71 = tpu.memref_slice %arg6[%add3A_58, %dma_start3A_70] : memref<10240x128xf32, #tpu.memory_space<vmem_shared>> -> memref<128x128xf32, #tpu.memory_space<vmem_shared>>
      tpu.enqueue_dma source(%dma_start3A_71 : memref<128x128xf32, #tpu.memory_space<vmem_shared>>) target(%dma_start3A_69 : memref<128x128xf32, #tpu.memory_space<hbm>>) target_semaphore(%run_scoped3A : memref<!tpu.dma_semaphore, #tpu.memory_space<semaphore_mem>>)
      %dma_wait3A = arith.constant 0 : i32
      %dma_wait3A_72 = tpu.memref_slice %arg5[%add3A_61, %dma_wait3A] : memref<20480x128xf32, #tpu.memory_space<hbm>> -> memref<128x128xf32, #tpu.memory_space<hbm>>
      %dma_wait3A_73 = arith.constant 0 : i32
      %dma_wait3A_74 = tpu.memref_slice %arg6[%add3A_58, %dma_wait3A_73] : memref<10240x128xf32, #tpu.memory_space<vmem_shared>> -> memref<128x128xf32, #tpu.memory_space<vmem_shared>>
      tpu.wait_dma2 semaphore(%run_scoped3A : memref<!tpu.dma_semaphore, #tpu.memory_space<semaphore_mem>>) src(%dma_wait3A_74 : memref<128x128xf32, #tpu.memory_space<vmem_shared>>) dst(%dma_wait3A_72 : memref<128x128xf32, #tpu.memory_space<hbm>>)
      tpu.yield
    }) : () -> ()
    %mul3A_62 = arith.constant 640 : i32
    %mul3A_63 = arith.muli %arg1, %mul3A_62 : i32
    %add3A_64 = arith.constant 512 : i32
    %add3A_65 = arith.addi %mul3A_63, %add3A_64 : i32
    %mul3A_66 = arith.constant 10240 : i32
    %mul3A_67 = arith.muli %arg0, %mul3A_66 : i32
    %add3A_68 = arith.addi %mul3A_67, %add3A_65 : i32
    "tpu.region"() ({
      %run_scoped3A = tpu.sem_alloc : memref<!tpu.dma_semaphore, #tpu.memory_space<semaphore_mem>>
      %dma_start3A = arith.constant 0 : i32
      %dma_start3A_69 = tpu.memref_slice %arg5[%add3A_68, %dma_start3A] : memref<20480x128xf32, #tpu.memory_space<hbm>> -> memref<128x128xf32, #tpu.memory_space<hbm>>
      %dma_start3A_70 = arith.constant 0 : i32
      %dma_start3A_71 = tpu.memref_slice %arg6[%add3A_65, %dma_start3A_70] : memref<10240x128xf32, #tpu.memory_space<vmem_shared>> -> memref<128x128xf32, #tpu.memory_space<vmem_shared>>
      tpu.enqueue_dma source(%dma_start3A_71 : memref<128x128xf32, #tpu.memory_space<vmem_shared>>) target(%dma_start3A_69 : memref<128x128xf32, #tpu.memory_space<hbm>>) target_semaphore(%run_scoped3A : memref<!tpu.dma_semaphore, #tpu.memory_space<semaphore_mem>>)
      %dma_wait3A = arith.constant 0 : i32
      %dma_wait3A_72 = tpu.memref_slice %arg5[%add3A_68, %dma_wait3A] : memref<20480x128xf32, #tpu.memory_space<hbm>> -> memref<128x128xf32, #tpu.memory_space<hbm>>
      %dma_wait3A_73 = arith.constant 0 : i32
      %dma_wait3A_74 = tpu.memref_slice %arg6[%add3A_65, %dma_wait3A_73] : memref<10240x128xf32, #tpu.memory_space<vmem_shared>> -> memref<128x128xf32, #tpu.memory_space<vmem_shared>>
      tpu.wait_dma2 semaphore(%run_scoped3A : memref<!tpu.dma_semaphore, #tpu.memory_space<semaphore_mem>>) src(%dma_wait3A_74 : memref<128x128xf32, #tpu.memory_space<vmem_shared>>) dst(%dma_wait3A_72 : memref<128x128xf32, #tpu.memory_space<hbm>>)
      tpu.yield
    }) : () -> ()
    return
  }
}

#map = affine_map<(d0, d1) -> (0, 0)>
#map1 = affine_map<(d0, d1) -> (0)>
module attributes {stable_mosaic.version = 14 : i64} {
  func.func @_sc_agg_body(%arg0: i32, %arg1: i32, %arg2: memref<10240x128xf32, #tpu.memory_space<hbm>>, %arg3: memref<323584xi32, #tpu.memory_space<hbm>>, %arg4: memref<323584xi32, #tpu.memory_space<hbm>>, %arg5: memref<20480x128xf32, #tpu.memory_space<hbm>>, %arg6: memref<10240x128xf32, #tpu.memory_space<vmem_shared>>, %arg7: memref<128xi32, #tpu.memory_space<vmem>>, %arg8: memref<128xi32, #tpu.memory_space<vmem>>, %arg9: memref<128x128xf32, #tpu.memory_space<vmem>>, %arg10: memref<!tpu.dma_semaphore, #tpu.memory_space<semaphore_mem>>) attributes {dimension_semantics = [#tpu.dimension_semantics<core_parallel>, #tpu.dimension_semantics<subcore_parallel>], iteration_bounds = array<i64: 2, 16>, scalar_prefetch = 0 : i64, scratch_operands = 5 : i64, tpu.core_type = #tpu.core_type<sc_vector_subcore>, window_params = [{transform_indices = #map}, {transform_indices = #map1}, {transform_indices = #map1}, {transform_indices = #map}]} {
    %mul3A = arith.constant 2 : i32
    %mul3A_0 = arith.muli %arg1, %mul3A : i32
    %add3A = arith.addi %mul3A_0, %arg0 : i32
    %mul3A_1 = arith.constant 79 : i32
    %mul3A_2 = arith.muli %add3A, %mul3A_1 : i32
    %broadcast_in_dim3A = arith.constant 0.000000e+00 : f32
    %broadcast_in_dim3A_3 = vector.broadcast %broadcast_in_dim3A : f32 to vector<16xf32>
    %scan3A = arith.constant 0 : i32
    %scan3A_4 = arith.constant 128 : i32
    %scan3A_5 = arith.addi %scan3A, %scan3A_4 : i32
    %scan3A_6 = arith.constant 1 : i32
    scf.for %scan3A_69 = %scan3A to %scan3A_5 step %scan3A_6  : i32 {
      %mul3A_70 = arith.constant 1 : i32
      %mul3A_71 = arith.muli %scan3A_69, %mul3A_70 : i32
      %add3A_72 = arith.constant 0 : i32
      %add3A_73 = arith.addi %add3A_72, %mul3A_71 : i32
      %swap3A = arith.index_cast %add3A_73 : i32 to index
      %swap3A_74 = arith.constant 0 : index
      %swap3A_75 = tpu.vector_load %arg9[%swap3A, %swap3A_74] {strides = array<i32>} : memref<128x128xf32, #tpu.memory_space<vmem>>, vector<1x16xf32>,
      %swap3A_76 = vector.shape_cast %swap3A_75 : vector<1x16xf32> to vector<16xf32>
      %swap3A_77 = vector.shape_cast %broadcast_in_dim3A_3 : vector<16xf32> to vector<1x16xf32>
      tpu.vector_store %arg9[%swap3A, %swap3A_74], %swap3A_77 {strides = array<i32>} : memref<128x128xf32, #tpu.memory_space<vmem>>, vector<1x16xf32>,
      %swap3A_78 = arith.index_cast %add3A_73 : i32 to index
      %swap3A_79 = arith.constant 16 : index
      %swap3A_80 = tpu.vector_load %arg9[%swap3A_78, %swap3A_79] {strides = array<i32>} : memref<128x128xf32, #tpu.memory_space<vmem>>, vector<1x16xf32>,
      %swap3A_81 = vector.shape_cast %swap3A_80 : vector<1x16xf32> to vector<16xf32>
      %swap3A_82 = vector.shape_cast %broadcast_in_dim3A_3 : vector<16xf32> to vector<1x16xf32>
      tpu.vector_store %arg9[%swap3A_78, %swap3A_79], %swap3A_82 {strides = array<i32>} : memref<128x128xf32, #tpu.memory_space<vmem>>, vector<1x16xf32>,
      %swap3A_83 = arith.index_cast %add3A_73 : i32 to index
      %swap3A_84 = arith.constant 32 : index
      %swap3A_85 = tpu.vector_load %arg9[%swap3A_83, %swap3A_84] {strides = array<i32>} : memref<128x128xf32, #tpu.memory_space<vmem>>, vector<1x16xf32>,
      %swap3A_86 = vector.shape_cast %swap3A_85 : vector<1x16xf32> to vector<16xf32>
      %swap3A_87 = vector.shape_cast %broadcast_in_dim3A_3 : vector<16xf32> to vector<1x16xf32>
      tpu.vector_store %arg9[%swap3A_83, %swap3A_84], %swap3A_87 {strides = array<i32>} : memref<128x128xf32, #tpu.memory_space<vmem>>, vector<1x16xf32>,
      %swap3A_88 = arith.index_cast %add3A_73 : i32 to index
      %swap3A_89 = arith.constant 48 : index
      %swap3A_90 = tpu.vector_load %arg9[%swap3A_88, %swap3A_89] {strides = array<i32>} : memref<128x128xf32, #tpu.memory_space<vmem>>, vector<1x16xf32>,
      %swap3A_91 = vector.shape_cast %swap3A_90 : vector<1x16xf32> to vector<16xf32>
      %swap3A_92 = vector.shape_cast %broadcast_in_dim3A_3 : vector<16xf32> to vector<1x16xf32>
      tpu.vector_store %arg9[%swap3A_88, %swap3A_89], %swap3A_92 {strides = array<i32>} : memref<128x128xf32, #tpu.memory_space<vmem>>, vector<1x16xf32>,
      %swap3A_93 = arith.index_cast %add3A_73 : i32 to index
      %swap3A_94 = arith.constant 64 : index
      %swap3A_95 = tpu.vector_load %arg9[%swap3A_93, %swap3A_94] {strides = array<i32>} : memref<128x128xf32, #tpu.memory_space<vmem>>, vector<1x16xf32>,
      %swap3A_96 = vector.shape_cast %swap3A_95 : vector<1x16xf32> to vector<16xf32>
      %swap3A_97 = vector.shape_cast %broadcast_in_dim3A_3 : vector<16xf32> to vector<1x16xf32>
      tpu.vector_store %arg9[%swap3A_93, %swap3A_94], %swap3A_97 {strides = array<i32>} : memref<128x128xf32, #tpu.memory_space<vmem>>, vector<1x16xf32>,
      %swap3A_98 = arith.index_cast %add3A_73 : i32 to index
      %swap3A_99 = arith.constant 80 : index
      %swap3A_100 = tpu.vector_load %arg9[%swap3A_98, %swap3A_99] {strides = array<i32>} : memref<128x128xf32, #tpu.memory_space<vmem>>, vector<1x16xf32>,
      %swap3A_101 = vector.shape_cast %swap3A_100 : vector<1x16xf32> to vector<16xf32>
      %swap3A_102 = vector.shape_cast %broadcast_in_dim3A_3 : vector<16xf32> to vector<1x16xf32>
      tpu.vector_store %arg9[%swap3A_98, %swap3A_99], %swap3A_102 {strides = array<i32>} : memref<128x128xf32, #tpu.memory_space<vmem>>, vector<1x16xf32>,
      %swap3A_103 = arith.index_cast %add3A_73 : i32 to index
      %swap3A_104 = arith.constant 96 : index
      %swap3A_105 = tpu.vector_load %arg9[%swap3A_103, %swap3A_104] {strides = array<i32>} : memref<128x128xf32, #tpu.memory_space<vmem>>, vector<1x16xf32>,
      %swap3A_106 = vector.shape_cast %swap3A_105 : vector<1x16xf32> to vector<16xf32>
      %swap3A_107 = vector.shape_cast %broadcast_in_dim3A_3 : vector<16xf32> to vector<1x16xf32>
      tpu.vector_store %arg9[%swap3A_103, %swap3A_104], %swap3A_107 {strides = array<i32>} : memref<128x128xf32, #tpu.memory_space<vmem>>, vector<1x16xf32>,
      %swap3A_108 = arith.index_cast %add3A_73 : i32 to index
      %swap3A_109 = arith.constant 112 : index
      %swap3A_110 = tpu.vector_load %arg9[%swap3A_108, %swap3A_109] {strides = array<i32>} : memref<128x128xf32, #tpu.memory_space<vmem>>, vector<1x16xf32>,
      %swap3A_111 = vector.shape_cast %swap3A_110 : vector<1x16xf32> to vector<16xf32>
      %swap3A_112 = vector.shape_cast %broadcast_in_dim3A_3 : vector<16xf32> to vector<1x16xf32>
      tpu.vector_store %arg9[%swap3A_108, %swap3A_109], %swap3A_112 {strides = array<i32>} : memref<128x128xf32, #tpu.memory_space<vmem>>, vector<1x16xf32>,
    }
    %scan3A_7 = arith.constant 128 : i32
    %mul3A_8 = arith.constant 640 : i32
    %mul3A_9 = arith.muli %arg1, %mul3A_8 : i32
    %add3A_10 = arith.constant 0 : i32
    %add3A_11 = arith.addi %mul3A_9, %add3A_10 : i32
    "tpu.region"() ({
      %run_scoped3A = tpu.sem_alloc : memref<!tpu.dma_semaphore, #tpu.memory_space<semaphore_mem>>
      %dma_start3A = arith.constant 0 : i32
      %dma_start3A_69 = tpu.memref_slice %arg6[%add3A_11, %dma_start3A] : memref<10240x128xf32, #tpu.memory_space<vmem_shared>> -> memref<128x128xf32, #tpu.memory_space<vmem_shared>>
      %dma_start3A_70 = arith.constant 0 : i32
      %dma_start3A_71 = tpu.memref_slice %arg6[%add3A_11, %dma_start3A_70] : memref<10240x128xf32, #tpu.memory_space<vmem_shared>> -> memref<128x128xf32, #tpu.memory_space<vmem_shared>>
      tpu.enqueue_dma source(%arg9 : memref<128x128xf32, #tpu.memory_space<vmem>>) target(%dma_start3A_71 : memref<128x128xf32, #tpu.memory_space<vmem_shared>>) target_semaphore(%run_scoped3A : memref<!tpu.dma_semaphore, #tpu.memory_space<semaphore_mem>>)
      %dma_wait3A = arith.constant 0 : i32
      %dma_wait3A_72 = tpu.memref_slice %arg6[%add3A_11, %dma_wait3A] : memref<10240x128xf32, #tpu.memory_space<vmem_shared>> -> memref<128x128xf32, #tpu.memory_space<vmem_shared>>
      %dma_wait3A_73 = arith.constant 0 : i32
      %dma_wait3A_74 = tpu.memref_slice %arg6[%add3A_11, %dma_wait3A_73] : memref<10240x128xf32, #tpu.memory_space<vmem_shared>> -> memref<128x128xf32, #tpu.memory_space<vmem_shared>>
      tpu.wait_dma2 semaphore(%run_scoped3A : memref<!tpu.dma_semaphore, #tpu.memory_space<semaphore_mem>>) src(%arg9 : memref<128x128xf32, #tpu.memory_space<vmem>>) dst(%dma_wait3A_74 : memref<128x128xf32, #tpu.memory_space<vmem_shared>>)
      tpu.yield
    }) : () -> ()
    %mul3A_12 = arith.constant 640 : i32
    %mul3A_13 = arith.muli %arg1, %mul3A_12 : i32
    %add3A_14 = arith.constant 128 : i32
    %add3A_15 = arith.addi %mul3A_13, %add3A_14 : i32
    "tpu.region"() ({
      %run_scoped3A = tpu.sem_alloc : memref<!tpu.dma_semaphore, #tpu.memory_space<semaphore_mem>>
      %dma_start3A = arith.constant 0 : i32
      %dma_start3A_69 = tpu.memref_slice %arg6[%add3A_15, %dma_start3A] : memref<10240x128xf32, #tpu.memory_space<vmem_shared>> -> memref<128x128xf32, #tpu.memory_space<vmem_shared>>
      %dma_start3A_70 = arith.constant 0 : i32
      %dma_start3A_71 = tpu.memref_slice %arg6[%add3A_15, %dma_start3A_70] : memref<10240x128xf32, #tpu.memory_space<vmem_shared>> -> memref<128x128xf32, #tpu.memory_space<vmem_shared>>
      tpu.enqueue_dma source(%arg9 : memref<128x128xf32, #tpu.memory_space<vmem>>) target(%dma_start3A_71 : memref<128x128xf32, #tpu.memory_space<vmem_shared>>) target_semaphore(%run_scoped3A : memref<!tpu.dma_semaphore, #tpu.memory_space<semaphore_mem>>)
      %dma_wait3A = arith.constant 0 : i32
      %dma_wait3A_72 = tpu.memref_slice %arg6[%add3A_15, %dma_wait3A] : memref<10240x128xf32, #tpu.memory_space<vmem_shared>> -> memref<128x128xf32, #tpu.memory_space<vmem_shared>>
      %dma_wait3A_73 = arith.constant 0 : i32
      %dma_wait3A_74 = tpu.memref_slice %arg6[%add3A_15, %dma_wait3A_73] : memref<10240x128xf32, #tpu.memory_space<vmem_shared>> -> memref<128x128xf32, #tpu.memory_space<vmem_shared>>
      tpu.wait_dma2 semaphore(%run_scoped3A : memref<!tpu.dma_semaphore, #tpu.memory_space<semaphore_mem>>) src(%arg9 : memref<128x128xf32, #tpu.memory_space<vmem>>) dst(%dma_wait3A_74 : memref<128x128xf32, #tpu.memory_space<vmem_shared>>)
      tpu.yield
    }) : () -> ()
    %mul3A_16 = arith.constant 640 : i32
    %mul3A_17 = arith.muli %arg1, %mul3A_16 : i32
    %add3A_18 = arith.constant 256 : i32
    %add3A_19 = arith.addi %mul3A_17, %add3A_18 : i32
    "tpu.region"() ({
      %run_scoped3A = tpu.sem_alloc : memref<!tpu.dma_semaphore, #tpu.memory_space<semaphore_mem>>
      %dma_start3A = arith.constant 0 : i32
      %dma_start3A_69 = tpu.memref_slice %arg6[%add3A_19, %dma_start3A] : memref<10240x128xf32, #tpu.memory_space<vmem_shared>> -> memref<128x128xf32, #tpu.memory_space<vmem_shared>>
      %dma_start3A_70 = arith.constant 0 : i32
      %dma_start3A_71 = tpu.memref_slice %arg6[%add3A_19, %dma_start3A_70] : memref<10240x128xf32, #tpu.memory_space<vmem_shared>> -> memref<128x128xf32, #tpu.memory_space<vmem_shared>>
      tpu.enqueue_dma source(%arg9 : memref<128x128xf32, #tpu.memory_space<vmem>>) target(%dma_start3A_71 : memref<128x128xf32, #tpu.memory_space<vmem_shared>>) target_semaphore(%run_scoped3A : memref<!tpu.dma_semaphore, #tpu.memory_space<semaphore_mem>>)
      %dma_wait3A = arith.constant 0 : i32
      %dma_wait3A_72 = tpu.memref_slice %arg6[%add3A_19, %dma_wait3A] : memref<10240x128xf32, #tpu.memory_space<vmem_shared>> -> memref<128x128xf32, #tpu.memory_space<vmem_shared>>
      %dma_wait3A_73 = arith.constant 0 : i32
      %dma_wait3A_74 = tpu.memref_slice %arg6[%add3A_19, %dma_wait3A_73] : memref<10240x128xf32, #tpu.memory_space<vmem_shared>> -> memref<128x128xf32, #tpu.memory_space<vmem_shared>>
      tpu.wait_dma2 semaphore(%run_scoped3A : memref<!tpu.dma_semaphore, #tpu.memory_space<semaphore_mem>>) src(%arg9 : memref<128x128xf32, #tpu.memory_space<vmem>>) dst(%dma_wait3A_74 : memref<128x128xf32, #tpu.memory_space<vmem_shared>>)
      tpu.yield
    }) : () -> ()
    %mul3A_20 = arith.constant 640 : i32
    %mul3A_21 = arith.muli %arg1, %mul3A_20 : i32
    %add3A_22 = arith.constant 384 : i32
    %add3A_23 = arith.addi %mul3A_21, %add3A_22 : i32
    "tpu.region"() ({
      %run_scoped3A = tpu.sem_alloc : memref<!tpu.dma_semaphore, #tpu.memory_space<semaphore_mem>>
      %dma_start3A = arith.constant 0 : i32
      %dma_start3A_69 = tpu.memref_slice %arg6[%add3A_23, %dma_start3A] : memref<10240x128xf32, #tpu.memory_space<vmem_shared>> -> memref<128x128xf32, #tpu.memory_space<vmem_shared>>
      %dma_start3A_70 = arith.constant 0 : i32
      %dma_start3A_71 = tpu.memref_slice %arg6[%add3A_23, %dma_start3A_70] : memref<10240x128xf32, #tpu.memory_space<vmem_shared>> -> memref<128x128xf32, #tpu.memory_space<vmem_shared>>
      tpu.enqueue_dma source(%arg9 : memref<128x128xf32, #tpu.memory_space<vmem>>) target(%dma_start3A_71 : memref<128x128xf32, #tpu.memory_space<vmem_shared>>) target_semaphore(%run_scoped3A : memref<!tpu.dma_semaphore, #tpu.memory_space<semaphore_mem>>)
      %dma_wait3A = arith.constant 0 : i32
      %dma_wait3A_72 = tpu.memref_slice %arg6[%add3A_23, %dma_wait3A] : memref<10240x128xf32, #tpu.memory_space<vmem_shared>> -> memref<128x128xf32, #tpu.memory_space<vmem_shared>>
      %dma_wait3A_73 = arith.constant 0 : i32
      %dma_wait3A_74 = tpu.memref_slice %arg6[%add3A_23, %dma_wait3A_73] : memref<10240x128xf32, #tpu.memory_space<vmem_shared>> -> memref<128x128xf32, #tpu.memory_space<vmem_shared>>
      tpu.wait_dma2 semaphore(%run_scoped3A : memref<!tpu.dma_semaphore, #tpu.memory_space<semaphore_mem>>) src(%arg9 : memref<128x128xf32, #tpu.memory_space<vmem>>) dst(%dma_wait3A_74 : memref<128x128xf32, #tpu.memory_space<vmem_shared>>)
      tpu.yield
    }) : () -> ()
    %mul3A_24 = arith.constant 640 : i32
    %mul3A_25 = arith.muli %arg1, %mul3A_24 : i32
    %add3A_26 = arith.constant 512 : i32
    %add3A_27 = arith.addi %mul3A_25, %add3A_26 : i32
    "tpu.region"() ({
      %run_scoped3A = tpu.sem_alloc : memref<!tpu.dma_semaphore, #tpu.memory_space<semaphore_mem>>
      %dma_start3A = arith.constant 0 : i32
      %dma_start3A_69 = tpu.memref_slice %arg6[%add3A_27, %dma_start3A] : memref<10240x128xf32, #tpu.memory_space<vmem_shared>> -> memref<128x128xf32, #tpu.memory_space<vmem_shared>>
      %dma_start3A_70 = arith.constant 0 : i32
      %dma_start3A_71 = tpu.memref_slice %arg6[%add3A_27, %dma_start3A_70] : memref<10240x128xf32, #tpu.memory_space<vmem_shared>> -> memref<128x128xf32, #tpu.memory_space<vmem_shared>>
      tpu.enqueue_dma source(%arg9 : memref<128x128xf32, #tpu.memory_space<vmem>>) target(%dma_start3A_71 : memref<128x128xf32, #tpu.memory_space<vmem_shared>>) target_semaphore(%run_scoped3A : memref<!tpu.dma_semaphore, #tpu.memory_space<semaphore_mem>>)
      %dma_wait3A = arith.constant 0 : i32
      %dma_wait3A_72 = tpu.memref_slice %arg6[%add3A_27, %dma_wait3A] : memref<10240x128xf32, #tpu.memory_space<vmem_shared>> -> memref<128x128xf32, #tpu.memory_space<vmem_shared>>
      %dma_wait3A_73 = arith.constant 0 : i32
      %dma_wait3A_74 = tpu.memref_slice %arg6[%add3A_27, %dma_wait3A_73] : memref<10240x128xf32, #tpu.memory_space<vmem_shared>> -> memref<128x128xf32, #tpu.memory_space<vmem_shared>>
      tpu.wait_dma2 semaphore(%run_scoped3A : memref<!tpu.dma_semaphore, #tpu.memory_space<semaphore_mem>>) src(%arg9 : memref<128x128xf32, #tpu.memory_space<vmem>>) dst(%dma_wait3A_74 : memref<128x128xf32, #tpu.memory_space<vmem_shared>>)
      tpu.yield
    }) : () -> ()
    %barrier3A = arith.constant 0 : index
    tpu.barrier barrier_id(%barrier3A)
    %scan3A_28 = arith.constant 0 : i32
    %scan3A_29 = arith.constant 79 : i32
    %scan3A_30 = arith.addi %scan3A_28, %scan3A_29 : i32
    %scan3A_31 = arith.constant 1 : i32
    scf.for %scan3A_69 = %scan3A_28 to %scan3A_30 step %scan3A_31  : i32 {
      %mul3A_70 = arith.constant 1 : i32
      %mul3A_71 = arith.muli %scan3A_69, %mul3A_70 : i32
      %add3A_72 = arith.constant 0 : i32
      %add3A_73 = arith.addi %add3A_72, %mul3A_71 : i32
      %add3A_74 = arith.addi %mul3A_2, %add3A_73 : i32
      %mul3A_75 = arith.constant 128 : i32
      %mul3A_76 = arith.muli %add3A_74, %mul3A_75 : i32
      "tpu.region"() ({
        %run_scoped3A = tpu.sem_alloc : memref<!tpu.dma_semaphore, #tpu.memory_space<semaphore_mem>>
        %dma_start3A_81 = tpu.memref_slice %arg3[%mul3A_76] : memref<323584xi32, #tpu.memory_space<hbm>> -> memref<128xi32, #tpu.memory_space<hbm>>
        %dma_start3A_82 = tpu.memref_slice %arg3[%mul3A_76] : memref<323584xi32, #tpu.memory_space<hbm>> -> memref<128xi32, #tpu.memory_space<hbm>>
        tpu.enqueue_dma source(%dma_start3A_82 : memref<128xi32, #tpu.memory_space<hbm>>) target(%arg7 : memref<128xi32, #tpu.memory_space<vmem>>) target_semaphore(%run_scoped3A : memref<!tpu.dma_semaphore, #tpu.memory_space<semaphore_mem>>)
        %dma_wait3A_83 = tpu.memref_slice %arg3[%mul3A_76] : memref<323584xi32, #tpu.memory_space<hbm>> -> memref<128xi32, #tpu.memory_space<hbm>>
        %dma_wait3A_84 = tpu.memref_slice %arg3[%mul3A_76] : memref<323584xi32, #tpu.memory_space<hbm>> -> memref<128xi32, #tpu.memory_space<hbm>>
        tpu.wait_dma2 semaphore(%run_scoped3A : memref<!tpu.dma_semaphore, #tpu.memory_space<semaphore_mem>>) src(%dma_wait3A_84 : memref<128xi32, #tpu.memory_space<hbm>>) dst(%arg7 : memref<128xi32, #tpu.memory_space<vmem>>)
        tpu.yield
      }) : () -> ()
      "tpu.region"() ({
        %run_scoped3A = tpu.sem_alloc : memref<!tpu.dma_semaphore, #tpu.memory_space<semaphore_mem>>
        %dma_start3A_81 = tpu.memref_slice %arg4[%mul3A_76] : memref<323584xi32, #tpu.memory_space<hbm>> -> memref<128xi32, #tpu.memory_space<hbm>>
        %dma_start3A_82 = tpu.memref_slice %arg4[%mul3A_76] : memref<323584xi32, #tpu.memory_space<hbm>> -> memref<128xi32, #tpu.memory_space<hbm>>
        tpu.enqueue_dma source(%dma_start3A_82 : memref<128xi32, #tpu.memory_space<hbm>>) target(%arg8 : memref<128xi32, #tpu.memory_space<vmem>>) target_semaphore(%run_scoped3A : memref<!tpu.dma_semaphore, #tpu.memory_space<semaphore_mem>>)
        %dma_wait3A_83 = tpu.memref_slice %arg4[%mul3A_76] : memref<323584xi32, #tpu.memory_space<hbm>> -> memref<128xi32, #tpu.memory_space<hbm>>
        %dma_wait3A_84 = tpu.memref_slice %arg4[%mul3A_76] : memref<323584xi32, #tpu.memory_space<hbm>> -> memref<128xi32, #tpu.memory_space<hbm>>
        tpu.wait_dma2 semaphore(%run_scoped3A : memref<!tpu.dma_semaphore, #tpu.memory_space<semaphore_mem>>) src(%dma_wait3A_84 : memref<128xi32, #tpu.memory_space<hbm>>) dst(%arg8 : memref<128xi32, #tpu.memory_space<vmem>>)
        tpu.yield
      }) : () -> ()
      %dma_start3A = arith.constant 0 : i32
      %dma_start3A_77 = arith.constant 0 : i32
      %dma_start3A_78 = tpu.memref_slice %arg2[%dma_start3A, %dma_start3A_77] : memref<10240x128xf32, #tpu.memory_space<hbm>> -> memref<10240x128xf32, #tpu.memory_space<hbm>>
      tpu.enqueue_indirect_dma source(%dma_start3A_78 : memref<10240x128xf32, #tpu.memory_space<hbm>>) target(%arg9 : memref<128x128xf32, #tpu.memory_space<vmem>>) offsets(%arg7 : memref<128xi32, #tpu.memory_space<vmem>>) semaphore(%arg10 : memref<!tpu.dma_semaphore, #tpu.memory_space<semaphore_mem>>)
      %dma_wait3A = arith.constant 0 : i32
      %dma_wait3A_79 = arith.constant 0 : i32
      %dma_wait3A_80 = tpu.memref_slice %arg2[%dma_wait3A, %dma_wait3A_79] : memref<10240x128xf32, #tpu.memory_space<hbm>> -> memref<10240x128xf32, #tpu.memory_space<hbm>>
      tpu.wait_indirect_dma semaphore(%arg10 : memref<!tpu.dma_semaphore, #tpu.memory_space<semaphore_mem>>) src(%dma_wait3A_80 : memref<10240x128xf32, #tpu.memory_space<hbm>>) dst(%arg9 : memref<128x128xf32, #tpu.memory_space<vmem>>)
      "tpu.region"() ({
        %run_scoped3A = tpu.sem_alloc : memref<!tpu.dma_semaphore, #tpu.memory_space<semaphore_mem>>
        %dma_start3A_81 = arith.constant 0 : i32
        %dma_start3A_82 = arith.constant 0 : i32
        %dma_start3A_83 = tpu.memref_slice %arg6[%dma_start3A_81, %dma_start3A_82] : memref<10240x128xf32, #tpu.memory_space<vmem_shared>> -> memref<10240x128xf32, #tpu.memory_space<vmem_shared>>
        tpu.enqueue_indirect_dma source(%arg9 : memref<128x128xf32, #tpu.memory_space<vmem>>) target(%dma_start3A_83 : memref<10240x128xf32, #tpu.memory_space<vmem_shared>>) offsets(%arg8 : memref<128xi32, #tpu.memory_space<vmem>>) semaphore(%run_scoped3A : memref<!tpu.dma_semaphore, #tpu.memory_space<semaphore_mem>>) {add = true}
        %dma_wait3A_84 = arith.constant 0 : i32
        %dma_wait3A_85 = arith.constant 0 : i32
        %dma_wait3A_86 = tpu.memref_slice %arg6[%dma_wait3A_84, %dma_wait3A_85] : memref<10240x128xf32, #tpu.memory_space<vmem_shared>> -> memref<10240x128xf32, #tpu.memory_space<vmem_shared>>
        tpu.wait_indirect_dma semaphore(%run_scoped3A : memref<!tpu.dma_semaphore, #tpu.memory_space<semaphore_mem>>) src(%arg9 : memref<128x128xf32, #tpu.memory_space<vmem>>) dst(%dma_wait3A_86 : memref<10240x128xf32, #tpu.memory_space<vmem_shared>>)
        tpu.yield
      }) : () -> ()
    }
    %scan3A_32 = arith.constant 79 : i32
    %barrier3A_33 = arith.constant 0 : index
    tpu.barrier barrier_id(%barrier3A_33)
    %mul3A_34 = arith.constant 640 : i32
    %mul3A_35 = arith.muli %arg1, %mul3A_34 : i32
    %add3A_36 = arith.constant 0 : i32
    %add3A_37 = arith.addi %mul3A_35, %add3A_36 : i32
    %mul3A_38 = arith.constant 10240 : i32
    %mul3A_39 = arith.muli %arg0, %mul3A_38 : i32
    %add3A_40 = arith.addi %mul3A_39, %add3A_37 : i32
    "tpu.region"() ({
      %run_scoped3A = tpu.sem_alloc : memref<!tpu.dma_semaphore, #tpu.memory_space<semaphore_mem>>
      %dma_start3A = arith.constant 0 : i32
      %dma_start3A_69 = tpu.memref_slice %arg5[%add3A_40, %dma_start3A] : memref<20480x128xf32, #tpu.memory_space<hbm>> -> memref<128x128xf32, #tpu.memory_space<hbm>>
      %dma_start3A_70 = arith.constant 0 : i32
      %dma_start3A_71 = tpu.memref_slice %arg6[%add3A_37, %dma_start3A_70] : memref<10240x128xf32, #tpu.memory_space<vmem_shared>> -> memref<128x128xf32, #tpu.memory_space<vmem_shared>>
      tpu.enqueue_dma source(%dma_start3A_71 : memref<128x128xf32, #tpu.memory_space<vmem_shared>>) target(%dma_start3A_69 : memref<128x128xf32, #tpu.memory_space<hbm>>) target_semaphore(%run_scoped3A : memref<!tpu.dma_semaphore, #tpu.memory_space<semaphore_mem>>)
      %dma_wait3A = arith.constant 0 : i32
      %dma_wait3A_72 = tpu.memref_slice %arg5[%add3A_40, %dma_wait3A] : memref<20480x128xf32, #tpu.memory_space<hbm>> -> memref<128x128xf32, #tpu.memory_space<hbm>>
      %dma_wait3A_73 = arith.constant 0 : i32
      %dma_wait3A_74 = tpu.memref_slice %arg6[%add3A_37, %dma_wait3A_73] : memref<10240x128xf32, #tpu.memory_space<vmem_shared>> -> memref<128x128xf32, #tpu.memory_space<vmem_shared>>
      tpu.wait_dma2 semaphore(%run_scoped3A : memref<!tpu.dma_semaphore, #tpu.memory_space<semaphore_mem>>) src(%dma_wait3A_74 : memref<128x128xf32, #tpu.memory_space<vmem_shared>>) dst(%dma_wait3A_72 : memref<128x128xf32, #tpu.memory_space<hbm>>)
      tpu.yield
    }) : () -> ()
    %mul3A_41 = arith.constant 640 : i32
    %mul3A_42 = arith.muli %arg1, %mul3A_41 : i32
    %add3A_43 = arith.constant 128 : i32
    %add3A_44 = arith.addi %mul3A_42, %add3A_43 : i32
    %mul3A_45 = arith.constant 10240 : i32
    %mul3A_46 = arith.muli %arg0, %mul3A_45 : i32
    %add3A_47 = arith.addi %mul3A_46, %add3A_44 : i32
    "tpu.region"() ({
      %run_scoped3A = tpu.sem_alloc : memref<!tpu.dma_semaphore, #tpu.memory_space<semaphore_mem>>
      %dma_start3A = arith.constant 0 : i32
      %dma_start3A_69 = tpu.memref_slice %arg5[%add3A_47, %dma_start3A] : memref<20480x128xf32, #tpu.memory_space<hbm>> -> memref<128x128xf32, #tpu.memory_space<hbm>>
      %dma_start3A_70 = arith.constant 0 : i32
      %dma_start3A_71 = tpu.memref_slice %arg6[%add3A_44, %dma_start3A_70] : memref<10240x128xf32, #tpu.memory_space<vmem_shared>> -> memref<128x128xf32, #tpu.memory_space<vmem_shared>>
      tpu.enqueue_dma source(%dma_start3A_71 : memref<128x128xf32, #tpu.memory_space<vmem_shared>>) target(%dma_start3A_69 : memref<128x128xf32, #tpu.memory_space<hbm>>) target_semaphore(%run_scoped3A : memref<!tpu.dma_semaphore, #tpu.memory_space<semaphore_mem>>)
      %dma_wait3A = arith.constant 0 : i32
      %dma_wait3A_72 = tpu.memref_slice %arg5[%add3A_47, %dma_wait3A] : memref<20480x128xf32, #tpu.memory_space<hbm>> -> memref<128x128xf32, #tpu.memory_space<hbm>>
      %dma_wait3A_73 = arith.constant 0 : i32
      %dma_wait3A_74 = tpu.memref_slice %arg6[%add3A_44, %dma_wait3A_73] : memref<10240x128xf32, #tpu.memory_space<vmem_shared>> -> memref<128x128xf32, #tpu.memory_space<vmem_shared>>
      tpu.wait_dma2 semaphore(%run_scoped3A : memref<!tpu.dma_semaphore, #tpu.memory_space<semaphore_mem>>) src(%dma_wait3A_74 : memref<128x128xf32, #tpu.memory_space<vmem_shared>>) dst(%dma_wait3A_72 : memref<128x128xf32, #tpu.memory_space<hbm>>)
      tpu.yield
    }) : () -> ()
    %mul3A_48 = arith.constant 640 : i32
    %mul3A_49 = arith.muli %arg1, %mul3A_48 : i32
    %add3A_50 = arith.constant 256 : i32
    %add3A_51 = arith.addi %mul3A_49, %add3A_50 : i32
    %mul3A_52 = arith.constant 10240 : i32
    %mul3A_53 = arith.muli %arg0, %mul3A_52 : i32
    %add3A_54 = arith.addi %mul3A_53, %add3A_51 : i32
    "tpu.region"() ({
      %run_scoped3A = tpu.sem_alloc : memref<!tpu.dma_semaphore, #tpu.memory_space<semaphore_mem>>
      %dma_start3A = arith.constant 0 : i32
      %dma_start3A_69 = tpu.memref_slice %arg5[%add3A_54, %dma_start3A] : memref<20480x128xf32, #tpu.memory_space<hbm>> -> memref<128x128xf32, #tpu.memory_space<hbm>>
      %dma_start3A_70 = arith.constant 0 : i32
      %dma_start3A_71 = tpu.memref_slice %arg6[%add3A_51, %dma_start3A_70] : memref<10240x128xf32, #tpu.memory_space<vmem_shared>> -> memref<128x128xf32, #tpu.memory_space<vmem_shared>>
      tpu.enqueue_dma source(%dma_start3A_71 : memref<128x128xf32, #tpu.memory_space<vmem_shared>>) target(%dma_start3A_69 : memref<128x128xf32, #tpu.memory_space<hbm>>) target_semaphore(%run_scoped3A : memref<!tpu.dma_semaphore, #tpu.memory_space<semaphore_mem>>)
      %dma_wait3A = arith.constant 0 : i32
      %dma_wait3A_72 = tpu.memref_slice %arg5[%add3A_54, %dma_wait3A] : memref<20480x128xf32, #tpu.memory_space<hbm>> -> memref<128x128xf32, #tpu.memory_space<hbm>>
      %dma_wait3A_73 = arith.constant 0 : i32
      %dma_wait3A_74 = tpu.memref_slice %arg6[%add3A_51, %dma_wait3A_73] : memref<10240x128xf32, #tpu.memory_space<vmem_shared>> -> memref<128x128xf32, #tpu.memory_space<vmem_shared>>
      tpu.wait_dma2 semaphore(%run_scoped3A : memref<!tpu.dma_semaphore, #tpu.memory_space<semaphore_mem>>) src(%dma_wait3A_74 : memref<128x128xf32, #tpu.memory_space<vmem_shared>>) dst(%dma_wait3A_72 : memref<128x128xf32, #tpu.memory_space<hbm>>)
      tpu.yield
    }) : () -> ()
    %mul3A_55 = arith.constant 640 : i32
    %mul3A_56 = arith.muli %arg1, %mul3A_55 : i32
    %add3A_57 = arith.constant 384 : i32
    %add3A_58 = arith.addi %mul3A_56, %add3A_57 : i32
    %mul3A_59 = arith.constant 10240 : i32
    %mul3A_60 = arith.muli %arg0, %mul3A_59 : i32
    %add3A_61 = arith.addi %mul3A_60, %add3A_58 : i32
    "tpu.region"() ({
      %run_scoped3A = tpu.sem_alloc : memref<!tpu.dma_semaphore, #tpu.memory_space<semaphore_mem>>
      %dma_start3A = arith.constant 0 : i32
      %dma_start3A_69 = tpu.memref_slice %arg5[%add3A_61, %dma_start3A] : memref<20480x128xf32, #tpu.memory_space<hbm>> -> memref<128x128xf32, #tpu.memory_space<hbm>>
      %dma_start3A_70 = arith.constant 0 : i32
      %dma_start3A_71 = tpu.memref_slice %arg6[%add3A_58, %dma_start3A_70] : memref<10240x128xf32, #tpu.memory_space<vmem_shared>> -> memref<128x128xf32, #tpu.memory_space<vmem_shared>>
      tpu.enqueue_dma source(%dma_start3A_71 : memref<128x128xf32, #tpu.memory_space<vmem_shared>>) target(%dma_start3A_69 : memref<128x128xf32, #tpu.memory_space<hbm>>) target_semaphore(%run_scoped3A : memref<!tpu.dma_semaphore, #tpu.memory_space<semaphore_mem>>)
      %dma_wait3A = arith.constant 0 : i32
      %dma_wait3A_72 = tpu.memref_slice %arg5[%add3A_61, %dma_wait3A] : memref<20480x128xf32, #tpu.memory_space<hbm>> -> memref<128x128xf32, #tpu.memory_space<hbm>>
      %dma_wait3A_73 = arith.constant 0 : i32
      %dma_wait3A_74 = tpu.memref_slice %arg6[%add3A_58, %dma_wait3A_73] : memref<10240x128xf32, #tpu.memory_space<vmem_shared>> -> memref<128x128xf32, #tpu.memory_space<vmem_shared>>
      tpu.wait_dma2 semaphore(%run_scoped3A : memref<!tpu.dma_semaphore, #tpu.memory_space<semaphore_mem>>) src(%dma_wait3A_74 : memref<128x128xf32, #tpu.memory_space<vmem_shared>>) dst(%dma_wait3A_72 : memref<128x128xf32, #tpu.memory_space<hbm>>)
      tpu.yield
    }) : () -> ()
    %mul3A_62 = arith.constant 640 : i32
    %mul3A_63 = arith.muli %arg1, %mul3A_62 : i32
    %add3A_64 = arith.constant 512 : i32
    %add3A_65 = arith.addi %mul3A_63, %add3A_64 : i32
    %mul3A_66 = arith.constant 10240 : i32
    %mul3A_67 = arith.muli %arg0, %mul3A_66 : i32
    %add3A_68 = arith.addi %mul3A_67, %add3A_65 : i32
    "tpu.region"() ({
      %run_scoped3A = tpu.sem_alloc : memref<!tpu.dma_semaphore, #tpu.memory_space<semaphore_mem>>
      %dma_start3A = arith.constant 0 : i32
      %dma_start3A_69 = tpu.memref_slice %arg5[%add3A_68, %dma_start3A] : memref<20480x128xf32, #tpu.memory_space<hbm>> -> memref<128x128xf32, #tpu.memory_space<hbm>>
      %dma_start3A_70 = arith.constant 0 : i32
      %dma_start3A_71 = tpu.memref_slice %arg6[%add3A_65, %dma_start3A_70] : memref<10240x128xf32, #tpu.memory_space<vmem_shared>> -> memref<128x128xf32, #tpu.memory_space<vmem_shared>>
      tpu.enqueue_dma source(%dma_start3A_71 : memref<128x128xf32, #tpu.memory_space<vmem_shared>>) target(%dma_start3A_69 : memref<128x128xf32, #tpu.memory_space<hbm>>) target_semaphore(%run_scoped3A : memref<!tpu.dma_semaphore, #tpu.memory_space<semaphore_mem>>)
      %dma_wait3A = arith.constant 0 : i32
      %dma_wait3A_72 = tpu.memref_slice %arg5[%add3A_68, %dma_wait3A] : memref<20480x128xf32, #tpu.memory_space<hbm>> -> memref<128x128xf32, #tpu.memory_space<hbm>>
      %dma_wait3A_73 = arith.constant 0 : i32
      %dma_wait3A_74 = tpu.memref_slice %arg6[%add3A_65, %dma_wait3A_73] : memref<10240x128xf32, #tpu.memory_space<vmem_shared>> -> memref<128x128xf32, #tpu.memory_space<vmem_shared>>
      tpu.wait_dma2 semaphore(%run_scoped3A : memref<!tpu.dma_semaphore, #tpu.memory_space<semaphore_mem>>) src(%dma_wait3A_74 : memref<128x128xf32, #tpu.memory_space<vmem_shared>>) dst(%dma_wait3A_72 : memref<128x128xf32, #tpu.memory_space<hbm>>)
      tpu.yield
    }) : () -> ()
    return
  }
}

#map = affine_map<(d0, d1) -> (0)>
#map1 = affine_map<(d0, d1) -> (0, 0)>
module attributes {stable_mosaic.version = 14 : i64} {
  func.func @_sc_deg_body(%arg0: i32, %arg1: i32, %arg2: memref<323584xi32, #tpu.memory_space<hbm>>, %arg3: memref<20480x128xf32, #tpu.memory_space<hbm>>, %arg4: memref<10240x128xf32, #tpu.memory_space<vmem_shared>>, %arg5: memref<128xi32, #tpu.memory_space<vmem>>, %arg6: memref<128x128xf32, #tpu.memory_space<vmem>>) attributes {dimension_semantics = [#tpu.dimension_semantics<core_parallel>, #tpu.dimension_semantics<subcore_parallel>], iteration_bounds = array<i64: 2, 16>, scalar_prefetch = 0 : i64, scratch_operands = 3 : i64, tpu.core_type = #tpu.core_type<sc_vector_subcore>, window_params = [{transform_indices = #map}, {transform_indices = #map1}]} {
    %mul3A = arith.constant 2 : i32
    %mul3A_0 = arith.muli %arg1, %mul3A : i32
    %add3A = arith.addi %mul3A_0, %arg0 : i32
    %mul3A_1 = arith.constant 79 : i32
    %mul3A_2 = arith.muli %add3A, %mul3A_1 : i32
    %broadcast_in_dim3A = arith.constant 0.000000e+00 : f32
    %broadcast_in_dim3A_3 = vector.broadcast %broadcast_in_dim3A : f32 to vector<16xf32>
    %scan3A = arith.constant 0 : i32
    %scan3A_4 = arith.constant 128 : i32
    %scan3A_5 = arith.addi %scan3A, %scan3A_4 : i32
    %scan3A_6 = arith.constant 1 : i32
    scf.for %scan3A_76 = %scan3A to %scan3A_5 step %scan3A_6  : i32 {
      %mul3A_77 = arith.constant 1 : i32
      %mul3A_78 = arith.muli %scan3A_76, %mul3A_77 : i32
      %add3A_79 = arith.constant 0 : i32
      %add3A_80 = arith.addi %add3A_79, %mul3A_78 : i32
      %swap3A = arith.index_cast %add3A_80 : i32 to index
      %swap3A_81 = arith.constant 0 : index
      %swap3A_82 = tpu.vector_load %arg6[%swap3A, %swap3A_81] {strides = array<i32>} : memref<128x128xf32, #tpu.memory_space<vmem>>, vector<1x16xf32>,
      %swap3A_83 = vector.shape_cast %swap3A_82 : vector<1x16xf32> to vector<16xf32>
      %swap3A_84 = vector.shape_cast %broadcast_in_dim3A_3 : vector<16xf32> to vector<1x16xf32>
      tpu.vector_store %arg6[%swap3A, %swap3A_81], %swap3A_84 {strides = array<i32>} : memref<128x128xf32, #tpu.memory_space<vmem>>, vector<1x16xf32>,
      %swap3A_85 = arith.index_cast %add3A_80 : i32 to index
      %swap3A_86 = arith.constant 16 : index
      %swap3A_87 = tpu.vector_load %arg6[%swap3A_85, %swap3A_86] {strides = array<i32>} : memref<128x128xf32, #tpu.memory_space<vmem>>, vector<1x16xf32>,
      %swap3A_88 = vector.shape_cast %swap3A_87 : vector<1x16xf32> to vector<16xf32>
      %swap3A_89 = vector.shape_cast %broadcast_in_dim3A_3 : vector<16xf32> to vector<1x16xf32>
      tpu.vector_store %arg6[%swap3A_85, %swap3A_86], %swap3A_89 {strides = array<i32>} : memref<128x128xf32, #tpu.memory_space<vmem>>, vector<1x16xf32>,
      %swap3A_90 = arith.index_cast %add3A_80 : i32 to index
      %swap3A_91 = arith.constant 32 : index
      %swap3A_92 = tpu.vector_load %arg6[%swap3A_90, %swap3A_91] {strides = array<i32>} : memref<128x128xf32, #tpu.memory_space<vmem>>, vector<1x16xf32>,
      %swap3A_93 = vector.shape_cast %swap3A_92 : vector<1x16xf32> to vector<16xf32>
      %swap3A_94 = vector.shape_cast %broadcast_in_dim3A_3 : vector<16xf32> to vector<1x16xf32>
      tpu.vector_store %arg6[%swap3A_90, %swap3A_91], %swap3A_94 {strides = array<i32>} : memref<128x128xf32, #tpu.memory_space<vmem>>, vector<1x16xf32>,
      %swap3A_95 = arith.index_cast %add3A_80 : i32 to index
      %swap3A_96 = arith.constant 48 : index
      %swap3A_97 = tpu.vector_load %arg6[%swap3A_95, %swap3A_96] {strides = array<i32>} : memref<128x128xf32, #tpu.memory_space<vmem>>, vector<1x16xf32>,
      %swap3A_98 = vector.shape_cast %swap3A_97 : vector<1x16xf32> to vector<16xf32>
      %swap3A_99 = vector.shape_cast %broadcast_in_dim3A_3 : vector<16xf32> to vector<1x16xf32>
      tpu.vector_store %arg6[%swap3A_95, %swap3A_96], %swap3A_99 {strides = array<i32>} : memref<128x128xf32, #tpu.memory_space<vmem>>, vector<1x16xf32>,
      %swap3A_100 = arith.index_cast %add3A_80 : i32 to index
      %swap3A_101 = arith.constant 64 : index
      %swap3A_102 = tpu.vector_load %arg6[%swap3A_100, %swap3A_101] {strides = array<i32>} : memref<128x128xf32, #tpu.memory_space<vmem>>, vector<1x16xf32>,
      %swap3A_103 = vector.shape_cast %swap3A_102 : vector<1x16xf32> to vector<16xf32>
      %swap3A_104 = vector.shape_cast %broadcast_in_dim3A_3 : vector<16xf32> to vector<1x16xf32>
      tpu.vector_store %arg6[%swap3A_100, %swap3A_101], %swap3A_104 {strides = array<i32>} : memref<128x128xf32, #tpu.memory_space<vmem>>, vector<1x16xf32>,
      %swap3A_105 = arith.index_cast %add3A_80 : i32 to index
      %swap3A_106 = arith.constant 80 : index
      %swap3A_107 = tpu.vector_load %arg6[%swap3A_105, %swap3A_106] {strides = array<i32>} : memref<128x128xf32, #tpu.memory_space<vmem>>, vector<1x16xf32>,
      %swap3A_108 = vector.shape_cast %swap3A_107 : vector<1x16xf32> to vector<16xf32>
      %swap3A_109 = vector.shape_cast %broadcast_in_dim3A_3 : vector<16xf32> to vector<1x16xf32>
      tpu.vector_store %arg6[%swap3A_105, %swap3A_106], %swap3A_109 {strides = array<i32>} : memref<128x128xf32, #tpu.memory_space<vmem>>, vector<1x16xf32>,
      %swap3A_110 = arith.index_cast %add3A_80 : i32 to index
      %swap3A_111 = arith.constant 96 : index
      %swap3A_112 = tpu.vector_load %arg6[%swap3A_110, %swap3A_111] {strides = array<i32>} : memref<128x128xf32, #tpu.memory_space<vmem>>, vector<1x16xf32>,
      %swap3A_113 = vector.shape_cast %swap3A_112 : vector<1x16xf32> to vector<16xf32>
      %swap3A_114 = vector.shape_cast %broadcast_in_dim3A_3 : vector<16xf32> to vector<1x16xf32>
      tpu.vector_store %arg6[%swap3A_110, %swap3A_111], %swap3A_114 {strides = array<i32>} : memref<128x128xf32, #tpu.memory_space<vmem>>, vector<1x16xf32>,
      %swap3A_115 = arith.index_cast %add3A_80 : i32 to index
      %swap3A_116 = arith.constant 112 : index
      %swap3A_117 = tpu.vector_load %arg6[%swap3A_115, %swap3A_116] {strides = array<i32>} : memref<128x128xf32, #tpu.memory_space<vmem>>, vector<1x16xf32>,
      %swap3A_118 = vector.shape_cast %swap3A_117 : vector<1x16xf32> to vector<16xf32>
      %swap3A_119 = vector.shape_cast %broadcast_in_dim3A_3 : vector<16xf32> to vector<1x16xf32>
      tpu.vector_store %arg6[%swap3A_115, %swap3A_116], %swap3A_119 {strides = array<i32>} : memref<128x128xf32, #tpu.memory_space<vmem>>, vector<1x16xf32>,
    }
    %scan3A_7 = arith.constant 128 : i32
    %mul3A_8 = arith.constant 640 : i32
    %mul3A_9 = arith.muli %arg1, %mul3A_8 : i32
    %add3A_10 = arith.constant 0 : i32
    %add3A_11 = arith.addi %mul3A_9, %add3A_10 : i32
    "tpu.region"() ({
      %run_scoped3A = tpu.sem_alloc : memref<!tpu.dma_semaphore, #tpu.memory_space<semaphore_mem>>
      %dma_start3A = arith.constant 0 : i32
      %dma_start3A_76 = tpu.memref_slice %arg4[%add3A_11, %dma_start3A] : memref<10240x128xf32, #tpu.memory_space<vmem_shared>> -> memref<128x128xf32, #tpu.memory_space<vmem_shared>>
      %dma_start3A_77 = arith.constant 0 : i32
      %dma_start3A_78 = tpu.memref_slice %arg4[%add3A_11, %dma_start3A_77] : memref<10240x128xf32, #tpu.memory_space<vmem_shared>> -> memref<128x128xf32, #tpu.memory_space<vmem_shared>>
      tpu.enqueue_dma source(%arg6 : memref<128x128xf32, #tpu.memory_space<vmem>>) target(%dma_start3A_78 : memref<128x128xf32, #tpu.memory_space<vmem_shared>>) target_semaphore(%run_scoped3A : memref<!tpu.dma_semaphore, #tpu.memory_space<semaphore_mem>>)
      %dma_wait3A = arith.constant 0 : i32
      %dma_wait3A_79 = tpu.memref_slice %arg4[%add3A_11, %dma_wait3A] : memref<10240x128xf32, #tpu.memory_space<vmem_shared>> -> memref<128x128xf32, #tpu.memory_space<vmem_shared>>
      %dma_wait3A_80 = arith.constant 0 : i32
      %dma_wait3A_81 = tpu.memref_slice %arg4[%add3A_11, %dma_wait3A_80] : memref<10240x128xf32, #tpu.memory_space<vmem_shared>> -> memref<128x128xf32, #tpu.memory_space<vmem_shared>>
      tpu.wait_dma2 semaphore(%run_scoped3A : memref<!tpu.dma_semaphore, #tpu.memory_space<semaphore_mem>>) src(%arg6 : memref<128x128xf32, #tpu.memory_space<vmem>>) dst(%dma_wait3A_81 : memref<128x128xf32, #tpu.memory_space<vmem_shared>>)
      tpu.yield
    }) : () -> ()
    %mul3A_12 = arith.constant 640 : i32
    %mul3A_13 = arith.muli %arg1, %mul3A_12 : i32
    %add3A_14 = arith.constant 128 : i32
    %add3A_15 = arith.addi %mul3A_13, %add3A_14 : i32
    "tpu.region"() ({
      %run_scoped3A = tpu.sem_alloc : memref<!tpu.dma_semaphore, #tpu.memory_space<semaphore_mem>>
      %dma_start3A = arith.constant 0 : i32
      %dma_start3A_76 = tpu.memref_slice %arg4[%add3A_15, %dma_start3A] : memref<10240x128xf32, #tpu.memory_space<vmem_shared>> -> memref<128x128xf32, #tpu.memory_space<vmem_shared>>
      %dma_start3A_77 = arith.constant 0 : i32
      %dma_start3A_78 = tpu.memref_slice %arg4[%add3A_15, %dma_start3A_77] : memref<10240x128xf32, #tpu.memory_space<vmem_shared>> -> memref<128x128xf32, #tpu.memory_space<vmem_shared>>
      tpu.enqueue_dma source(%arg6 : memref<128x128xf32, #tpu.memory_space<vmem>>) target(%dma_start3A_78 : memref<128x128xf32, #tpu.memory_space<vmem_shared>>) target_semaphore(%run_scoped3A : memref<!tpu.dma_semaphore, #tpu.memory_space<semaphore_mem>>)
      %dma_wait3A = arith.constant 0 : i32
      %dma_wait3A_79 = tpu.memref_slice %arg4[%add3A_15, %dma_wait3A] : memref<10240x128xf32, #tpu.memory_space<vmem_shared>> -> memref<128x128xf32, #tpu.memory_space<vmem_shared>>
      %dma_wait3A_80 = arith.constant 0 : i32
      %dma_wait3A_81 = tpu.memref_slice %arg4[%add3A_15, %dma_wait3A_80] : memref<10240x128xf32, #tpu.memory_space<vmem_shared>> -> memref<128x128xf32, #tpu.memory_space<vmem_shared>>
      tpu.wait_dma2 semaphore(%run_scoped3A : memref<!tpu.dma_semaphore, #tpu.memory_space<semaphore_mem>>) src(%arg6 : memref<128x128xf32, #tpu.memory_space<vmem>>) dst(%dma_wait3A_81 : memref<128x128xf32, #tpu.memory_space<vmem_shared>>)
      tpu.yield
    }) : () -> ()
    %mul3A_16 = arith.constant 640 : i32
    %mul3A_17 = arith.muli %arg1, %mul3A_16 : i32
    %add3A_18 = arith.constant 256 : i32
    %add3A_19 = arith.addi %mul3A_17, %add3A_18 : i32
    "tpu.region"() ({
      %run_scoped3A = tpu.sem_alloc : memref<!tpu.dma_semaphore, #tpu.memory_space<semaphore_mem>>
      %dma_start3A = arith.constant 0 : i32
      %dma_start3A_76 = tpu.memref_slice %arg4[%add3A_19, %dma_start3A] : memref<10240x128xf32, #tpu.memory_space<vmem_shared>> -> memref<128x128xf32, #tpu.memory_space<vmem_shared>>
      %dma_start3A_77 = arith.constant 0 : i32
      %dma_start3A_78 = tpu.memref_slice %arg4[%add3A_19, %dma_start3A_77] : memref<10240x128xf32, #tpu.memory_space<vmem_shared>> -> memref<128x128xf32, #tpu.memory_space<vmem_shared>>
      tpu.enqueue_dma source(%arg6 : memref<128x128xf32, #tpu.memory_space<vmem>>) target(%dma_start3A_78 : memref<128x128xf32, #tpu.memory_space<vmem_shared>>) target_semaphore(%run_scoped3A : memref<!tpu.dma_semaphore, #tpu.memory_space<semaphore_mem>>)
      %dma_wait3A = arith.constant 0 : i32
      %dma_wait3A_79 = tpu.memref_slice %arg4[%add3A_19, %dma_wait3A] : memref<10240x128xf32, #tpu.memory_space<vmem_shared>> -> memref<128x128xf32, #tpu.memory_space<vmem_shared>>
      %dma_wait3A_80 = arith.constant 0 : i32
      %dma_wait3A_81 = tpu.memref_slice %arg4[%add3A_19, %dma_wait3A_80] : memref<10240x128xf32, #tpu.memory_space<vmem_shared>> -> memref<128x128xf32, #tpu.memory_space<vmem_shared>>
      tpu.wait_dma2 semaphore(%run_scoped3A : memref<!tpu.dma_semaphore, #tpu.memory_space<semaphore_mem>>) src(%arg6 : memref<128x128xf32, #tpu.memory_space<vmem>>) dst(%dma_wait3A_81 : memref<128x128xf32, #tpu.memory_space<vmem_shared>>)
      tpu.yield
    }) : () -> ()
    %mul3A_20 = arith.constant 640 : i32
    %mul3A_21 = arith.muli %arg1, %mul3A_20 : i32
    %add3A_22 = arith.constant 384 : i32
    %add3A_23 = arith.addi %mul3A_21, %add3A_22 : i32
    "tpu.region"() ({
      %run_scoped3A = tpu.sem_alloc : memref<!tpu.dma_semaphore, #tpu.memory_space<semaphore_mem>>
      %dma_start3A = arith.constant 0 : i32
      %dma_start3A_76 = tpu.memref_slice %arg4[%add3A_23, %dma_start3A] : memref<10240x128xf32, #tpu.memory_space<vmem_shared>> -> memref<128x128xf32, #tpu.memory_space<vmem_shared>>
      %dma_start3A_77 = arith.constant 0 : i32
      %dma_start3A_78 = tpu.memref_slice %arg4[%add3A_23, %dma_start3A_77] : memref<10240x128xf32, #tpu.memory_space<vmem_shared>> -> memref<128x128xf32, #tpu.memory_space<vmem_shared>>
      tpu.enqueue_dma source(%arg6 : memref<128x128xf32, #tpu.memory_space<vmem>>) target(%dma_start3A_78 : memref<128x128xf32, #tpu.memory_space<vmem_shared>>) target_semaphore(%run_scoped3A : memref<!tpu.dma_semaphore, #tpu.memory_space<semaphore_mem>>)
      %dma_wait3A = arith.constant 0 : i32
      %dma_wait3A_79 = tpu.memref_slice %arg4[%add3A_23, %dma_wait3A] : memref<10240x128xf32, #tpu.memory_space<vmem_shared>> -> memref<128x128xf32, #tpu.memory_space<vmem_shared>>
      %dma_wait3A_80 = arith.constant 0 : i32
      %dma_wait3A_81 = tpu.memref_slice %arg4[%add3A_23, %dma_wait3A_80] : memref<10240x128xf32, #tpu.memory_space<vmem_shared>> -> memref<128x128xf32, #tpu.memory_space<vmem_shared>>
      tpu.wait_dma2 semaphore(%run_scoped3A : memref<!tpu.dma_semaphore, #tpu.memory_space<semaphore_mem>>) src(%arg6 : memref<128x128xf32, #tpu.memory_space<vmem>>) dst(%dma_wait3A_81 : memref<128x128xf32, #tpu.memory_space<vmem_shared>>)
      tpu.yield
    }) : () -> ()
    %mul3A_24 = arith.constant 640 : i32
    %mul3A_25 = arith.muli %arg1, %mul3A_24 : i32
    %add3A_26 = arith.constant 512 : i32
    %add3A_27 = arith.addi %mul3A_25, %add3A_26 : i32
    "tpu.region"() ({
      %run_scoped3A = tpu.sem_alloc : memref<!tpu.dma_semaphore, #tpu.memory_space<semaphore_mem>>
      %dma_start3A = arith.constant 0 : i32
      %dma_start3A_76 = tpu.memref_slice %arg4[%add3A_27, %dma_start3A] : memref<10240x128xf32, #tpu.memory_space<vmem_shared>> -> memref<128x128xf32, #tpu.memory_space<vmem_shared>>
      %dma_start3A_77 = arith.constant 0 : i32
      %dma_start3A_78 = tpu.memref_slice %arg4[%add3A_27, %dma_start3A_77] : memref<10240x128xf32, #tpu.memory_space<vmem_shared>> -> memref<128x128xf32, #tpu.memory_space<vmem_shared>>
      tpu.enqueue_dma source(%arg6 : memref<128x128xf32, #tpu.memory_space<vmem>>) target(%dma_start3A_78 : memref<128x128xf32, #tpu.memory_space<vmem_shared>>) target_semaphore(%run_scoped3A : memref<!tpu.dma_semaphore, #tpu.memory_space<semaphore_mem>>)
      %dma_wait3A = arith.constant 0 : i32
      %dma_wait3A_79 = tpu.memref_slice %arg4[%add3A_27, %dma_wait3A] : memref<10240x128xf32, #tpu.memory_space<vmem_shared>> -> memref<128x128xf32, #tpu.memory_space<vmem_shared>>
      %dma_wait3A_80 = arith.constant 0 : i32
      %dma_wait3A_81 = tpu.memref_slice %arg4[%add3A_27, %dma_wait3A_80] : memref<10240x128xf32, #tpu.memory_space<vmem_shared>> -> memref<128x128xf32, #tpu.memory_space<vmem_shared>>
      tpu.wait_dma2 semaphore(%run_scoped3A : memref<!tpu.dma_semaphore, #tpu.memory_space<semaphore_mem>>) src(%arg6 : memref<128x128xf32, #tpu.memory_space<vmem>>) dst(%dma_wait3A_81 : memref<128x128xf32, #tpu.memory_space<vmem_shared>>)
      tpu.yield
    }) : () -> ()
    %broadcast_in_dim3A_28 = arith.constant 1.000000e+00 : f32
    %broadcast_in_dim3A_29 = vector.broadcast %broadcast_in_dim3A_28 : f32 to vector<16xf32>
    %scan3A_30 = arith.constant 0 : i32
    %scan3A_31 = arith.constant 128 : i32
    %scan3A_32 = arith.addi %scan3A_30, %scan3A_31 : i32
    %scan3A_33 = arith.constant 1 : i32
    scf.for %scan3A_76 = %scan3A_30 to %scan3A_32 step %scan3A_33  : i32 {
      %mul3A_77 = arith.constant 1 : i32
      %mul3A_78 = arith.muli %scan3A_76, %mul3A_77 : i32
      %add3A_79 = arith.constant 0 : i32
      %add3A_80 = arith.addi %add3A_79, %mul3A_78 : i32
      %swap3A = arith.index_cast %add3A_80 : i32 to index
      %swap3A_81 = arith.constant 0 : index
      %swap3A_82 = tpu.vector_load %arg6[%swap3A, %swap3A_81] {strides = array<i32>} : memref<128x128xf32, #tpu.memory_space<vmem>>, vector<1x16xf32>,
      %swap3A_83 = vector.shape_cast %swap3A_82 : vector<1x16xf32> to vector<16xf32>
      %swap3A_84 = vector.shape_cast %broadcast_in_dim3A_29 : vector<16xf32> to vector<1x16xf32>
      tpu.vector_store %arg6[%swap3A, %swap3A_81], %swap3A_84 {strides = array<i32>} : memref<128x128xf32, #tpu.memory_space<vmem>>, vector<1x16xf32>,
      %swap3A_85 = arith.index_cast %add3A_80 : i32 to index
      %swap3A_86 = arith.constant 16 : index
      %swap3A_87 = tpu.vector_load %arg6[%swap3A_85, %swap3A_86] {strides = array<i32>} : memref<128x128xf32, #tpu.memory_space<vmem>>, vector<1x16xf32>,
      %swap3A_88 = vector.shape_cast %swap3A_87 : vector<1x16xf32> to vector<16xf32>
      %swap3A_89 = vector.shape_cast %broadcast_in_dim3A_29 : vector<16xf32> to vector<1x16xf32>
      tpu.vector_store %arg6[%swap3A_85, %swap3A_86], %swap3A_89 {strides = array<i32>} : memref<128x128xf32, #tpu.memory_space<vmem>>, vector<1x16xf32>,
      %swap3A_90 = arith.index_cast %add3A_80 : i32 to index
      %swap3A_91 = arith.constant 32 : index
      %swap3A_92 = tpu.vector_load %arg6[%swap3A_90, %swap3A_91] {strides = array<i32>} : memref<128x128xf32, #tpu.memory_space<vmem>>, vector<1x16xf32>,
      %swap3A_93 = vector.shape_cast %swap3A_92 : vector<1x16xf32> to vector<16xf32>
      %swap3A_94 = vector.shape_cast %broadcast_in_dim3A_29 : vector<16xf32> to vector<1x16xf32>
      tpu.vector_store %arg6[%swap3A_90, %swap3A_91], %swap3A_94 {strides = array<i32>} : memref<128x128xf32, #tpu.memory_space<vmem>>, vector<1x16xf32>,
      %swap3A_95 = arith.index_cast %add3A_80 : i32 to index
      %swap3A_96 = arith.constant 48 : index
      %swap3A_97 = tpu.vector_load %arg6[%swap3A_95, %swap3A_96] {strides = array<i32>} : memref<128x128xf32, #tpu.memory_space<vmem>>, vector<1x16xf32>,
      %swap3A_98 = vector.shape_cast %swap3A_97 : vector<1x16xf32> to vector<16xf32>
      %swap3A_99 = vector.shape_cast %broadcast_in_dim3A_29 : vector<16xf32> to vector<1x16xf32>
      tpu.vector_store %arg6[%swap3A_95, %swap3A_96], %swap3A_99 {strides = array<i32>} : memref<128x128xf32, #tpu.memory_space<vmem>>, vector<1x16xf32>,
      %swap3A_100 = arith.index_cast %add3A_80 : i32 to index
      %swap3A_101 = arith.constant 64 : index
      %swap3A_102 = tpu.vector_load %arg6[%swap3A_100, %swap3A_101] {strides = array<i32>} : memref<128x128xf32, #tpu.memory_space<vmem>>, vector<1x16xf32>,
      %swap3A_103 = vector.shape_cast %swap3A_102 : vector<1x16xf32> to vector<16xf32>
      %swap3A_104 = vector.shape_cast %broadcast_in_dim3A_29 : vector<16xf32> to vector<1x16xf32>
      tpu.vector_store %arg6[%swap3A_100, %swap3A_101], %swap3A_104 {strides = array<i32>} : memref<128x128xf32, #tpu.memory_space<vmem>>, vector<1x16xf32>,
      %swap3A_105 = arith.index_cast %add3A_80 : i32 to index
      %swap3A_106 = arith.constant 80 : index
      %swap3A_107 = tpu.vector_load %arg6[%swap3A_105, %swap3A_106] {strides = array<i32>} : memref<128x128xf32, #tpu.memory_space<vmem>>, vector<1x16xf32>,
      %swap3A_108 = vector.shape_cast %swap3A_107 : vector<1x16xf32> to vector<16xf32>
      %swap3A_109 = vector.shape_cast %broadcast_in_dim3A_29 : vector<16xf32> to vector<1x16xf32>
      tpu.vector_store %arg6[%swap3A_105, %swap3A_106], %swap3A_109 {strides = array<i32>} : memref<128x128xf32, #tpu.memory_space<vmem>>, vector<1x16xf32>,
      %swap3A_110 = arith.index_cast %add3A_80 : i32 to index
      %swap3A_111 = arith.constant 96 : index
      %swap3A_112 = tpu.vector_load %arg6[%swap3A_110, %swap3A_111] {strides = array<i32>} : memref<128x128xf32, #tpu.memory_space<vmem>>, vector<1x16xf32>,
      %swap3A_113 = vector.shape_cast %swap3A_112 : vector<1x16xf32> to vector<16xf32>
      %swap3A_114 = vector.shape_cast %broadcast_in_dim3A_29 : vector<16xf32> to vector<1x16xf32>
      tpu.vector_store %arg6[%swap3A_110, %swap3A_111], %swap3A_114 {strides = array<i32>} : memref<128x128xf32, #tpu.memory_space<vmem>>, vector<1x16xf32>,
      %swap3A_115 = arith.index_cast %add3A_80 : i32 to index
      %swap3A_116 = arith.constant 112 : index
      %swap3A_117 = tpu.vector_load %arg6[%swap3A_115, %swap3A_116] {strides = array<i32>} : memref<128x128xf32, #tpu.memory_space<vmem>>, vector<1x16xf32>,
      %swap3A_118 = vector.shape_cast %swap3A_117 : vector<1x16xf32> to vector<16xf32>
      %swap3A_119 = vector.shape_cast %broadcast_in_dim3A_29 : vector<16xf32> to vector<1x16xf32>
      tpu.vector_store %arg6[%swap3A_115, %swap3A_116], %swap3A_119 {strides = array<i32>} : memref<128x128xf32, #tpu.memory_space<vmem>>, vector<1x16xf32>,
    }
    %scan3A_34 = arith.constant 128 : i32
    %barrier3A = arith.constant 0 : index
    tpu.barrier barrier_id(%barrier3A)
    %scan3A_35 = arith.constant 0 : i32
    %scan3A_36 = arith.constant 79 : i32
    %scan3A_37 = arith.addi %scan3A_35, %scan3A_36 : i32
    %scan3A_38 = arith.constant 1 : i32
    scf.for %scan3A_76 = %scan3A_35 to %scan3A_37 step %scan3A_38  : i32 {
      %mul3A_77 = arith.constant 1 : i32
      %mul3A_78 = arith.muli %scan3A_76, %mul3A_77 : i32
      %add3A_79 = arith.constant 0 : i32
      %add3A_80 = arith.addi %add3A_79, %mul3A_78 : i32
      %add3A_81 = arith.addi %mul3A_2, %add3A_80 : i32
      %mul3A_82 = arith.constant 128 : i32
      %mul3A_83 = arith.muli %add3A_81, %mul3A_82 : i32
      "tpu.region"() ({
        %run_scoped3A = tpu.sem_alloc : memref<!tpu.dma_semaphore, #tpu.memory_space<semaphore_mem>>
        %dma_start3A = tpu.memref_slice %arg2[%mul3A_83] : memref<323584xi32, #tpu.memory_space<hbm>> -> memref<128xi32, #tpu.memory_space<hbm>>
        %dma_start3A_84 = tpu.memref_slice %arg2[%mul3A_83] : memref<323584xi32, #tpu.memory_space<hbm>> -> memref<128xi32, #tpu.memory_space<hbm>>
        tpu.enqueue_dma source(%dma_start3A_84 : memref<128xi32, #tpu.memory_space<hbm>>) target(%arg5 : memref<128xi32, #tpu.memory_space<vmem>>) target_semaphore(%run_scoped3A : memref<!tpu.dma_semaphore, #tpu.memory_space<semaphore_mem>>)
        %dma_wait3A = tpu.memref_slice %arg2[%mul3A_83] : memref<323584xi32, #tpu.memory_space<hbm>> -> memref<128xi32, #tpu.memory_space<hbm>>
        %dma_wait3A_85 = tpu.memref_slice %arg2[%mul3A_83] : memref<323584xi32, #tpu.memory_space<hbm>> -> memref<128xi32, #tpu.memory_space<hbm>>
        tpu.wait_dma2 semaphore(%run_scoped3A : memref<!tpu.dma_semaphore, #tpu.memory_space<semaphore_mem>>) src(%dma_wait3A_85 : memref<128xi32, #tpu.memory_space<hbm>>) dst(%arg5 : memref<128xi32, #tpu.memory_space<vmem>>)
        tpu.yield
      }) : () -> ()
      "tpu.region"() ({
        %run_scoped3A = tpu.sem_alloc : memref<!tpu.dma_semaphore, #tpu.memory_space<semaphore_mem>>
        %dma_start3A = arith.constant 0 : i32
        %dma_start3A_84 = arith.constant 0 : i32
        %dma_start3A_85 = tpu.memref_slice %arg4[%dma_start3A, %dma_start3A_84] : memref<10240x128xf32, #tpu.memory_space<vmem_shared>> -> memref<10240x128xf32, #tpu.memory_space<vmem_shared>>
        tpu.enqueue_indirect_dma source(%arg6 : memref<128x128xf32, #tpu.memory_space<vmem>>) target(%dma_start3A_85 : memref<10240x128xf32, #tpu.memory_space<vmem_shared>>) offsets(%arg5 : memref<128xi32, #tpu.memory_space<vmem>>) semaphore(%run_scoped3A : memref<!tpu.dma_semaphore, #tpu.memory_space<semaphore_mem>>) {add = true}
        %dma_wait3A = arith.constant 0 : i32
        %dma_wait3A_86 = arith.constant 0 : i32
        %dma_wait3A_87 = tpu.memref_slice %arg4[%dma_wait3A, %dma_wait3A_86] : memref<10240x128xf32, #tpu.memory_space<vmem_shared>> -> memref<10240x128xf32, #tpu.memory_space<vmem_shared>>
        tpu.wait_indirect_dma semaphore(%run_scoped3A : memref<!tpu.dma_semaphore, #tpu.memory_space<semaphore_mem>>) src(%arg6 : memref<128x128xf32, #tpu.memory_space<vmem>>) dst(%dma_wait3A_87 : memref<10240x128xf32, #tpu.memory_space<vmem_shared>>)
        tpu.yield
      }) : () -> ()
    }
    %scan3A_39 = arith.constant 79 : i32
    %barrier3A_40 = arith.constant 0 : index
    tpu.barrier barrier_id(%barrier3A_40)
    %mul3A_41 = arith.constant 640 : i32
    %mul3A_42 = arith.muli %arg1, %mul3A_41 : i32
    %add3A_43 = arith.constant 0 : i32
    %add3A_44 = arith.addi %mul3A_42, %add3A_43 : i32
    %mul3A_45 = arith.constant 10240 : i32
    %mul3A_46 = arith.muli %arg0, %mul3A_45 : i32
    %add3A_47 = arith.addi %mul3A_46, %add3A_44 : i32
    "tpu.region"() ({
      %run_scoped3A = tpu.sem_alloc : memref<!tpu.dma_semaphore, #tpu.memory_space<semaphore_mem>>
      %dma_start3A = arith.constant 0 : i32
      %dma_start3A_76 = tpu.memref_slice %arg3[%add3A_47, %dma_start3A] : memref<20480x128xf32, #tpu.memory_space<hbm>> -> memref<128x128xf32, #tpu.memory_space<hbm>>
      %dma_start3A_77 = arith.constant 0 : i32
      %dma_start3A_78 = tpu.memref_slice %arg4[%add3A_44, %dma_start3A_77] : memref<10240x128xf32, #tpu.memory_space<vmem_shared>> -> memref<128x128xf32, #tpu.memory_space<vmem_shared>>
      tpu.enqueue_dma source(%dma_start3A_78 : memref<128x128xf32, #tpu.memory_space<vmem_shared>>) target(%dma_start3A_76 : memref<128x128xf32, #tpu.memory_space<hbm>>) target_semaphore(%run_scoped3A : memref<!tpu.dma_semaphore, #tpu.memory_space<semaphore_mem>>)
      %dma_wait3A = arith.constant 0 : i32
      %dma_wait3A_79 = tpu.memref_slice %arg3[%add3A_47, %dma_wait3A] : memref<20480x128xf32, #tpu.memory_space<hbm>> -> memref<128x128xf32, #tpu.memory_space<hbm>>
      %dma_wait3A_80 = arith.constant 0 : i32
      %dma_wait3A_81 = tpu.memref_slice %arg4[%add3A_44, %dma_wait3A_80] : memref<10240x128xf32, #tpu.memory_space<vmem_shared>> -> memref<128x128xf32, #tpu.memory_space<vmem_shared>>
      tpu.wait_dma2 semaphore(%run_scoped3A : memref<!tpu.dma_semaphore, #tpu.memory_space<semaphore_mem>>) src(%dma_wait3A_81 : memref<128x128xf32, #tpu.memory_space<vmem_shared>>) dst(%dma_wait3A_79 : memref<128x128xf32, #tpu.memory_space<hbm>>)
      tpu.yield
    }) : () -> ()
    %mul3A_48 = arith.constant 640 : i32
    %mul3A_49 = arith.muli %arg1, %mul3A_48 : i32
    %add3A_50 = arith.constant 128 : i32
    %add3A_51 = arith.addi %mul3A_49, %add3A_50 : i32
    %mul3A_52 = arith.constant 10240 : i32
    %mul3A_53 = arith.muli %arg0, %mul3A_52 : i32
    %add3A_54 = arith.addi %mul3A_53, %add3A_51 : i32
    "tpu.region"() ({
      %run_scoped3A = tpu.sem_alloc : memref<!tpu.dma_semaphore, #tpu.memory_space<semaphore_mem>>
      %dma_start3A = arith.constant 0 : i32
      %dma_start3A_76 = tpu.memref_slice %arg3[%add3A_54, %dma_start3A] : memref<20480x128xf32, #tpu.memory_space<hbm>> -> memref<128x128xf32, #tpu.memory_space<hbm>>
      %dma_start3A_77 = arith.constant 0 : i32
      %dma_start3A_78 = tpu.memref_slice %arg4[%add3A_51, %dma_start3A_77] : memref<10240x128xf32, #tpu.memory_space<vmem_shared>> -> memref<128x128xf32, #tpu.memory_space<vmem_shared>>
      tpu.enqueue_dma source(%dma_start3A_78 : memref<128x128xf32, #tpu.memory_space<vmem_shared>>) target(%dma_start3A_76 : memref<128x128xf32, #tpu.memory_space<hbm>>) target_semaphore(%run_scoped3A : memref<!tpu.dma_semaphore, #tpu.memory_space<semaphore_mem>>)
      %dma_wait3A = arith.constant 0 : i32
      %dma_wait3A_79 = tpu.memref_slice %arg3[%add3A_54, %dma_wait3A] : memref<20480x128xf32, #tpu.memory_space<hbm>> -> memref<128x128xf32, #tpu.memory_space<hbm>>
      %dma_wait3A_80 = arith.constant 0 : i32
      %dma_wait3A_81 = tpu.memref_slice %arg4[%add3A_51, %dma_wait3A_80] : memref<10240x128xf32, #tpu.memory_space<vmem_shared>> -> memref<128x128xf32, #tpu.memory_space<vmem_shared>>
      tpu.wait_dma2 semaphore(%run_scoped3A : memref<!tpu.dma_semaphore, #tpu.memory_space<semaphore_mem>>) src(%dma_wait3A_81 : memref<128x128xf32, #tpu.memory_space<vmem_shared>>) dst(%dma_wait3A_79 : memref<128x128xf32, #tpu.memory_space<hbm>>)
      tpu.yield
    }) : () -> ()
    %mul3A_55 = arith.constant 640 : i32
    %mul3A_56 = arith.muli %arg1, %mul3A_55 : i32
    %add3A_57 = arith.constant 256 : i32
    %add3A_58 = arith.addi %mul3A_56, %add3A_57 : i32
    %mul3A_59 = arith.constant 10240 : i32
    %mul3A_60 = arith.muli %arg0, %mul3A_59 : i32
    %add3A_61 = arith.addi %mul3A_60, %add3A_58 : i32
    "tpu.region"() ({
      %run_scoped3A = tpu.sem_alloc : memref<!tpu.dma_semaphore, #tpu.memory_space<semaphore_mem>>
      %dma_start3A = arith.constant 0 : i32
      %dma_start3A_76 = tpu.memref_slice %arg3[%add3A_61, %dma_start3A] : memref<20480x128xf32, #tpu.memory_space<hbm>> -> memref<128x128xf32, #tpu.memory_space<hbm>>
      %dma_start3A_77 = arith.constant 0 : i32
      %dma_start3A_78 = tpu.memref_slice %arg4[%add3A_58, %dma_start3A_77] : memref<10240x128xf32, #tpu.memory_space<vmem_shared>> -> memref<128x128xf32, #tpu.memory_space<vmem_shared>>
      tpu.enqueue_dma source(%dma_start3A_78 : memref<128x128xf32, #tpu.memory_space<vmem_shared>>) target(%dma_start3A_76 : memref<128x128xf32, #tpu.memory_space<hbm>>) target_semaphore(%run_scoped3A : memref<!tpu.dma_semaphore, #tpu.memory_space<semaphore_mem>>)
      %dma_wait3A = arith.constant 0 : i32
      %dma_wait3A_79 = tpu.memref_slice %arg3[%add3A_61, %dma_wait3A] : memref<20480x128xf32, #tpu.memory_space<hbm>> -> memref<128x128xf32, #tpu.memory_space<hbm>>
      %dma_wait3A_80 = arith.constant 0 : i32
      %dma_wait3A_81 = tpu.memref_slice %arg4[%add3A_58, %dma_wait3A_80] : memref<10240x128xf32, #tpu.memory_space<vmem_shared>> -> memref<128x128xf32, #tpu.memory_space<vmem_shared>>
      tpu.wait_dma2 semaphore(%run_scoped3A : memref<!tpu.dma_semaphore, #tpu.memory_space<semaphore_mem>>) src(%dma_wait3A_81 : memref<128x128xf32, #tpu.memory_space<vmem_shared>>) dst(%dma_wait3A_79 : memref<128x128xf32, #tpu.memory_space<hbm>>)
      tpu.yield
    }) : () -> ()
    %mul3A_62 = arith.constant 640 : i32
    %mul3A_63 = arith.muli %arg1, %mul3A_62 : i32
    %add3A_64 = arith.constant 384 : i32
    %add3A_65 = arith.addi %mul3A_63, %add3A_64 : i32
    %mul3A_66 = arith.constant 10240 : i32
    %mul3A_67 = arith.muli %arg0, %mul3A_66 : i32
    %add3A_68 = arith.addi %mul3A_67, %add3A_65 : i32
    "tpu.region"() ({
      %run_scoped3A = tpu.sem_alloc : memref<!tpu.dma_semaphore, #tpu.memory_space<semaphore_mem>>
      %dma_start3A = arith.constant 0 : i32
      %dma_start3A_76 = tpu.memref_slice %arg3[%add3A_68, %dma_start3A] : memref<20480x128xf32, #tpu.memory_space<hbm>> -> memref<128x128xf32, #tpu.memory_space<hbm>>
      %dma_start3A_77 = arith.constant 0 : i32
      %dma_start3A_78 = tpu.memref_slice %arg4[%add3A_65, %dma_start3A_77] : memref<10240x128xf32, #tpu.memory_space<vmem_shared>> -> memref<128x128xf32, #tpu.memory_space<vmem_shared>>
      tpu.enqueue_dma source(%dma_start3A_78 : memref<128x128xf32, #tpu.memory_space<vmem_shared>>) target(%dma_start3A_76 : memref<128x128xf32, #tpu.memory_space<hbm>>) target_semaphore(%run_scoped3A : memref<!tpu.dma_semaphore, #tpu.memory_space<semaphore_mem>>)
      %dma_wait3A = arith.constant 0 : i32
      %dma_wait3A_79 = tpu.memref_slice %arg3[%add3A_68, %dma_wait3A] : memref<20480x128xf32, #tpu.memory_space<hbm>> -> memref<128x128xf32, #tpu.memory_space<hbm>>
      %dma_wait3A_80 = arith.constant 0 : i32
      %dma_wait3A_81 = tpu.memref_slice %arg4[%add3A_65, %dma_wait3A_80] : memref<10240x128xf32, #tpu.memory_space<vmem_shared>> -> memref<128x128xf32, #tpu.memory_space<vmem_shared>>
      tpu.wait_dma2 semaphore(%run_scoped3A : memref<!tpu.dma_semaphore, #tpu.memory_space<semaphore_mem>>) src(%dma_wait3A_81 : memref<128x128xf32, #tpu.memory_space<vmem_shared>>) dst(%dma_wait3A_79 : memref<128x128xf32, #tpu.memory_space<hbm>>)
      tpu.yield
    }) : () -> ()
    %mul3A_69 = arith.constant 640 : i32
    %mul3A_70 = arith.muli %arg1, %mul3A_69 : i32
    %add3A_71 = arith.constant 512 : i32
    %add3A_72 = arith.addi %mul3A_70, %add3A_71 : i32
    %mul3A_73 = arith.constant 10240 : i32
    %mul3A_74 = arith.muli %arg0, %mul3A_73 : i32
    %add3A_75 = arith.addi %mul3A_74, %add3A_72 : i32
    "tpu.region"() ({
      %run_scoped3A = tpu.sem_alloc : memref<!tpu.dma_semaphore, #tpu.memory_space<semaphore_mem>>
      %dma_start3A = arith.constant 0 : i32
      %dma_start3A_76 = tpu.memref_slice %arg3[%add3A_75, %dma_start3A] : memref<20480x128xf32, #tpu.memory_space<hbm>> -> memref<128x128xf32, #tpu.memory_space<hbm>>
      %dma_start3A_77 = arith.constant 0 : i32
      %dma_start3A_78 = tpu.memref_slice %arg4[%add3A_72, %dma_start3A_77] : memref<10240x128xf32, #tpu.memory_space<vmem_shared>> -> memref<128x128xf32, #tpu.memory_space<vmem_shared>>
      tpu.enqueue_dma source(%dma_start3A_78 : memref<128x128xf32, #tpu.memory_space<vmem_shared>>) target(%dma_start3A_76 : memref<128x128xf32, #tpu.memory_space<hbm>>) target_semaphore(%run_scoped3A : memref<!tpu.dma_semaphore, #tpu.memory_space<semaphore_mem>>)
      %dma_wait3A = arith.constant 0 : i32
      %dma_wait3A_79 = tpu.memref_slice %arg3[%add3A_75, %dma_wait3A] : memref<20480x128xf32, #tpu.memory_space<hbm>> -> memref<128x128xf32, #tpu.memory_space<hbm>>
      %dma_wait3A_80 = arith.constant 0 : i32
      %dma_wait3A_81 = tpu.memref_slice %arg4[%add3A_72, %dma_wait3A_80] : memref<10240x128xf32, #tpu.memory_space<vmem_shared>> -> memref<128x128xf32, #tpu.memory_space<vmem_shared>>
      tpu.wait_dma2 semaphore(%run_scoped3A : memref<!tpu.dma_semaphore, #tpu.memory_space<semaphore_mem>>) src(%dma_wait3A_81 : memref<128x128xf32, #tpu.memory_space<vmem_shared>>) dst(%dma_wait3A_79 : memref<128x128xf32, #tpu.memory_space<hbm>>)
      tpu.yield
    }) : () -> ()
    return
  }
}

#map = affine_map<(d0, d1) -> (0, 0)>
#map1 = affine_map<(d0, d1) -> (0)>
module attributes {stable_mosaic.version = 14 : i64} {
  func.func @_sc_agg_body(%arg0: i32, %arg1: i32, %arg2: memref<10240x128xf32, #tpu.memory_space<hbm>>, %arg3: memref<323584xi32, #tpu.memory_space<hbm>>, %arg4: memref<323584xi32, #tpu.memory_space<hbm>>, %arg5: memref<20480x128xf32, #tpu.memory_space<hbm>>, %arg6: memref<10240x128xf32, #tpu.memory_space<vmem_shared>>, %arg7: memref<128xi32, #tpu.memory_space<vmem>>, %arg8: memref<128xi32, #tpu.memory_space<vmem>>, %arg9: memref<128x128xf32, #tpu.memory_space<vmem>>, %arg10: memref<!tpu.dma_semaphore, #tpu.memory_space<semaphore_mem>>) attributes {dimension_semantics = [#tpu.dimension_semantics<core_parallel>, #tpu.dimension_semantics<subcore_parallel>], iteration_bounds = array<i64: 2, 16>, scalar_prefetch = 0 : i64, scratch_operands = 5 : i64, tpu.core_type = #tpu.core_type<sc_vector_subcore>, window_params = [{transform_indices = #map}, {transform_indices = #map1}, {transform_indices = #map1}, {transform_indices = #map}]} {
    %mul3A = arith.constant 2 : i32
    %mul3A_0 = arith.muli %arg1, %mul3A : i32
    %add3A = arith.addi %mul3A_0, %arg0 : i32
    %mul3A_1 = arith.constant 79 : i32
    %mul3A_2 = arith.muli %add3A, %mul3A_1 : i32
    %broadcast_in_dim3A = arith.constant 0.000000e+00 : f32
    %broadcast_in_dim3A_3 = vector.broadcast %broadcast_in_dim3A : f32 to vector<16xf32>
    %scan3A = arith.constant 0 : i32
    %scan3A_4 = arith.constant 128 : i32
    %scan3A_5 = arith.addi %scan3A, %scan3A_4 : i32
    %scan3A_6 = arith.constant 1 : i32
    scf.for %scan3A_69 = %scan3A to %scan3A_5 step %scan3A_6  : i32 {
      %mul3A_70 = arith.constant 1 : i32
      %mul3A_71 = arith.muli %scan3A_69, %mul3A_70 : i32
      %add3A_72 = arith.constant 0 : i32
      %add3A_73 = arith.addi %add3A_72, %mul3A_71 : i32
      %swap3A = arith.index_cast %add3A_73 : i32 to index
      %swap3A_74 = arith.constant 0 : index
      %swap3A_75 = tpu.vector_load %arg9[%swap3A, %swap3A_74] {strides = array<i32>} : memref<128x128xf32, #tpu.memory_space<vmem>>, vector<1x16xf32>,
      %swap3A_76 = vector.shape_cast %swap3A_75 : vector<1x16xf32> to vector<16xf32>
      %swap3A_77 = vector.shape_cast %broadcast_in_dim3A_3 : vector<16xf32> to vector<1x16xf32>
      tpu.vector_store %arg9[%swap3A, %swap3A_74], %swap3A_77 {strides = array<i32>} : memref<128x128xf32, #tpu.memory_space<vmem>>, vector<1x16xf32>,
      %swap3A_78 = arith.index_cast %add3A_73 : i32 to index
      %swap3A_79 = arith.constant 16 : index
      %swap3A_80 = tpu.vector_load %arg9[%swap3A_78, %swap3A_79] {strides = array<i32>} : memref<128x128xf32, #tpu.memory_space<vmem>>, vector<1x16xf32>,
      %swap3A_81 = vector.shape_cast %swap3A_80 : vector<1x16xf32> to vector<16xf32>
      %swap3A_82 = vector.shape_cast %broadcast_in_dim3A_3 : vector<16xf32> to vector<1x16xf32>
      tpu.vector_store %arg9[%swap3A_78, %swap3A_79], %swap3A_82 {strides = array<i32>} : memref<128x128xf32, #tpu.memory_space<vmem>>, vector<1x16xf32>,
      %swap3A_83 = arith.index_cast %add3A_73 : i32 to index
      %swap3A_84 = arith.constant 32 : index
      %swap3A_85 = tpu.vector_load %arg9[%swap3A_83, %swap3A_84] {strides = array<i32>} : memref<128x128xf32, #tpu.memory_space<vmem>>, vector<1x16xf32>,
      %swap3A_86 = vector.shape_cast %swap3A_85 : vector<1x16xf32> to vector<16xf32>
      %swap3A_87 = vector.shape_cast %broadcast_in_dim3A_3 : vector<16xf32> to vector<1x16xf32>
      tpu.vector_store %arg9[%swap3A_83, %swap3A_84], %swap3A_87 {strides = array<i32>} : memref<128x128xf32, #tpu.memory_space<vmem>>, vector<1x16xf32>,
      %swap3A_88 = arith.index_cast %add3A_73 : i32 to index
      %swap3A_89 = arith.constant 48 : index
      %swap3A_90 = tpu.vector_load %arg9[%swap3A_88, %swap3A_89] {strides = array<i32>} : memref<128x128xf32, #tpu.memory_space<vmem>>, vector<1x16xf32>,
      %swap3A_91 = vector.shape_cast %swap3A_90 : vector<1x16xf32> to vector<16xf32>
      %swap3A_92 = vector.shape_cast %broadcast_in_dim3A_3 : vector<16xf32> to vector<1x16xf32>
      tpu.vector_store %arg9[%swap3A_88, %swap3A_89], %swap3A_92 {strides = array<i32>} : memref<128x128xf32, #tpu.memory_space<vmem>>, vector<1x16xf32>,
      %swap3A_93 = arith.index_cast %add3A_73 : i32 to index
      %swap3A_94 = arith.constant 64 : index
      %swap3A_95 = tpu.vector_load %arg9[%swap3A_93, %swap3A_94] {strides = array<i32>} : memref<128x128xf32, #tpu.memory_space<vmem>>, vector<1x16xf32>,
      %swap3A_96 = vector.shape_cast %swap3A_95 : vector<1x16xf32> to vector<16xf32>
      %swap3A_97 = vector.shape_cast %broadcast_in_dim3A_3 : vector<16xf32> to vector<1x16xf32>
      tpu.vector_store %arg9[%swap3A_93, %swap3A_94], %swap3A_97 {strides = array<i32>} : memref<128x128xf32, #tpu.memory_space<vmem>>, vector<1x16xf32>,
      %swap3A_98 = arith.index_cast %add3A_73 : i32 to index
      %swap3A_99 = arith.constant 80 : index
      %swap3A_100 = tpu.vector_load %arg9[%swap3A_98, %swap3A_99] {strides = array<i32>} : memref<128x128xf32, #tpu.memory_space<vmem>>, vector<1x16xf32>,
      %swap3A_101 = vector.shape_cast %swap3A_100 : vector<1x16xf32> to vector<16xf32>
      %swap3A_102 = vector.shape_cast %broadcast_in_dim3A_3 : vector<16xf32> to vector<1x16xf32>
      tpu.vector_store %arg9[%swap3A_98, %swap3A_99], %swap3A_102 {strides = array<i32>} : memref<128x128xf32, #tpu.memory_space<vmem>>, vector<1x16xf32>,
      %swap3A_103 = arith.index_cast %add3A_73 : i32 to index
      %swap3A_104 = arith.constant 96 : index
      %swap3A_105 = tpu.vector_load %arg9[%swap3A_103, %swap3A_104] {strides = array<i32>} : memref<128x128xf32, #tpu.memory_space<vmem>>, vector<1x16xf32>,
      %swap3A_106 = vector.shape_cast %swap3A_105 : vector<1x16xf32> to vector<16xf32>
      %swap3A_107 = vector.shape_cast %broadcast_in_dim3A_3 : vector<16xf32> to vector<1x16xf32>
      tpu.vector_store %arg9[%swap3A_103, %swap3A_104], %swap3A_107 {strides = array<i32>} : memref<128x128xf32, #tpu.memory_space<vmem>>, vector<1x16xf32>,
      %swap3A_108 = arith.index_cast %add3A_73 : i32 to index
      %swap3A_109 = arith.constant 112 : index
      %swap3A_110 = tpu.vector_load %arg9[%swap3A_108, %swap3A_109] {strides = array<i32>} : memref<128x128xf32, #tpu.memory_space<vmem>>, vector<1x16xf32>,
      %swap3A_111 = vector.shape_cast %swap3A_110 : vector<1x16xf32> to vector<16xf32>
      %swap3A_112 = vector.shape_cast %broadcast_in_dim3A_3 : vector<16xf32> to vector<1x16xf32>
      tpu.vector_store %arg9[%swap3A_108, %swap3A_109], %swap3A_112 {strides = array<i32>} : memref<128x128xf32, #tpu.memory_space<vmem>>, vector<1x16xf32>,
    }
    %scan3A_7 = arith.constant 128 : i32
    %mul3A_8 = arith.constant 640 : i32
    %mul3A_9 = arith.muli %arg1, %mul3A_8 : i32
    %add3A_10 = arith.constant 0 : i32
    %add3A_11 = arith.addi %mul3A_9, %add3A_10 : i32
    "tpu.region"() ({
      %run_scoped3A = tpu.sem_alloc : memref<!tpu.dma_semaphore, #tpu.memory_space<semaphore_mem>>
      %dma_start3A = arith.constant 0 : i32
      %dma_start3A_69 = tpu.memref_slice %arg6[%add3A_11, %dma_start3A] : memref<10240x128xf32, #tpu.memory_space<vmem_shared>> -> memref<128x128xf32, #tpu.memory_space<vmem_shared>>
      %dma_start3A_70 = arith.constant 0 : i32
      %dma_start3A_71 = tpu.memref_slice %arg6[%add3A_11, %dma_start3A_70] : memref<10240x128xf32, #tpu.memory_space<vmem_shared>> -> memref<128x128xf32, #tpu.memory_space<vmem_shared>>
      tpu.enqueue_dma source(%arg9 : memref<128x128xf32, #tpu.memory_space<vmem>>) target(%dma_start3A_71 : memref<128x128xf32, #tpu.memory_space<vmem_shared>>) target_semaphore(%run_scoped3A : memref<!tpu.dma_semaphore, #tpu.memory_space<semaphore_mem>>)
      %dma_wait3A = arith.constant 0 : i32
      %dma_wait3A_72 = tpu.memref_slice %arg6[%add3A_11, %dma_wait3A] : memref<10240x128xf32, #tpu.memory_space<vmem_shared>> -> memref<128x128xf32, #tpu.memory_space<vmem_shared>>
      %dma_wait3A_73 = arith.constant 0 : i32
      %dma_wait3A_74 = tpu.memref_slice %arg6[%add3A_11, %dma_wait3A_73] : memref<10240x128xf32, #tpu.memory_space<vmem_shared>> -> memref<128x128xf32, #tpu.memory_space<vmem_shared>>
      tpu.wait_dma2 semaphore(%run_scoped3A : memref<!tpu.dma_semaphore, #tpu.memory_space<semaphore_mem>>) src(%arg9 : memref<128x128xf32, #tpu.memory_space<vmem>>) dst(%dma_wait3A_74 : memref<128x128xf32, #tpu.memory_space<vmem_shared>>)
      tpu.yield
    }) : () -> ()
    %mul3A_12 = arith.constant 640 : i32
    %mul3A_13 = arith.muli %arg1, %mul3A_12 : i32
    %add3A_14 = arith.constant 128 : i32
    %add3A_15 = arith.addi %mul3A_13, %add3A_14 : i32
    "tpu.region"() ({
      %run_scoped3A = tpu.sem_alloc : memref<!tpu.dma_semaphore, #tpu.memory_space<semaphore_mem>>
      %dma_start3A = arith.constant 0 : i32
      %dma_start3A_69 = tpu.memref_slice %arg6[%add3A_15, %dma_start3A] : memref<10240x128xf32, #tpu.memory_space<vmem_shared>> -> memref<128x128xf32, #tpu.memory_space<vmem_shared>>
      %dma_start3A_70 = arith.constant 0 : i32
      %dma_start3A_71 = tpu.memref_slice %arg6[%add3A_15, %dma_start3A_70] : memref<10240x128xf32, #tpu.memory_space<vmem_shared>> -> memref<128x128xf32, #tpu.memory_space<vmem_shared>>
      tpu.enqueue_dma source(%arg9 : memref<128x128xf32, #tpu.memory_space<vmem>>) target(%dma_start3A_71 : memref<128x128xf32, #tpu.memory_space<vmem_shared>>) target_semaphore(%run_scoped3A : memref<!tpu.dma_semaphore, #tpu.memory_space<semaphore_mem>>)
      %dma_wait3A = arith.constant 0 : i32
      %dma_wait3A_72 = tpu.memref_slice %arg6[%add3A_15, %dma_wait3A] : memref<10240x128xf32, #tpu.memory_space<vmem_shared>> -> memref<128x128xf32, #tpu.memory_space<vmem_shared>>
      %dma_wait3A_73 = arith.constant 0 : i32
      %dma_wait3A_74 = tpu.memref_slice %arg6[%add3A_15, %dma_wait3A_73] : memref<10240x128xf32, #tpu.memory_space<vmem_shared>> -> memref<128x128xf32, #tpu.memory_space<vmem_shared>>
      tpu.wait_dma2 semaphore(%run_scoped3A : memref<!tpu.dma_semaphore, #tpu.memory_space<semaphore_mem>>) src(%arg9 : memref<128x128xf32, #tpu.memory_space<vmem>>) dst(%dma_wait3A_74 : memref<128x128xf32, #tpu.memory_space<vmem_shared>>)
      tpu.yield
    }) : () -> ()
    %mul3A_16 = arith.constant 640 : i32
    %mul3A_17 = arith.muli %arg1, %mul3A_16 : i32
    %add3A_18 = arith.constant 256 : i32
    %add3A_19 = arith.addi %mul3A_17, %add3A_18 : i32
    "tpu.region"() ({
      %run_scoped3A = tpu.sem_alloc : memref<!tpu.dma_semaphore, #tpu.memory_space<semaphore_mem>>
      %dma_start3A = arith.constant 0 : i32
      %dma_start3A_69 = tpu.memref_slice %arg6[%add3A_19, %dma_start3A] : memref<10240x128xf32, #tpu.memory_space<vmem_shared>> -> memref<128x128xf32, #tpu.memory_space<vmem_shared>>
      %dma_start3A_70 = arith.constant 0 : i32
      %dma_start3A_71 = tpu.memref_slice %arg6[%add3A_19, %dma_start3A_70] : memref<10240x128xf32, #tpu.memory_space<vmem_shared>> -> memref<128x128xf32, #tpu.memory_space<vmem_shared>>
      tpu.enqueue_dma source(%arg9 : memref<128x128xf32, #tpu.memory_space<vmem>>) target(%dma_start3A_71 : memref<128x128xf32, #tpu.memory_space<vmem_shared>>) target_semaphore(%run_scoped3A : memref<!tpu.dma_semaphore, #tpu.memory_space<semaphore_mem>>)
      %dma_wait3A = arith.constant 0 : i32
      %dma_wait3A_72 = tpu.memref_slice %arg6[%add3A_19, %dma_wait3A] : memref<10240x128xf32, #tpu.memory_space<vmem_shared>> -> memref<128x128xf32, #tpu.memory_space<vmem_shared>>
      %dma_wait3A_73 = arith.constant 0 : i32
      %dma_wait3A_74 = tpu.memref_slice %arg6[%add3A_19, %dma_wait3A_73] : memref<10240x128xf32, #tpu.memory_space<vmem_shared>> -> memref<128x128xf32, #tpu.memory_space<vmem_shared>>
      tpu.wait_dma2 semaphore(%run_scoped3A : memref<!tpu.dma_semaphore, #tpu.memory_space<semaphore_mem>>) src(%arg9 : memref<128x128xf32, #tpu.memory_space<vmem>>) dst(%dma_wait3A_74 : memref<128x128xf32, #tpu.memory_space<vmem_shared>>)
      tpu.yield
    }) : () -> ()
    %mul3A_20 = arith.constant 640 : i32
    %mul3A_21 = arith.muli %arg1, %mul3A_20 : i32
    %add3A_22 = arith.constant 384 : i32
    %add3A_23 = arith.addi %mul3A_21, %add3A_22 : i32
    "tpu.region"() ({
      %run_scoped3A = tpu.sem_alloc : memref<!tpu.dma_semaphore, #tpu.memory_space<semaphore_mem>>
      %dma_start3A = arith.constant 0 : i32
      %dma_start3A_69 = tpu.memref_slice %arg6[%add3A_23, %dma_start3A] : memref<10240x128xf32, #tpu.memory_space<vmem_shared>> -> memref<128x128xf32, #tpu.memory_space<vmem_shared>>
      %dma_start3A_70 = arith.constant 0 : i32
      %dma_start3A_71 = tpu.memref_slice %arg6[%add3A_23, %dma_start3A_70] : memref<10240x128xf32, #tpu.memory_space<vmem_shared>> -> memref<128x128xf32, #tpu.memory_space<vmem_shared>>
      tpu.enqueue_dma source(%arg9 : memref<128x128xf32, #tpu.memory_space<vmem>>) target(%dma_start3A_71 : memref<128x128xf32, #tpu.memory_space<vmem_shared>>) target_semaphore(%run_scoped3A : memref<!tpu.dma_semaphore, #tpu.memory_space<semaphore_mem>>)
      %dma_wait3A = arith.constant 0 : i32
      %dma_wait3A_72 = tpu.memref_slice %arg6[%add3A_23, %dma_wait3A] : memref<10240x128xf32, #tpu.memory_space<vmem_shared>> -> memref<128x128xf32, #tpu.memory_space<vmem_shared>>
      %dma_wait3A_73 = arith.constant 0 : i32
      %dma_wait3A_74 = tpu.memref_slice %arg6[%add3A_23, %dma_wait3A_73] : memref<10240x128xf32, #tpu.memory_space<vmem_shared>> -> memref<128x128xf32, #tpu.memory_space<vmem_shared>>
      tpu.wait_dma2 semaphore(%run_scoped3A : memref<!tpu.dma_semaphore, #tpu.memory_space<semaphore_mem>>) src(%arg9 : memref<128x128xf32, #tpu.memory_space<vmem>>) dst(%dma_wait3A_74 : memref<128x128xf32, #tpu.memory_space<vmem_shared>>)
      tpu.yield
    }) : () -> ()
    %mul3A_24 = arith.constant 640 : i32
    %mul3A_25 = arith.muli %arg1, %mul3A_24 : i32
    %add3A_26 = arith.constant 512 : i32
    %add3A_27 = arith.addi %mul3A_25, %add3A_26 : i32
    "tpu.region"() ({
      %run_scoped3A = tpu.sem_alloc : memref<!tpu.dma_semaphore, #tpu.memory_space<semaphore_mem>>
      %dma_start3A = arith.constant 0 : i32
      %dma_start3A_69 = tpu.memref_slice %arg6[%add3A_27, %dma_start3A] : memref<10240x128xf32, #tpu.memory_space<vmem_shared>> -> memref<128x128xf32, #tpu.memory_space<vmem_shared>>
      %dma_start3A_70 = arith.constant 0 : i32
      %dma_start3A_71 = tpu.memref_slice %arg6[%add3A_27, %dma_start3A_70] : memref<10240x128xf32, #tpu.memory_space<vmem_shared>> -> memref<128x128xf32, #tpu.memory_space<vmem_shared>>
      tpu.enqueue_dma source(%arg9 : memref<128x128xf32, #tpu.memory_space<vmem>>) target(%dma_start3A_71 : memref<128x128xf32, #tpu.memory_space<vmem_shared>>) target_semaphore(%run_scoped3A : memref<!tpu.dma_semaphore, #tpu.memory_space<semaphore_mem>>)
      %dma_wait3A = arith.constant 0 : i32
      %dma_wait3A_72 = tpu.memref_slice %arg6[%add3A_27, %dma_wait3A] : memref<10240x128xf32, #tpu.memory_space<vmem_shared>> -> memref<128x128xf32, #tpu.memory_space<vmem_shared>>
      %dma_wait3A_73 = arith.constant 0 : i32
      %dma_wait3A_74 = tpu.memref_slice %arg6[%add3A_27, %dma_wait3A_73] : memref<10240x128xf32, #tpu.memory_space<vmem_shared>> -> memref<128x128xf32, #tpu.memory_space<vmem_shared>>
      tpu.wait_dma2 semaphore(%run_scoped3A : memref<!tpu.dma_semaphore, #tpu.memory_space<semaphore_mem>>) src(%arg9 : memref<128x128xf32, #tpu.memory_space<vmem>>) dst(%dma_wait3A_74 : memref<128x128xf32, #tpu.memory_space<vmem_shared>>)
      tpu.yield
    }) : () -> ()
    %barrier3A = arith.constant 0 : index
    tpu.barrier barrier_id(%barrier3A)
    %scan3A_28 = arith.constant 0 : i32
    %scan3A_29 = arith.constant 79 : i32
    %scan3A_30 = arith.addi %scan3A_28, %scan3A_29 : i32
    %scan3A_31 = arith.constant 1 : i32
    scf.for %scan3A_69 = %scan3A_28 to %scan3A_30 step %scan3A_31  : i32 {
      %mul3A_70 = arith.constant 1 : i32
      %mul3A_71 = arith.muli %scan3A_69, %mul3A_70 : i32
      %add3A_72 = arith.constant 0 : i32
      %add3A_73 = arith.addi %add3A_72, %mul3A_71 : i32
      %add3A_74 = arith.addi %mul3A_2, %add3A_73 : i32
      %mul3A_75 = arith.constant 128 : i32
      %mul3A_76 = arith.muli %add3A_74, %mul3A_75 : i32
      "tpu.region"() ({
        %run_scoped3A = tpu.sem_alloc : memref<!tpu.dma_semaphore, #tpu.memory_space<semaphore_mem>>
        %dma_start3A_81 = tpu.memref_slice %arg3[%mul3A_76] : memref<323584xi32, #tpu.memory_space<hbm>> -> memref<128xi32, #tpu.memory_space<hbm>>
        %dma_start3A_82 = tpu.memref_slice %arg3[%mul3A_76] : memref<323584xi32, #tpu.memory_space<hbm>> -> memref<128xi32, #tpu.memory_space<hbm>>
        tpu.enqueue_dma source(%dma_start3A_82 : memref<128xi32, #tpu.memory_space<hbm>>) target(%arg7 : memref<128xi32, #tpu.memory_space<vmem>>) target_semaphore(%run_scoped3A : memref<!tpu.dma_semaphore, #tpu.memory_space<semaphore_mem>>)
        %dma_wait3A_83 = tpu.memref_slice %arg3[%mul3A_76] : memref<323584xi32, #tpu.memory_space<hbm>> -> memref<128xi32, #tpu.memory_space<hbm>>
        %dma_wait3A_84 = tpu.memref_slice %arg3[%mul3A_76] : memref<323584xi32, #tpu.memory_space<hbm>> -> memref<128xi32, #tpu.memory_space<hbm>>
        tpu.wait_dma2 semaphore(%run_scoped3A : memref<!tpu.dma_semaphore, #tpu.memory_space<semaphore_mem>>) src(%dma_wait3A_84 : memref<128xi32, #tpu.memory_space<hbm>>) dst(%arg7 : memref<128xi32, #tpu.memory_space<vmem>>)
        tpu.yield
      }) : () -> ()
      "tpu.region"() ({
        %run_scoped3A = tpu.sem_alloc : memref<!tpu.dma_semaphore, #tpu.memory_space<semaphore_mem>>
        %dma_start3A_81 = tpu.memref_slice %arg4[%mul3A_76] : memref<323584xi32, #tpu.memory_space<hbm>> -> memref<128xi32, #tpu.memory_space<hbm>>
        %dma_start3A_82 = tpu.memref_slice %arg4[%mul3A_76] : memref<323584xi32, #tpu.memory_space<hbm>> -> memref<128xi32, #tpu.memory_space<hbm>>
        tpu.enqueue_dma source(%dma_start3A_82 : memref<128xi32, #tpu.memory_space<hbm>>) target(%arg8 : memref<128xi32, #tpu.memory_space<vmem>>) target_semaphore(%run_scoped3A : memref<!tpu.dma_semaphore, #tpu.memory_space<semaphore_mem>>)
        %dma_wait3A_83 = tpu.memref_slice %arg4[%mul3A_76] : memref<323584xi32, #tpu.memory_space<hbm>> -> memref<128xi32, #tpu.memory_space<hbm>>
        %dma_wait3A_84 = tpu.memref_slice %arg4[%mul3A_76] : memref<323584xi32, #tpu.memory_space<hbm>> -> memref<128xi32, #tpu.memory_space<hbm>>
        tpu.wait_dma2 semaphore(%run_scoped3A : memref<!tpu.dma_semaphore, #tpu.memory_space<semaphore_mem>>) src(%dma_wait3A_84 : memref<128xi32, #tpu.memory_space<hbm>>) dst(%arg8 : memref<128xi32, #tpu.memory_space<vmem>>)
        tpu.yield
      }) : () -> ()
      %dma_start3A = arith.constant 0 : i32
      %dma_start3A_77 = arith.constant 0 : i32
      %dma_start3A_78 = tpu.memref_slice %arg2[%dma_start3A, %dma_start3A_77] : memref<10240x128xf32, #tpu.memory_space<hbm>> -> memref<10240x128xf32, #tpu.memory_space<hbm>>
      tpu.enqueue_indirect_dma source(%dma_start3A_78 : memref<10240x128xf32, #tpu.memory_space<hbm>>) target(%arg9 : memref<128x128xf32, #tpu.memory_space<vmem>>) offsets(%arg7 : memref<128xi32, #tpu.memory_space<vmem>>) semaphore(%arg10 : memref<!tpu.dma_semaphore, #tpu.memory_space<semaphore_mem>>)
      %dma_wait3A = arith.constant 0 : i32
      %dma_wait3A_79 = arith.constant 0 : i32
      %dma_wait3A_80 = tpu.memref_slice %arg2[%dma_wait3A, %dma_wait3A_79] : memref<10240x128xf32, #tpu.memory_space<hbm>> -> memref<10240x128xf32, #tpu.memory_space<hbm>>
      tpu.wait_indirect_dma semaphore(%arg10 : memref<!tpu.dma_semaphore, #tpu.memory_space<semaphore_mem>>) src(%dma_wait3A_80 : memref<10240x128xf32, #tpu.memory_space<hbm>>) dst(%arg9 : memref<128x128xf32, #tpu.memory_space<vmem>>)
      "tpu.region"() ({
        %run_scoped3A = tpu.sem_alloc : memref<!tpu.dma_semaphore, #tpu.memory_space<semaphore_mem>>
        %dma_start3A_81 = arith.constant 0 : i32
        %dma_start3A_82 = arith.constant 0 : i32
        %dma_start3A_83 = tpu.memref_slice %arg6[%dma_start3A_81, %dma_start3A_82] : memref<10240x128xf32, #tpu.memory_space<vmem_shared>> -> memref<10240x128xf32, #tpu.memory_space<vmem_shared>>
        tpu.enqueue_indirect_dma source(%arg9 : memref<128x128xf32, #tpu.memory_space<vmem>>) target(%dma_start3A_83 : memref<10240x128xf32, #tpu.memory_space<vmem_shared>>) offsets(%arg8 : memref<128xi32, #tpu.memory_space<vmem>>) semaphore(%run_scoped3A : memref<!tpu.dma_semaphore, #tpu.memory_space<semaphore_mem>>) {add = true}
        %dma_wait3A_84 = arith.constant 0 : i32
        %dma_wait3A_85 = arith.constant 0 : i32
        %dma_wait3A_86 = tpu.memref_slice %arg6[%dma_wait3A_84, %dma_wait3A_85] : memref<10240x128xf32, #tpu.memory_space<vmem_shared>> -> memref<10240x128xf32, #tpu.memory_space<vmem_shared>>
        tpu.wait_indirect_dma semaphore(%run_scoped3A : memref<!tpu.dma_semaphore, #tpu.memory_space<semaphore_mem>>) src(%arg9 : memref<128x128xf32, #tpu.memory_space<vmem>>) dst(%dma_wait3A_86 : memref<10240x128xf32, #tpu.memory_space<vmem_shared>>)
        tpu.yield
      }) : () -> ()
    }
    %scan3A_32 = arith.constant 79 : i32
    %barrier3A_33 = arith.constant 0 : index
    tpu.barrier barrier_id(%barrier3A_33)
    %mul3A_34 = arith.constant 640 : i32
    %mul3A_35 = arith.muli %arg1, %mul3A_34 : i32
    %add3A_36 = arith.constant 0 : i32
    %add3A_37 = arith.addi %mul3A_35, %add3A_36 : i32
    %mul3A_38 = arith.constant 10240 : i32
    %mul3A_39 = arith.muli %arg0, %mul3A_38 : i32
    %add3A_40 = arith.addi %mul3A_39, %add3A_37 : i32
    "tpu.region"() ({
      %run_scoped3A = tpu.sem_alloc : memref<!tpu.dma_semaphore, #tpu.memory_space<semaphore_mem>>
      %dma_start3A = arith.constant 0 : i32
      %dma_start3A_69 = tpu.memref_slice %arg5[%add3A_40, %dma_start3A] : memref<20480x128xf32, #tpu.memory_space<hbm>> -> memref<128x128xf32, #tpu.memory_space<hbm>>
      %dma_start3A_70 = arith.constant 0 : i32
      %dma_start3A_71 = tpu.memref_slice %arg6[%add3A_37, %dma_start3A_70] : memref<10240x128xf32, #tpu.memory_space<vmem_shared>> -> memref<128x128xf32, #tpu.memory_space<vmem_shared>>
      tpu.enqueue_dma source(%dma_start3A_71 : memref<128x128xf32, #tpu.memory_space<vmem_shared>>) target(%dma_start3A_69 : memref<128x128xf32, #tpu.memory_space<hbm>>) target_semaphore(%run_scoped3A : memref<!tpu.dma_semaphore, #tpu.memory_space<semaphore_mem>>)
      %dma_wait3A = arith.constant 0 : i32
      %dma_wait3A_72 = tpu.memref_slice %arg5[%add3A_40, %dma_wait3A] : memref<20480x128xf32, #tpu.memory_space<hbm>> -> memref<128x128xf32, #tpu.memory_space<hbm>>
      %dma_wait3A_73 = arith.constant 0 : i32
      %dma_wait3A_74 = tpu.memref_slice %arg6[%add3A_37, %dma_wait3A_73] : memref<10240x128xf32, #tpu.memory_space<vmem_shared>> -> memref<128x128xf32, #tpu.memory_space<vmem_shared>>
      tpu.wait_dma2 semaphore(%run_scoped3A : memref<!tpu.dma_semaphore, #tpu.memory_space<semaphore_mem>>) src(%dma_wait3A_74 : memref<128x128xf32, #tpu.memory_space<vmem_shared>>) dst(%dma_wait3A_72 : memref<128x128xf32, #tpu.memory_space<hbm>>)
      tpu.yield
    }) : () -> ()
    %mul3A_41 = arith.constant 640 : i32
    %mul3A_42 = arith.muli %arg1, %mul3A_41 : i32
    %add3A_43 = arith.constant 128 : i32
    %add3A_44 = arith.addi %mul3A_42, %add3A_43 : i32
    %mul3A_45 = arith.constant 10240 : i32
    %mul3A_46 = arith.muli %arg0, %mul3A_45 : i32
    %add3A_47 = arith.addi %mul3A_46, %add3A_44 : i32
    "tpu.region"() ({
      %run_scoped3A = tpu.sem_alloc : memref<!tpu.dma_semaphore, #tpu.memory_space<semaphore_mem>>
      %dma_start3A = arith.constant 0 : i32
      %dma_start3A_69 = tpu.memref_slice %arg5[%add3A_47, %dma_start3A] : memref<20480x128xf32, #tpu.memory_space<hbm>> -> memref<128x128xf32, #tpu.memory_space<hbm>>
      %dma_start3A_70 = arith.constant 0 : i32
      %dma_start3A_71 = tpu.memref_slice %arg6[%add3A_44, %dma_start3A_70] : memref<10240x128xf32, #tpu.memory_space<vmem_shared>> -> memref<128x128xf32, #tpu.memory_space<vmem_shared>>
      tpu.enqueue_dma source(%dma_start3A_71 : memref<128x128xf32, #tpu.memory_space<vmem_shared>>) target(%dma_start3A_69 : memref<128x128xf32, #tpu.memory_space<hbm>>) target_semaphore(%run_scoped3A : memref<!tpu.dma_semaphore, #tpu.memory_space<semaphore_mem>>)
      %dma_wait3A = arith.constant 0 : i32
      %dma_wait3A_72 = tpu.memref_slice %arg5[%add3A_47, %dma_wait3A] : memref<20480x128xf32, #tpu.memory_space<hbm>> -> memref<128x128xf32, #tpu.memory_space<hbm>>
      %dma_wait3A_73 = arith.constant 0 : i32
      %dma_wait3A_74 = tpu.memref_slice %arg6[%add3A_44, %dma_wait3A_73] : memref<10240x128xf32, #tpu.memory_space<vmem_shared>> -> memref<128x128xf32, #tpu.memory_space<vmem_shared>>
      tpu.wait_dma2 semaphore(%run_scoped3A : memref<!tpu.dma_semaphore, #tpu.memory_space<semaphore_mem>>) src(%dma_wait3A_74 : memref<128x128xf32, #tpu.memory_space<vmem_shared>>) dst(%dma_wait3A_72 : memref<128x128xf32, #tpu.memory_space<hbm>>)
      tpu.yield
    }) : () -> ()
    %mul3A_48 = arith.constant 640 : i32
    %mul3A_49 = arith.muli %arg1, %mul3A_48 : i32
    %add3A_50 = arith.constant 256 : i32
    %add3A_51 = arith.addi %mul3A_49, %add3A_50 : i32
    %mul3A_52 = arith.constant 10240 : i32
    %mul3A_53 = arith.muli %arg0, %mul3A_52 : i32
    %add3A_54 = arith.addi %mul3A_53, %add3A_51 : i32
    "tpu.region"() ({
      %run_scoped3A = tpu.sem_alloc : memref<!tpu.dma_semaphore, #tpu.memory_space<semaphore_mem>>
      %dma_start3A = arith.constant 0 : i32
      %dma_start3A_69 = tpu.memref_slice %arg5[%add3A_54, %dma_start3A] : memref<20480x128xf32, #tpu.memory_space<hbm>> -> memref<128x128xf32, #tpu.memory_space<hbm>>
      %dma_start3A_70 = arith.constant 0 : i32
      %dma_start3A_71 = tpu.memref_slice %arg6[%add3A_51, %dma_start3A_70] : memref<10240x128xf32, #tpu.memory_space<vmem_shared>> -> memref<128x128xf32, #tpu.memory_space<vmem_shared>>
      tpu.enqueue_dma source(%dma_start3A_71 : memref<128x128xf32, #tpu.memory_space<vmem_shared>>) target(%dma_start3A_69 : memref<128x128xf32, #tpu.memory_space<hbm>>) target_semaphore(%run_scoped3A : memref<!tpu.dma_semaphore, #tpu.memory_space<semaphore_mem>>)
      %dma_wait3A = arith.constant 0 : i32
      %dma_wait3A_72 = tpu.memref_slice %arg5[%add3A_54, %dma_wait3A] : memref<20480x128xf32, #tpu.memory_space<hbm>> -> memref<128x128xf32, #tpu.memory_space<hbm>>
      %dma_wait3A_73 = arith.constant 0 : i32
      %dma_wait3A_74 = tpu.memref_slice %arg6[%add3A_51, %dma_wait3A_73] : memref<10240x128xf32, #tpu.memory_space<vmem_shared>> -> memref<128x128xf32, #tpu.memory_space<vmem_shared>>
      tpu.wait_dma2 semaphore(%run_scoped3A : memref<!tpu.dma_semaphore, #tpu.memory_space<semaphore_mem>>) src(%dma_wait3A_74 : memref<128x128xf32, #tpu.memory_space<vmem_shared>>) dst(%dma_wait3A_72 : memref<128x128xf32, #tpu.memory_space<hbm>>)
      tpu.yield
    }) : () -> ()
    %mul3A_55 = arith.constant 640 : i32
    %mul3A_56 = arith.muli %arg1, %mul3A_55 : i32
    %add3A_57 = arith.constant 384 : i32
    %add3A_58 = arith.addi %mul3A_56, %add3A_57 : i32
    %mul3A_59 = arith.constant 10240 : i32
    %mul3A_60 = arith.muli %arg0, %mul3A_59 : i32
    %add3A_61 = arith.addi %mul3A_60, %add3A_58 : i32
    "tpu.region"() ({
      %run_scoped3A = tpu.sem_alloc : memref<!tpu.dma_semaphore, #tpu.memory_space<semaphore_mem>>
      %dma_start3A = arith.constant 0 : i32
      %dma_start3A_69 = tpu.memref_slice %arg5[%add3A_61, %dma_start3A] : memref<20480x128xf32, #tpu.memory_space<hbm>> -> memref<128x128xf32, #tpu.memory_space<hbm>>
      %dma_start3A_70 = arith.constant 0 : i32
      %dma_start3A_71 = tpu.memref_slice %arg6[%add3A_58, %dma_start3A_70] : memref<10240x128xf32, #tpu.memory_space<vmem_shared>> -> memref<128x128xf32, #tpu.memory_space<vmem_shared>>
      tpu.enqueue_dma source(%dma_start3A_71 : memref<128x128xf32, #tpu.memory_space<vmem_shared>>) target(%dma_start3A_69 : memref<128x128xf32, #tpu.memory_space<hbm>>) target_semaphore(%run_scoped3A : memref<!tpu.dma_semaphore, #tpu.memory_space<semaphore_mem>>)
      %dma_wait3A = arith.constant 0 : i32
      %dma_wait3A_72 = tpu.memref_slice %arg5[%add3A_61, %dma_wait3A] : memref<20480x128xf32, #tpu.memory_space<hbm>> -> memref<128x128xf32, #tpu.memory_space<hbm>>
      %dma_wait3A_73 = arith.constant 0 : i32
      %dma_wait3A_74 = tpu.memref_slice %arg6[%add3A_58, %dma_wait3A_73] : memref<10240x128xf32, #tpu.memory_space<vmem_shared>> -> memref<128x128xf32, #tpu.memory_space<vmem_shared>>
      tpu.wait_dma2 semaphore(%run_scoped3A : memref<!tpu.dma_semaphore, #tpu.memory_space<semaphore_mem>>) src(%dma_wait3A_74 : memref<128x128xf32, #tpu.memory_space<vmem_shared>>) dst(%dma_wait3A_72 : memref<128x128xf32, #tpu.memory_space<hbm>>)
      tpu.yield
    }) : () -> ()
    %mul3A_62 = arith.constant 640 : i32
    %mul3A_63 = arith.muli %arg1, %mul3A_62 : i32
    %add3A_64 = arith.constant 512 : i32
    %add3A_65 = arith.addi %mul3A_63, %add3A_64 : i32
    %mul3A_66 = arith.constant 10240 : i32
    %mul3A_67 = arith.muli %arg0, %mul3A_66 : i32
    %add3A_68 = arith.addi %mul3A_67, %add3A_65 : i32
    "tpu.region"() ({
      %run_scoped3A = tpu.sem_alloc : memref<!tpu.dma_semaphore, #tpu.memory_space<semaphore_mem>>
      %dma_start3A = arith.constant 0 : i32
      %dma_start3A_69 = tpu.memref_slice %arg5[%add3A_68, %dma_start3A] : memref<20480x128xf32, #tpu.memory_space<hbm>> -> memref<128x128xf32, #tpu.memory_space<hbm>>
      %dma_start3A_70 = arith.constant 0 : i32
      %dma_start3A_71 = tpu.memref_slice %arg6[%add3A_65, %dma_start3A_70] : memref<10240x128xf32, #tpu.memory_space<vmem_shared>> -> memref<128x128xf32, #tpu.memory_space<vmem_shared>>
      tpu.enqueue_dma source(%dma_start3A_71 : memref<128x128xf32, #tpu.memory_space<vmem_shared>>) target(%dma_start3A_69 : memref<128x128xf32, #tpu.memory_space<hbm>>) target_semaphore(%run_scoped3A : memref<!tpu.dma_semaphore, #tpu.memory_space<semaphore_mem>>)
      %dma_wait3A = arith.constant 0 : i32
      %dma_wait3A_72 = tpu.memref_slice %arg5[%add3A_68, %dma_wait3A] : memref<20480x128xf32, #tpu.memory_space<hbm>> -> memref<128x128xf32, #tpu.memory_space<hbm>>
      %dma_wait3A_73 = arith.constant 0 : i32
      %dma_wait3A_74 = tpu.memref_slice %arg6[%add3A_65, %dma_wait3A_73] : memref<10240x128xf32, #tpu.memory_space<vmem_shared>> -> memref<128x128xf32, #tpu.memory_space<vmem_shared>>
      tpu.wait_dma2 semaphore(%run_scoped3A : memref<!tpu.dma_semaphore, #tpu.memory_space<semaphore_mem>>) src(%dma_wait3A_74 : memref<128x128xf32, #tpu.memory_space<vmem_shared>>) dst(%dma_wait3A_72 : memref<128x128xf32, #tpu.memory_space<hbm>>)
      tpu.yield
    }) : () -> ()
    return
  }
}

module attributes {stable_mosaic.version = 14 : i64} {
  func.func @_mm_body(%arg0: i32, %arg1: memref<1024x128xf32, #tpu.memory_space<vmem>>, %arg2: memref<128x128xf32, #tpu.memory_space<vmem>>, %arg3: memref<1024x128xf32, #tpu.memory_space<vmem>>) attributes {dimension_semantics = [#tpu.dimension_semantics<arbitrary>], iteration_bounds = array<i64: 10>, scalar_prefetch = 0 : i64, scratch_operands = 0 : i64, tpu.core_type = #tpu.core_type<tc>, window_params = [{transform_indices = @transform_0, window_bounds = array<i64: 1024, 128>}, {pipeline_mode = #tpu.pipeline_mode<synchronous>, transform_indices = @transform_1, window_bounds = array<i64: 128, 128>}, {transform_indices = @transform_2, window_bounds = array<i64: 1024, 128>}]} {
    %get3A = arith.constant 0 : index
    %get3A_0 = arith.constant 0 : index
    %get3A_1 = vector.load %arg1[%get3A, %get3A_0] : memref<1024x128xf32, #tpu.memory_space<vmem>>, vector<1024x128xf32>
    %get3A_2 = arith.constant 0 : index
    %get3A_3 = arith.constant 0 : index
    %get3A_4 = vector.load %arg2[%get3A_2, %get3A_3] : memref<128x128xf32, #tpu.memory_space<vmem>>, vector<128x128xf32>
    %dot_general3A = arith.constant dense<0.000000e+00> : vector<1024x128xf32>
    %dot_general3A_5 = tpu.matmul %get3A_1, %get3A_4, %dot_general3A {dimension_numbers = #tpu.dot_dimension_numbers<[1], [0], [0], [1], [0, 0, 1, 1], [], []>, transpose_lhs_hint = false} : vector<1024x128xf32>, vector<128x128xf32>, vector<1024x128xf32> -> vector<1024x128xf32>
    %swap3A = arith.constant 0 : index
    %swap3A_6 = arith.constant 0 : index
    %swap3A_7 = vector.load %arg3[%swap3A, %swap3A_6] : memref<1024x128xf32, #tpu.memory_space<vmem>>, vector<1024x128xf32>
    tpu.vector_store %arg3[%swap3A, %swap3A_6], %dot_general3A_5 {strides = array<i32>} : memref<1024x128xf32, #tpu.memory_space<vmem>>, vector<1024x128xf32>,
    return
  }
  func.func @transform_0(%arg0: i32) -> (i32, i32) {
    %c0_i32 = arith.constant 0 : i32
    %c0_i32_0 = arith.constant 0 : i32
    return %arg0, %c0_i32 : i32, i32
  }
  func.func @transform_1(%arg0: i32) -> (i32, i32) {
    %c0_i32 = arith.constant 0 : i32
    %c0_i32_0 = arith.constant 0 : i32
    %c0_i32_1 = arith.constant 0 : i32
    return %c0_i32, %c0_i32_0 : i32, i32
  }
  func.func @transform_2(%arg0: i32) -> (i32, i32) {
    %c0_i32 = arith.constant 0 : i32
    %c0_i32_0 = arith.constant 0 : i32
    return %arg0, %c0_i32 : i32, i32
  }
}

module attributes {stable_mosaic.version = 14 : i64} {
  func.func @_post_mm_body(%arg0: i32, %arg1: memref<2x1024x128xf32, #tpu.memory_space<vmem>>, %arg2: memref<2x1024x128xf32, #tpu.memory_space<vmem>>, %arg3: memref<128xf32, #tpu.memory_space<vmem>>, %arg4: memref<128x128xf32, #tpu.memory_space<vmem>>, %arg5: memref<1024x128xf32, #tpu.memory_space<vmem>>) attributes {dimension_semantics = [#tpu.dimension_semantics<arbitrary>], iteration_bounds = array<i64: 10>, scalar_prefetch = 0 : i64, scratch_operands = 0 : i64, tpu.core_type = #tpu.core_type<tc>, window_params = [{transform_indices = @transform_0, window_bounds = array<i64: 2, 1024, 128>}, {transform_indices = @transform_1, window_bounds = array<i64: 2, 1024, 128>}, {pipeline_mode = #tpu.pipeline_mode<synchronous>, transform_indices = @transform_2, window_bounds = array<i64: 128>}, {pipeline_mode = #tpu.pipeline_mode<synchronous>, transform_indices = @transform_3, window_bounds = array<i64: 128, 128>}, {transform_indices = @transform_4, window_bounds = array<i64: 1024, 128>}]} {
    %get3A = arith.constant 0 : index
    %get3A_0 = arith.constant 0 : index
    %get3A_1 = arith.constant 0 : index
    %get3A_2 = vector.load %arg1[%get3A, %get3A_0, %get3A_1] : memref<2x1024x128xf32, #tpu.memory_space<vmem>>, vector<1x1024x128xf32>
    %get3A_3 = vector.shape_cast %get3A_2 : vector<1x1024x128xf32> to vector<1024x128xf32>
    %get3A_4 = arith.constant 1 : index
    %get3A_5 = arith.constant 0 : index
    %get3A_6 = arith.constant 0 : index
    %get3A_7 = vector.load %arg1[%get3A_4, %get3A_5, %get3A_6] : memref<2x1024x128xf32, #tpu.memory_space<vmem>>, vector<1x1024x128xf32>
    %get3A_8 = vector.shape_cast %get3A_7 : vector<1x1024x128xf32> to vector<1024x128xf32>
    %add3A = arith.addf %get3A_3, %get3A_8 : vector<1024x128xf32>
    %get3A_9 = arith.constant 0 : index
    %get3A_10 = arith.constant 0 : index
    %get3A_11 = arith.constant 0 : index
    %get3A_12 = vector.load %arg2[%get3A_9, %get3A_10, %get3A_11] : memref<2x1024x128xf32, #tpu.memory_space<vmem>>, vector<1x1024x1xf32>
    %get3A_13 = vector.shape_cast %get3A_12 : vector<1x1024x1xf32> to vector<1024xf32>
    %get3A_14 = arith.constant 1 : index
    %get3A_15 = arith.constant 0 : index
    %get3A_16 = arith.constant 0 : index
    %get3A_17 = vector.load %arg2[%get3A_14, %get3A_15, %get3A_16] : memref<2x1024x128xf32, #tpu.memory_space<vmem>>, vector<1x1024x1xf32>
    %get3A_18 = vector.shape_cast %get3A_17 : vector<1x1024x1xf32> to vector<1024xf32>
    %add3A_19 = arith.addf %get3A_13, %get3A_18 : vector<1024xf32>
    %max3A = arith.constant 1.000000e+00 : f32
    %max3A_20 = vector.broadcast %max3A : f32 to vector<1024xf32>
    %max3A_21 = arith.maximumf %add3A_19, %max3A_20 : vector<1024xf32>
    %broadcast_in_dim3A = vector.shape_cast %max3A_21 : vector<1024xf32> to vector<1024x1xf32>
    %div3A = vector.broadcast %broadcast_in_dim3A : vector<1024x1xf32> to vector<1024x128xf32>
    %div3A_22 = arith.divf %add3A, %div3A : vector<1024x128xf32>
    %get3A_23 = arith.constant 0 : index
    %get3A_24 = vector.load %arg3[%get3A_23] : memref<128xf32, #tpu.memory_space<vmem>>, vector<128xf32>
    %broadcast_in_dim3A_25 = vector.shape_cast %get3A_24 : vector<128xf32> to vector<1x128xf32>
    %add3A_26 = vector.broadcast %broadcast_in_dim3A_25 : vector<1x128xf32> to vector<1024x128xf32>
    %add3A_27 = arith.addf %div3A_22, %add3A_26 : vector<1024x128xf32>
    %max3A_28 = arith.constant 0.000000e+00 : f32
    %max3A_29 = vector.broadcast %max3A_28 : f32 to vector<1024x128xf32>
    %max3A_30 = arith.maximumf %add3A_27, %max3A_29 : vector<1024x128xf32>
    %get3A_31 = arith.constant 0 : index
    %get3A_32 = arith.constant 0 : index
    %get3A_33 = vector.load %arg4[%get3A_31, %get3A_32] : memref<128x128xf32, #tpu.memory_space<vmem>>, vector<128x128xf32>
    %dot_general3A = arith.constant dense<0.000000e+00> : vector<1024x128xf32>
    %dot_general3A_34 = tpu.matmul %max3A_30, %get3A_33, %dot_general3A {dimension_numbers = #tpu.dot_dimension_numbers<[1], [0], [0], [1], [0, 0, 1, 1], [], []>, transpose_lhs_hint = false} : vector<1024x128xf32>, vector<128x128xf32>, vector<1024x128xf32> -> vector<1024x128xf32>
    %swap3A = arith.constant 0 : index
    %swap3A_35 = arith.constant 0 : index
    %swap3A_36 = vector.load %arg5[%swap3A, %swap3A_35] : memref<1024x128xf32, #tpu.memory_space<vmem>>, vector<1024x128xf32>
    tpu.vector_store %arg5[%swap3A, %swap3A_35], %dot_general3A_34 {strides = array<i32>} : memref<1024x128xf32, #tpu.memory_space<vmem>>, vector<1024x128xf32>,
    return
  }
  func.func @transform_0(%arg0: i32) -> (i32, i32, i32) {
    %c0_i32 = arith.constant 0 : i32
    %c0_i32_0 = arith.constant 0 : i32
    %c0_i32_1 = arith.constant 0 : i32
    return %c0_i32, %arg0, %c0_i32_0 : i32, i32, i32
  }
  func.func @transform_1(%arg0: i32) -> (i32, i32, i32) {
    %c0_i32 = arith.constant 0 : i32
    %c0_i32_0 = arith.constant 0 : i32
    %c0_i32_1 = arith.constant 0 : i32
    return %c0_i32, %arg0, %c0_i32_0 : i32, i32, i32
  }
  func.func @transform_2(%arg0: i32) -> i32 {
    %c0_i32 = arith.constant 0 : i32
    %c0_i32_0 = arith.constant 0 : i32
    return %c0_i32 : i32
  }
  func.func @transform_3(%arg0: i32) -> (i32, i32) {
    %c0_i32 = arith.constant 0 : i32
    %c0_i32_0 = arith.constant 0 : i32
    %c0_i32_1 = arith.constant 0 : i32
    return %c0_i32, %c0_i32_0 : i32, i32
  }
  func.func @transform_4(%arg0: i32) -> (i32, i32) {
    %c0_i32 = arith.constant 0 : i32
    %c0_i32_0 = arith.constant 0 : i32
    return %arg0, %c0_i32 : i32, i32
  }
}

module attributes {stable_mosaic.version = 14 : i64} {
  func.func @_post_final_body(%arg0: i32, %arg1: memref<2x1024x128xf32, #tpu.memory_space<vmem>>, %arg2: memref<2x1024x128xf32, #tpu.memory_space<vmem>>, %arg3: memref<128xf32, #tpu.memory_space<vmem>>, %arg4: memref<1024x128xf32, #tpu.memory_space<vmem>>) attributes {dimension_semantics = [#tpu.dimension_semantics<arbitrary>], iteration_bounds = array<i64: 10>, scalar_prefetch = 0 : i64, scratch_operands = 0 : i64, tpu.core_type = #tpu.core_type<tc>, window_params = [{transform_indices = @transform_0, window_bounds = array<i64: 2, 1024, 128>}, {transform_indices = @transform_1, window_bounds = array<i64: 2, 1024, 128>}, {pipeline_mode = #tpu.pipeline_mode<synchronous>, transform_indices = @transform_2, window_bounds = array<i64: 128>}, {transform_indices = @transform_3, window_bounds = array<i64: 1024, 128>}]} {
    %get3A = arith.constant 0 : index
    %get3A_0 = arith.constant 0 : index
    %get3A_1 = arith.constant 0 : index
    %get3A_2 = vector.load %arg1[%get3A, %get3A_0, %get3A_1] : memref<2x1024x128xf32, #tpu.memory_space<vmem>>, vector<1x1024x128xf32>
    %get3A_3 = vector.shape_cast %get3A_2 : vector<1x1024x128xf32> to vector<1024x128xf32>
    %get3A_4 = arith.constant 1 : index
    %get3A_5 = arith.constant 0 : index
    %get3A_6 = arith.constant 0 : index
    %get3A_7 = vector.load %arg1[%get3A_4, %get3A_5, %get3A_6] : memref<2x1024x128xf32, #tpu.memory_space<vmem>>, vector<1x1024x128xf32>
    %get3A_8 = vector.shape_cast %get3A_7 : vector<1x1024x128xf32> to vector<1024x128xf32>
    %add3A = arith.addf %get3A_3, %get3A_8 : vector<1024x128xf32>
    %get3A_9 = arith.constant 0 : index
    %get3A_10 = arith.constant 0 : index
    %get3A_11 = arith.constant 0 : index
    %get3A_12 = vector.load %arg2[%get3A_9, %get3A_10, %get3A_11] : memref<2x1024x128xf32, #tpu.memory_space<vmem>>, vector<1x1024x1xf32>
    %get3A_13 = vector.shape_cast %get3A_12 : vector<1x1024x1xf32> to vector<1024xf32>
    %get3A_14 = arith.constant 1 : index
    %get3A_15 = arith.constant 0 : index
    %get3A_16 = arith.constant 0 : index
    %get3A_17 = vector.load %arg2[%get3A_14, %get3A_15, %get3A_16] : memref<2x1024x128xf32, #tpu.memory_space<vmem>>, vector<1x1024x1xf32>
    %get3A_18 = vector.shape_cast %get3A_17 : vector<1x1024x1xf32> to vector<1024xf32>
    %add3A_19 = arith.addf %get3A_13, %get3A_18 : vector<1024xf32>
    %max3A = arith.constant 1.000000e+00 : f32
    %max3A_20 = vector.broadcast %max3A : f32 to vector<1024xf32>
    %max3A_21 = arith.maximumf %add3A_19, %max3A_20 : vector<1024xf32>
    %broadcast_in_dim3A = vector.shape_cast %max3A_21 : vector<1024xf32> to vector<1024x1xf32>
    %div3A = vector.broadcast %broadcast_in_dim3A : vector<1024x1xf32> to vector<1024x128xf32>
    %div3A_22 = arith.divf %add3A, %div3A : vector<1024x128xf32>
    %get3A_23 = arith.constant 0 : index
    %get3A_24 = vector.load %arg3[%get3A_23] : memref<128xf32, #tpu.memory_space<vmem>>, vector<128xf32>
    %broadcast_in_dim3A_25 = vector.shape_cast %get3A_24 : vector<128xf32> to vector<1x128xf32>
    %add3A_26 = vector.broadcast %broadcast_in_dim3A_25 : vector<1x128xf32> to vector<1024x128xf32>
    %add3A_27 = arith.addf %div3A_22, %add3A_26 : vector<1024x128xf32>
    %swap3A = arith.constant 0 : index
    %swap3A_28 = arith.constant 0 : index
    %swap3A_29 = vector.load %arg4[%swap3A, %swap3A_28] : memref<1024x128xf32, #tpu.memory_space<vmem>>, vector<1024x128xf32>
    tpu.vector_store %arg4[%swap3A, %swap3A_28], %add3A_27 {strides = array<i32>} : memref<1024x128xf32, #tpu.memory_space<vmem>>, vector<1024x128xf32>,
    return
  }
  func.func @transform_0(%arg0: i32) -> (i32, i32, i32) {
    %c0_i32 = arith.constant 0 : i32
    %c0_i32_0 = arith.constant 0 : i32
    %c0_i32_1 = arith.constant 0 : i32
    return %c0_i32, %arg0, %c0_i32_0 : i32, i32, i32
  }
  func.func @transform_1(%arg0: i32) -> (i32, i32, i32) {
    %c0_i32 = arith.constant 0 : i32
    %c0_i32_0 = arith.constant 0 : i32
    %c0_i32_1 = arith.constant 0 : i32
    return %c0_i32, %arg0, %c0_i32_0 : i32, i32, i32
  }
  func.func @transform_2(%arg0: i32) -> i32 {
    %c0_i32 = arith.constant 0 : i32
    %c0_i32_0 = arith.constant 0 : i32
    return %c0_i32 : i32
  }
  func.func @transform_3(%arg0: i32) -> (i32, i32) {
    %c0_i32 = arith.constant 0 : i32
    %c0_i32_0 = arith.constant 0 : i32
    return %arg0, %c0_i32 : i32, i32
  }
}

</mosaic_0001>

<sc_bundles>
// kernel: kernel.10.cloned.1.call-start
scs
__scs_entry_jumppad:
0x0: {  	(pc) =	sbr.rel $0x88, $3  }
0x1: {  	(tag) =	ssettag $0x0;
	lr =	simm.s32 $0x1  }
0x2: {  	[smem:$0x3F99] =	sst lr;
	_ =	strace $0xD0000000  }
0x3: {  	_ = 	snop  }
0x4: {  	_ = 	snop  }
0x5: {  	_ = 	snop  }
0x6: {  	_ = 	snop  }
0x7: {  	_ = 	snop  }
__scs_overlays_trampoline_lowered:
0x8: {  	[smem:$0x3FA8] =	sst s0  }
0x9: {  	[smem:$0x3FA9] =	sst s1  }
0xa: {  	[smem:$0x3FAA] =	sst s2  }
0xb: {  	[smem:$0x3FAB] =	sst s3  }
0xc: {  	[smem:$0x3FAC] =	sst s4  }
0xd: {  	[smem:$0x3FAD] =	sst s5  }
0xe: {  	[smem:$0x3FAE] =	sst s6  }
0xf: {  	[smem:$0x3FAF] =	sst s7  }
0x10: {  	[smem:$0x3FB0] =	sst s8  }
0x11: {  	[smem:$0x3FB1] =	sst s9;
	s0 =	simm.s32 @!p0 $0x0  }
0x12: {  	s1 =	sld [smem:$0x3F97];
	s0 =	simm.s32 @p0 $0x1  }
0x13: {  	[smem:$0x3FB2] =	sst s0;
	s0 =	simm.s32 @!p1 $0x0  }
0x14: {  	s2 =	sld [smem:$0x3F96];
	s0 =	simm.s32 @p1 $0x1  }
0x15: {  	[smem:$0x3FB3] =	sst s0;
	s0 =	simm.s32 @!p2 $0x0  }
0x16: {  	s3 =	sld [smem:$0x3FDB];
	s0 =	simm.s32 @p2 $0x1  }
0x17: {  	s4 =	simm.s32 $0x1BF5;
	[smem:$0x3FB5] =	sst s0  }
0x18: {  	s0 =	sld [smem:$0x3F98];
	_ =	swait.ge [sflag:s4], $0x0  }
0x19: {  	s7 =	sld [smem:$0x3F99]  }
0x1a: {  	s8 =	sadd.s32 $0xFFFFE003, lr  }
0x1b: {  	s9 =	sadd.s32 $0xFFFFFEF7, lr;
	s5 =	simm.s32 $0xFFFFFFFF;
	p2 =	slt.u32 s8, $0xFFFFF086  }
0x1c: {  	p1 =	slt.u32 s9, $0xF7A;
	s5 =	simm.s32 @!p2 $0x0  }
0x1d: {  	s5 =	simm.s32 @p1 $0x1;
	p0 =	seq.s32 s7, s2  }
0x1e: {  	s7 =	smul.u32 @!p0 $0xF7A, s2;
	p2 =	seq.s32 @!p0 s5, $0x0  }
0x1f: {  	s9 =	smul.u32 $0xF7A, s1;
	s8 =	simm.s32 @!p0 $0x1BF5;
	p2 =	por !p2, p0  }
0x20: {  	[sflag:s8] =	ssyncset.s32 @!p0 $0xFFFFF086;
	s6 =	sadd.s32 @!p0 s3, s7;
	s7 =	simm.s32 @!p0 $0x108  }
0x21: {  	s3 =	sadd.s32 s3, s9;
	s6 =	sadd.s32 @!p0 $0x88, s6;
	s7 =	simm.s32 @p2 $0x1082  }
0x22: {  	[simem:s7], [sflag:s8] =	dma.local @!p0 [hbm:s6], $0xF7A  }
0x23: {  	s9 =	sor.u32 $0xD0000000, s2;
	s6 =	simm.s32 $0x108;
	_ =	swait.ge @!p0 [sflag:s8], $0x0  }
0x24: {  	s3 =	sadd.s32 $0x88, s3;
	s6 =	simm.s32 @!p1 $0x1082;
	[sflag:s4] =	ssyncset.s32 $0xFFFFF086  }
0x25: {  	[simem:s6], [sflag:s4] =	dma.local [hbm:s3], $0xF7A  }
0x26: {  	[smem:$0x3F99] =	sst s1;
	(tag) =	ssettag s2;
	_ =	strace s9  }
0x27: {  	s1 =	sld [smem:$0x3FA9]  }
0x28: {  	s2 =	sld [smem:$0x3FAA]  }
0x29: {  	s4 =	sld [smem:$0x3FAC]  }
0x2a: {  	p0 =	seq.s32 s5, $0x0;
	s5 =	sld [smem:$0x3FAD]  }
0x2b: {  	s6 =	sld [smem:$0x3FAE]  }
0x2c: {  	s7 =	sld [smem:$0x3FAF]  }
0x2d: {  	s3 =	simm.s32 $0x108;
	s8 =	sld [smem:$0x3FB0]  }
0x2e: {  	s3 =	simm.s32 @!p0 $0x1082;
	s9 =	sld [smem:$0x3FB1]  }
0x2f: {  	lr =	sadd.s32 s0, s3;
	s0 =	sld [smem:$0x3FA8]  }
0x30: {  	s3 =	sld [smem:$0x3FAB]  }
0x31: {  	[smem:$0x3FB4] =	sst s10  }
0x32: {  	s10 =	sld [smem:$0x3FB2];
	_ =	sdelay $0x3  }
0x33: {  	p0 =	seq.s32 s10, $0x1;
	s10 =	sld [smem:$0x3FB4];
	_ =	sdelay $0x3  }
0x34: {  	[smem:$0x3FB4] =	sst s10  }
0x35: {  	s10 =	sld [smem:$0x3FB3];
	_ =	sdelay $0x3  }
0x36: {  	p1 =	seq.s32 s10, $0x1;
	s10 =	sld [smem:$0x3FB4];
	_ =	sdelay $0x3  }
0x37: {  	[smem:$0x3FB4] =	sst s10  }
0x38: {  	s10 =	sld [smem:$0x3FB5]  }
0x39: {  	_ = 	snop;
	(pc) =	sbr.ind lr, $3  }
0x3a: {  	_ = 	snop  }
0x3b: {  	_ = 	snop  }
0x3c: {  	p2 =	seq.s32 s10, $0x1;
	s10 =	sld [smem:$0x3FB4]  }
0x3d: {  	_ =	shalt  }
0x3e: {  	_ =	shalt  }
0x3f: {  	_ =	shalt  }
0x40: {  	_ =	shalt  }
0x41: {  	_ =	shalt  }
0x42: {  	_ =	shalt  }
0x43: {  	_ =	shalt  }
0x44: {  	_ =	shalt  }
0x45: {  	_ =	shalt  }
0x46: {  	_ =	shalt  }
0x47: {  	_ =	shalt  }
0x48: {  	_ =	shalt  }
0x49: {  	_ =	shalt  }
0x4a: {  	_ =	shalt  }
0x4b: {  	_ =	shalt  }
0x4c: {  	_ =	shalt  }
0x4d: {  	_ =	shalt  }
0x4e: {  	_ =	shalt  }
0x4f: {  	_ =	shalt  }
0x50: {  	_ =	shalt  }
0x51: {  	_ =	shalt  }
0x52: {  	_ =	shalt  }
0x53: {  	_ =	shalt  }
0x54: {  	_ =	shalt  }
0x55: {  	_ =	shalt  }
0x56: {  	_ =	shalt  }
0x57: {  	_ =	shalt  }
0x58: {  	_ =	shalt  }
0x59: {  	_ =	shalt  }
0x5a: {  	_ =	shalt  }
0x5b: {  	_ =	shalt  }
0x5c: {  	_ =	shalt  }
0x5d: {  	_ =	shalt  }
0x5e: {  	_ =	shalt  }
0x5f: {  	_ =	shalt  }
0x60: {  	_ =	shalt  }
0x61: {  	_ =	shalt  }
0x62: {  	_ =	shalt  }
0x63: {  	_ =	shalt  }
0x64: {  	_ =	shalt  }
0x65: {  	_ =	shalt  }
0x66: {  	_ =	shalt  }
0x67: {  	_ =	shalt  }
0x68: {  	_ =	shalt  }
0x69: {  	_ =	shalt  }
0x6a: {  	_ =	shalt  }
0x6b: {  	_ =	shalt  }
0x6c: {  	_ =	shalt  }
0x6d: {  	_ =	shalt  }
0x6e: {  	_ =	shalt  }
0x6f: {  	_ =	shalt  }
0x70: {  	_ =	shalt  }
0x71: {  	_ =	shalt  }
0x72: {  	_ =	shalt  }
0x73: {  	_ =	shalt  }
0x74: {  	_ =	shalt  }
0x75: {  	_ =	shalt  }
0x76: {  	_ =	shalt  }
0x77: {  	_ =	shalt  }
0x78: {  	_ =	shalt  }
0x79: {  	_ =	shalt  }
0x7a: {  	_ =	shalt  }
0x7b: {  	_ =	shalt  }
0x7c: {  	_ =	shalt  }
0x7d: {  	_ =	shalt  }
0x7e: {  	_ =	shalt  }
0x7f: {  	_ =	shalt  }
0x80: {  	_ =	shalt  }
0x81: {  	_ =	shalt  }
0x82: {  	_ =	shalt  }
0x83: {  	_ =	shalt  }
0x84: {  	_ =	shalt  }
0x85: {  	_ =	shalt  }
0x86: {  	_ =	shalt  }
0x87: {  	_ =	shalt  }
.Lfunc_end0:
.L_simem_size_0:
called_computation_lowered:
.L_overlay_start_0:
0x88: {  	s2 =	sld [smem:$0x3FD9]  }
0x89: {  	s3 =	sld [smem:$0x3FFE];
	_ =	sdelay $0x1  }
0x8a: {  	s1 =	srdreg.scid  }
0x8b: {  	s0 =	sand.u32 $0x1, s1  }
0x8c: {  	s17 =	sshll.u32 s0, $0xA;
	s2 =	sadd.s32 s3, s2  }
0x8d: {  	s2 =	sadd.s32 s2, s17  }
0x8e: {  	[smem:$0x3FC0] =	sst s2  }
0x8f: {  	_ = 	snop  }
0x90: {  	(tm) =	ssettm $0x1  }
0x91: {  	s18 =	sld [smem:$0x3FFB];
	_ =	sdelay $0x3  }
0x92: {  	_ =	strace s18  }
0x93: {  	s2 =	sld [smem:$0x3FFC];
	_ =	sdelay $0x3  }
0x94: {  	_ =	strace s2  }
0x95: {  	s2 =	sld [smem:$0x3FFD];
	_ =	sdelay $0x3  }
0x96: {  	_ =	strace s2  }
0x97: {  	_ =	strace $0x8FFFFFFF  }
0x98: {  	s19 =	sld [smem:$0x3FDB];
	_ =	sdelay $0x1  }
0x99: {  	s20 =	simm.s32 $_scs_section_size  }
0x9a: {  	s4 =	simm.s32 $_size__tile_overlayer_lowered;
	s5 =	simm.s32 $_tile_overlayer_lowered  }
0x9b: {  	s6 =	simm.s32 $0x1BFF;
	s21 =	sshll.u32 s5, $0x1;
	s3 =	sadd.s32 s20, s19  }
0x9c: {  	s22 =	simm.s32 $0x0;
	s4 =	sshll.u32 s4, $0x1;
	s5 =	sadd.s32 s21, s3  }
0x9d: {  	[timem:s22], [sflag:s6] =	dma.local [hbm:s5], s4  }
0x9e: {  	_ =	swait.ge [sflag:s6], s4  }
0x9f: {  	s4 =	ssub.s32 $0x0, s4;
	[sflag:s6] =	ssyncset.done $0x0  }
0xa0: {  	[sflag:s6] =	ssyncadd.s32 s4;
	_ =	sdelay $0x1  }
0xa1: {  	s23 =	simm.s32 $0x1B8B  }
0xa2: {  	_ =	swait.ge [sflag:s23], $0x1  }
0xa3: {  	[sflag:s23] =	ssyncset.done $0x0  }
0xa4: {  	[sflag:s23] =	ssyncadd.s32 $0xFFFFFFFF  }
0xa5: {  	s4 =	sld [smem:$0x0]  }
0xa6: {  	s5 =	sand.u32 $0xFFFFFFFE, s1  }
0xa7: {  	p0 =	sne.s32 s1, s5  }
0xa8: {  	s5 =	sshll.u32 @p0 s5, $0xE  }
0xa9: {  	s5 =	sadd.s32 @p0 $0x11B8D, s5;
	s6 =	sshll.u32 @p0 s4, $0x11  }
0xaa: {  	s5 =	sor.u32 @p0 s6, s5  }
0xab: {  	[sflag:s5] =	ssyncadd.remote.s32 @p0 $0x1;
	_ =	sdelay $0x1  }
0xac: {  	s5 =	simm.s32 @p0 $0x1B8D  }
0xad: {  	_ =	swait.eq @p0 [sflag:s5], $0x1  }
0xae: {  	[sflag:s5] =	ssyncadd.s32 @p0 $0xFFFFFFFF  }
0xaf: {  	s6 =	sshll.u32 @!p0 s1, $0xE  }
0xb0: {  	s6 =	sor.u32 @!p0 $0x4000, s6;
	s5 =	simm.s32 @!p0 $0x1B8D  }
0xb1: {  	s4 =	sshll.u32 @!p0 s4, $0x11;
	s6 =	sadd.s32 @!p0 $0x11B8D, s6;
	_ =	swait.eq @!p0 [sflag:s5], $0x1  }
0xb2: {  	s4 =	sor.u32 @!p0 s4, s6;
	[sflag:s5] =	ssyncadd.s32 @!p0 $0xFFFFFFFF  }
0xb3: {  	s25 =	simm.s32 $0x1B8E;
	s24 =	sld [smem:$0x3FFE];
	[sflag:s4] =	ssyncadd.remote.s32 @!p0 $0x1  }
0xb4: {  	s26 =	simm.s32 $execute0_lowered;
	[smem:$0x3FD2] =	sst s25  }
0xb5: {  	s5 =	sshll.u32 s26, $0x1;
	_ =	strace $0x80000049;
	[dreg:$0x1] =	wrdreg $0xFFFFFFFF  }
0xb6: {  	s28 =	simm.s32 $_size_execute0_lowered;
	s3 =	sadd.s32 s3, s5;
	[dreg:$0x0] =	wrdreg $0x0  }
0xb7: {  	s5 =	sshll.u32 s28, $0x1;
	[dreg:$0x2] =	wrdreg s3  }
0xb8: {  	[dreg:$0x3] =	wrdreg s5  }
0xb9: {  	[dreg:$0x4] =	wrdreg $0xC0  }
0xba: {  	_ =	task [dreg:s22], $0x5FFFF  }
0xbb: {  	[dreg:$0x1] =	wrdreg $0xFFFFFFFF  }
0xbc: {  	[dreg:$0x0] =	wrdreg $0x60  }
0xbd: {  	[dreg:$0x2] =	wrdreg s24  }
0xbe: {  	[dreg:$0x3] =	wrdreg $0x0  }
0xbf: {  	[dreg:$0x4] =	wrdreg $0x9  }
0xc0: {  	_ =	task.clear_ibuf [dreg:s22], $0x5FFFF;
	_ =	strace $0x90000049  }
0xc1: {  	s29 =	simm.s32 $0x9;
	_ =	strace $0x8000004B  }
0xc2: {  	_ =	swait.ge [sflag:s29], $0x1  }
0xc3: {  	[sflag:s29] =	ssyncadd.s32 $0xFFFFFFFF  }
0xc4: {  	_ =	strace $0x9000004B  }
0xc5: {  	_ =	sfence  }
0xc6: {  	s30 =	sld [smem:$0x0];
	_ =	sdelay $0x2  }
0xc7: {  	s31 =	sshll.u32 s1, $0xD;
	s1 =	sshrl.u32 s1, $0x2  }
0xc8: {  	s4 =	sand.u32 $0x4000, s31;
	s1 =	sadd.s32 s1, s30  }
0xc9: {  	s0 =	sor.u32 s4, s0;
	s1 =	sshll.u32 s1, $0x11  }
0xca: {  	s0 =	sor.u32 s1, s0  }
0xcb: {  	s0 =	sadd.s32 $0x8F2B, s0  }
0xcc: {  	[sflag:s0] =	ssyncadd.remote.s32 $0x1  }
0xcd: {  	_ =	sfence.sel $0xFFFF  }
0xce: {  	[dreg:$0x0] =	wrdreg $0xFFFFFFFF;
	(pc) =	sbr.abs _section_cstart, $3  }
0xcf: {  	[dreg:$0x1] =	wrdreg $0xFFFFFFFF  }
0xd0: {  	_ =	task.clear_ibuf [dreg:s22], $0x2FFFF;
	_ =	strace $0x9FFFFFFF  }
0xd1: {  	(tm) =	ssettm $0x7FFFFFFF  }
tec
execute0_lowered:
.L_overlay_start_1:
0x0: {  	(tag) =	ssettag $0x1  }
0x1: {  	s4 =	rddreg [dreg:$0x0]  }
0x2: {  	s2 =	rddreg [dreg:$0x1];
	s1 =	stileid.u32  }
0x3: {  	s0 =	rddreg [dreg:$0x2];
	s5 =	smul.u32 $0x9E0, s1  }
0x4: {  	s3 =	simm.s32 $0x0;
	s6 =	srdreg.scid;
	s8 =	smul.u32 $0x280, s1  }
0x5: {  	[smem:$0x7FF] =	sst s3;
	s11 =	sand.u32 $0x1, s6;
	s20 =	smul.u32 $0x50000, s1  }
0x6: {  	s13 =	sadd.s32 $0x84000, s4;
	_ =	strace $0x8000004A;
	s16 =	smul.u32 $0x2800, s11  }
0x7: {  	s19 =	ssub.s32 $0x2, s11;
	s31 =	smul.u32 $0x4F0, s11;
	s15 =	sadd.s32 s5, s4  }
0x8: {  	s21 =	sshrl.u32 s19, $0x1;
	s9 =	sadd.s32 $0x80, s8;
	s22 =	sshrl.u32 s20, $0x2  }
0x9: {  	s10 =	sadd.s32 $0x100, s8;
	s12 =	sadd.s32 $0x180, s8;
	s17 =	sadd.s32 $0x200, s8  }
0xa: {  	s20 =	simm.s32 $0x0;
	s14 =	ssub.s32 s19, s21;
	s23 =	sshll.u32 s9, $0x7  }
0xb: {  	s4 =	sadd.s32 s22, s2;
	s24 =	sshll.u32 s10, $0x7;
	s7 =	sshll.u32 s12, $0x7  }
0xc: {  	s18 =	sshll.u32 s17, $0x7;
	s19 =	sadd.s32 s8, s16;
	s26 =	sadd.s32 s16, s9  }
0xd: {  	s29 =	sadd.s32 s16, s10;
	s12 =	sadd.s32 s16, s12;
	s16 =	sadd.s32 s16, s17  }
0xe: {  	s15 =	sadd.s32 s31, s15;
	s17 =	simm.s32 $0x1;
	s5 =	sadd.s32 s23, s2  }
0xf: {  	s6 =	sadd.s32 s24, s2;
	s7 =	sadd.s32 s7, s2;
	s8 =	sadd.s32 s18, s2  }
0x10: {  	s25 =	sshll.u32 s19, $0x4;
	s28 =	sshll.u32 s26, $0x4;
	s30 =	sshll.u32 s29, $0x4  }
0x11: {  	s12 =	sshll.u32 s12, $0x4;
	s16 =	sshll.u32 s16, $0x4;
	s14 =	smax.u32 s14, $0x1  }
0x12: {  	s15 =	sadd.s32 $0x2200, s15;
	s18 =	simm.s32 $0x14000;
	s19 =	simm.s32 $0x80  }
0x13: {  	s9 =	sadd.s32 s13, s25;
	s10 =	sadd.s32 s13, s28;
	s11 =	sadd.s32 s13, s30  }
0x14: {  	v0 =	vimm.f32 $0.0e+00;
	v1 =	vimm.f32 $1.000000000e+00;
	s12 =	sadd.s32 s13, s12;
	s13 =	sadd.s32 s13, s16;
	s16 =	simm.s32 $0x14080  }
.LBB2_1:
0x15: {  	s21 =	simm.s32 $0x0;
	s22 =	simm.s32 $0x200  }
.LBB2_2:
0x16: {  	p0 =	sne.s32 s22, $0xFE00;
	[tilespmem:s21+$0x140F0] =	vst v0  }
0x17: {  	[tilespmem:s21+$0x14080] =	vst v0  }
0x18: {  	[tilespmem:s21+$0x14090] =	vst v0  }
.Ltmp0:
0x19: {  	[tilespmem:s21+$0x140A0] =	vst v0;
	(pc) =	sbr.rel @p0 .LBB2_2-.Ltmp0, $4  }
0x1a: {  	[tilespmem:s21+$0x140B0] =	vst v0  }
0x1b: {  	[tilespmem:s21+$0x140C0] =	vst v0  }
0x1c: {  	[tilespmem:s21+$0x140D0] =	vst v0  }
0x1d: {  	[tilespmem:s21+$0x140E0] =	vst v0;
	s21 =	sshra.s32 s22, $0x2;
	s22 =	sadd.s32 $0x200, s22  }
0x1e: {  	[tilespmem:s21+$0x140F0] =	vst v0  }
0x1f: {  	[tilespmem:s21+$0x14080] =	vst v0  }
0x20: {  	[tilespmem:s21+$0x14090] =	vst v0  }
0x21: {  	[tilespmem:s21+$0x140A0] =	vst v0  }
0x22: {  	[tilespmem:s21+$0x140B0] =	vst v0  }
0x23: {  	[tilespmem:s21+$0x140C0] =	vst v0  }
0x24: {  	[tilespmem:s21+$0x140D0] =	vst v0  }
0x25: {  	[tilespmem:s21+$0x140E0] =	vst v0  }
0x26: {  	[spmem:s4] =	stream.linear.scatter [tilespmem:s16], [sflag:$0x1], $0x4000, $0x38;
	[tilespmem:$0x18080] =	vst v63  }
0x27: {  	_ =	swait.ge [sflag:s17], $0x4000  }
0x28: {  	[sflag:s17] =	ssyncset.done $0x0  }
0x29: {  	[sflag:s17] =	ssyncadd.s32 $0xFFFFC000  }
0x2a: {  	[spmem:s5] =	stream.linear.scatter [tilespmem:s16], [sflag:$0x1], $0x4000, $0x38;
	[tilespmem:$0x18080] =	vst v63  }
0x2b: {  	_ =	swait.ge [sflag:s17], $0x4000  }
0x2c: {  	[sflag:s17] =	ssyncset.done $0x0  }
0x2d: {  	[sflag:s17] =	ssyncadd.s32 $0xFFFFC000  }
0x2e: {  	[spmem:s6] =	stream.linear.scatter [tilespmem:s16], [sflag:$0x1], $0x4000, $0x38;
	[tilespmem:$0x18080] =	vst v63  }
0x2f: {  	_ =	swait.ge [sflag:s17], $0x4000  }
0x30: {  	[sflag:s17] =	ssyncset.done $0x0  }
0x31: {  	[sflag:s17] =	ssyncadd.s32 $0xFFFFC000  }
0x32: {  	[spmem:s7] =	stream.linear.scatter [tilespmem:s16], [sflag:$0x1], $0x4000, $0x38;
	[tilespmem:$0x18080] =	vst v63  }
0x33: {  	_ =	swait.ge [sflag:s17], $0x4000  }
0x34: {  	[sflag:s17] =	ssyncset.done $0x0  }
0x35: {  	[sflag:s17] =	ssyncadd.s32 $0xFFFFC000  }
0x36: {  	[spmem:s8] =	stream.linear.scatter [tilespmem:s16], [sflag:$0x1], $0x4000, $0x38;
	[tilespmem:$0x18080] =	vst v63  }
0x37: {  	_ =	swait.ge [sflag:s17], $0x4000  }
0x38: {  	[sflag:s17] =	ssyncset.done $0x0  }
0x39: {  	s21 =	simm.s32 $0x0;
	s22 =	simm.s32 $0x200;
	[sflag:s17] =	ssyncadd.s32 $0xFFFFC000  }
.LBB2_4:
0x3a: {  	p0 =	sne.s32 s22, $0xFE00;
	[tilespmem:s21+$0x140F0] =	vst v1  }
0x3b: {  	[tilespmem:s21+$0x14080] =	vst v1  }
0x3c: {  	[tilespmem:s21+$0x14090] =	vst v1  }
.Ltmp1:
0x3d: {  	[tilespmem:s21+$0x140A0] =	vst v1;
	(pc) =	sbr.rel @p0 .LBB2_4-.Ltmp1, $4  }
0x3e: {  	[tilespmem:s21+$0x140B0] =	vst v1  }
0x3f: {  	[tilespmem:s21+$0x140C0] =	vst v1  }
0x40: {  	[tilespmem:s21+$0x140D0] =	vst v1  }
0x41: {  	[tilespmem:s21+$0x140E0] =	vst v1;
	s21 =	sshra.s32 s22, $0x2;
	s22 =	sadd.s32 $0x200, s22  }
0x42: {  	[tilespmem:s21+$0x140F0] =	vst v1  }
0x43: {  	[tilespmem:s21+$0x14080] =	vst v1  }
0x44: {  	[tilespmem:s21+$0x14090] =	vst v1  }
0x45: {  	[tilespmem:s21+$0x140A0] =	vst v1  }
0x46: {  	[tilespmem:s21+$0x140B0] =	vst v1  }
0x47: {  	[tilespmem:s21+$0x140C0] =	vst v1  }
0x48: {  	[tilespmem:s21+$0x140D0] =	vst v1  }
0x49: {  	[tilespmem:s21+$0x140E0] =	vst v1  }
0x4a: {  	s31 =	sadd.s32 $0x0, s15;
	[bflag:$0x0] =	sbarrier.arrive $0xFFFF  }
0x4b: {  	[tilespmem:s18], [sflag:$0x1] =	stream.linear.gather [hbm4b:s31+s3], $0x80, $0x38;
	[tilespmem:$0x18080] =	vst v63  }
0x4c: {  	_ =	swait.ge [sflag:s17], $0x80  }
0x4d: {  	[sflag:s17] =	ssyncset.done $0x0  }
0x4e: {  	[sflag:s17] =	ssyncadd.s32 $0xFFFFFF80  }
0x4f: {  	[spmem:s2] =	stream.indirect.scatter.add.f32 [tilespmem:s16], [sflag:$0x1], $0x80, s18, s19, $0xb8;
	[tilespmem:$0x18080] =	vst v63  }
0x50: {  	_ =	swait.ge [sflag:s17], $0x4000  }
0x51: {  	s21 =	simm.s32 $0x10;
	s22 =	simm.s32 $0x20;
	[sflag:s17] =	ssyncset.done $0x0  }
.LBB2_6:
0x52: {  	s23 =	sadd.s32 s21, s15  }
0x53: {  	[sflag:s17] =	ssyncadd.s32 $0xFFFFC000;
	s21 =	smov.u32 s22;
	s24 =	sadd.s32 $0x10, s22  }
0x54: {  	[tilespmem:s18], [sflag:$0x1] =	stream.linear.gather [hbm4b:s23+s3], $0x80, $0x38;
	[tilespmem:$0x18080] =	vst v63  }
0x55: {  	p0 =	sne.s32 s22, $0x4E0;
	_ =	swait.ge [sflag:s17], $0x80  }
.Ltmp2:
0x56: {  	[sflag:s17] =	ssyncset.done $0x0;
	(pc) =	sbr.rel @p0 .LBB2_6-.Ltmp2, $4  }
0x57: {  	[sflag:s17] =	ssyncadd.s32 $0xFFFFFF80  }
0x58: {  	[spmem:s2] =	stream.indirect.scatter.add.f32 [tilespmem:s16], [sflag:$0x1], $0x80, s18, s19, $0xb8;
	[tilespmem:$0x18080] =	vst v63  }
0x59: {  	_ =	swait.ge [sflag:s17], $0x4000  }
0x5a: {  	s22 =	smov.u32 s24;
	[sflag:s17] =	ssyncset.done $0x0  }
0x5b: {  	s21 =	sadd.s32 s21, s15;
	[sflag:s17] =	ssyncadd.s32 $0xFFFFC000  }
0x5c: {  	[tilespmem:s18], [sflag:$0x1] =	stream.linear.gather [hbm4b:s21+s3], $0x80, $0x38;
	[tilespmem:$0x18080] =	vst v63  }
0x5d: {  	_ =	swait.ge [sflag:s17], $0x80  }
0x5e: {  	[sflag:s17] =	ssyncset.done $0x0  }
0x5f: {  	[sflag:s17] =	ssyncadd.s32 $0xFFFFFF80  }
0x60: {  	[spmem:s2] =	stream.indirect.scatter.add.f32 [tilespmem:s16], [sflag:$0x1], $0x80, s18, s19, $0xb8;
	[tilespmem:$0x18080] =	vst v63  }
0x61: {  	_ =	swait.ge [sflag:s17], $0x4000  }
0x62: {  	[sflag:s17] =	ssyncset.done $0x0  }
0x63: {  	s26 =	sshll.u32 s1, $0x6;
	[sflag:s17] =	ssyncadd.s32 $0xFFFFC000  }
0x64: {  	s22 =	sshrl.u32 s4, $0x3;
	s21 =	sor.u32 $0x1C01, s26;
	[bflag:$0x0] =	sbarrier.arrive $0xFFFF  }
0x65: {  	[hbm:s9], [sflag:s21] =	dma.local [spmem:s22], $0x800  }
0x66: {  	_ =	swait.ge [sflag:s17], $0x800  }
0x67: {  	[sflag:s17] =	ssyncset.done $0x0  }
0x68: {  	s28 =	sshrl.u32 s5, $0x3;
	[sflag:s17] =	ssyncadd.s32 $0xFFFFF800  }
0x69: {  	[hbm:s10], [sflag:s21] =	dma.local [spmem:s28], $0x800  }
0x6a: {  	_ =	swait.ge [sflag:s17], $0x800  }
0x6b: {  	[sflag:s17] =	ssyncset.done $0x0  }
0x6c: {  	s29 =	sshrl.u32 s6, $0x3;
	[sflag:s17] =	ssyncadd.s32 $0xFFFFF800  }
0x6d: {  	[hbm:s11], [sflag:s21] =	dma.local [spmem:s29], $0x800  }
0x6e: {  	_ =	swait.ge [sflag:s17], $0x800  }
0x6f: {  	[sflag:s17] =	ssyncset.done $0x0  }
0x70: {  	s30 =	sshrl.u32 s7, $0x3;
	[sflag:s17] =	ssyncadd.s32 $0xFFFFF800  }
0x71: {  	[hbm:s12], [sflag:s21] =	dma.local [spmem:s30], $0x800  }
0x72: {  	s20 =	sadd.s32 $0x1, s20;
	_ =	swait.ge [sflag:s17], $0x800  }
0x73: {  	p0 =	sne.s32 s20, s14;
	[sflag:s17] =	ssyncset.done $0x0  }
.Ltmp3:
0x74: {  	s31 =	sshrl.u32 s8, $0x3;
	[sflag:s17] =	ssyncadd.s32 $0xFFFFF800;
	(pc) =	sbr.rel @p0 .LBB2_1-.Ltmp3, $4  }
0x75: {  	[hbm:s13], [sflag:s21] =	dma.local [spmem:s31], $0x800  }
0x76: {  	_ =	swait.ge [sflag:s17], $0x800  }
0x77: {  	[sflag:s17] =	ssyncset.done $0x0  }
0x78: {  	[sflag:s17] =	ssyncadd.s32 $0xFFFFF800  }
0x79: {  	_ =	sfence.sel $0x180000  }
0x7a: {  	[bflag:$0x0] =	sbarrier.arrive $0xFFFF  }
0x7b: {  	p0 =	sne.s32 s1, $0x0;
	_ =	strace $0x9000004A  }
0x7c: {  	s0 =	sadd.s32 @!p0 $0x100000, s0;
	[bflag:$0x2] =	sbarrier.arrive $0xFFFF  }
0x7d: {  	[sflag:s0] =	ssyncadd.tile.s32 @!p0 $0x1;
	_ =	shalt  }
.Lfunc_end2:
_tile_overlayer_lowered:
.L_overlay_start_2:
0x7e: {  	(tag) =	ssettag $0x2  }
0x7f: {  	s0 =	rddreg [dreg:$0x0];
	s2 =	stileid.u32  }
0x80: {  	s1 =	rddreg [dreg:$0x1];
	p0 =	sne.s32 s2, $0x0  }
0x81: {  	s3 =	rddreg [dreg:$0x2];
	[bflag:$0x3] =	sbarrier.arrive $0xFFFF;
	s2 =	simm.s32 @!p0 $0x1C01  }
0x82: {  	[timem:s3], [sflag:s2] =	dma.local @!p0 [hbm:s0], s1  }
0x83: {  	s0 =	simm.s32 @!p0 $0x1  }
0x84: {  	_ =	swait.ge @!p0 [sflag:s0], s1  }
0x85: {  	s1 =	ssub.s32 @!p0 $0x0, s1;
	[sflag:s0] =	ssyncset.done @!p0 $0x0  }
0x86: {  	[sflag:s0] =	ssyncadd.s32 @!p0 s1  }
0x87: {  	[bflag:$0x3] =	sbarrier.arrive $0xFFFF  }
0x88: {  	_ =	shalt  }

// kernel: kernel.13.cloned.1.call-start
scs
__scs_entry_jumppad:
0x0: {  	(pc) =	sbr.rel $0x88, $3  }
0x1: {  	(tag) =	ssettag $0x0;
	lr =	simm.s32 $0x1  }
0x2: {  	[smem:$0x3F99] =	sst lr;
	_ =	strace $0xD0000000  }
0x3: {  	_ = 	snop  }
0x4: {  	_ = 	snop  }
0x5: {  	_ = 	snop  }
0x6: {  	_ = 	snop  }
0x7: {  	_ = 	snop  }
__scs_overlays_trampoline_lowered:
0x8: {  	[smem:$0x3FA8] =	sst s0  }
0x9: {  	[smem:$0x3FA9] =	sst s1  }
0xa: {  	[smem:$0x3FAA] =	sst s2  }
0xb: {  	[smem:$0x3FAB] =	sst s3  }
0xc: {  	[smem:$0x3FAC] =	sst s4  }
0xd: {  	[smem:$0x3FAD] =	sst s5  }
0xe: {  	[smem:$0x3FAE] =	sst s6  }
0xf: {  	[smem:$0x3FAF] =	sst s7  }
0x10: {  	[smem:$0x3FB0] =	sst s8  }
0x11: {  	[smem:$0x3FB1] =	sst s9;
	s0 =	simm.s32 @!p0 $0x0  }
0x12: {  	s1 =	sld [smem:$0x3F97];
	s0 =	simm.s32 @p0 $0x1  }
0x13: {  	[smem:$0x3FB2] =	sst s0;
	s0 =	simm.s32 @!p1 $0x0  }
0x14: {  	s2 =	sld [smem:$0x3F96];
	s0 =	simm.s32 @p1 $0x1  }
0x15: {  	[smem:$0x3FB3] =	sst s0;
	s0 =	simm.s32 @!p2 $0x0  }
0x16: {  	s3 =	sld [smem:$0x3FDB];
	s0 =	simm.s32 @p2 $0x1  }
0x17: {  	s4 =	simm.s32 $0x1BF5;
	[smem:$0x3FB5] =	sst s0  }
0x18: {  	s0 =	sld [smem:$0x3F98];
	_ =	swait.ge [sflag:s4], $0x0  }
0x19: {  	s7 =	sld [smem:$0x3F99]  }
0x1a: {  	s8 =	sadd.s32 $0xFFFFE003, lr  }
0x1b: {  	s9 =	sadd.s32 $0xFFFFFEF7, lr;
	s5 =	simm.s32 $0xFFFFFFFF;
	p2 =	slt.u32 s8, $0xFFFFF086  }
0x1c: {  	p1 =	slt.u32 s9, $0xF7A;
	s5 =	simm.s32 @!p2 $0x0  }
0x1d: {  	s5 =	simm.s32 @p1 $0x1;
	p0 =	seq.s32 s7, s2  }
0x1e: {  	s7 =	smul.u32 @!p0 $0xF7A, s2;
	p2 =	seq.s32 @!p0 s5, $0x0  }
0x1f: {  	s9 =	smul.u32 $0xF7A, s1;
	s8 =	simm.s32 @!p0 $0x1BF5;
	p2 =	por !p2, p0  }
0x20: {  	[sflag:s8] =	ssyncset.s32 @!p0 $0xFFFFF086;
	s6 =	sadd.s32 @!p0 s3, s7;
	s7 =	simm.s32 @!p0 $0x108  }
0x21: {  	s3 =	sadd.s32 s3, s9;
	s6 =	sadd.s32 @!p0 $0x88, s6;
	s7 =	simm.s32 @p2 $0x1082  }
0x22: {  	[simem:s7], [sflag:s8] =	dma.local @!p0 [hbm:s6], $0xF7A  }
0x23: {  	s9 =	sor.u32 $0xD0000000, s2;
	s6 =	simm.s32 $0x108;
	_ =	swait.ge @!p0 [sflag:s8], $0x0  }
0x24: {  	s3 =	sadd.s32 $0x88, s3;
	s6 =	simm.s32 @!p1 $0x1082;
	[sflag:s4] =	ssyncset.s32 $0xFFFFF086  }
0x25: {  	[simem:s6], [sflag:s4] =	dma.local [hbm:s3], $0xF7A  }
0x26: {  	[smem:$0x3F99] =	sst s1;
	(tag) =	ssettag s2;
	_ =	strace s9  }
0x27: {  	s1 =	sld [smem:$0x3FA9]  }
0x28: {  	s2 =	sld [smem:$0x3FAA]  }
0x29: {  	s4 =	sld [smem:$0x3FAC]  }
0x2a: {  	p0 =	seq.s32 s5, $0x0;
	s5 =	sld [smem:$0x3FAD]  }
0x2b: {  	s6 =	sld [smem:$0x3FAE]  }
0x2c: {  	s7 =	sld [smem:$0x3FAF]  }
0x2d: {  	s3 =	simm.s32 $0x108;
	s8 =	sld [smem:$0x3FB0]  }
0x2e: {  	s3 =	simm.s32 @!p0 $0x1082;
	s9 =	sld [smem:$0x3FB1]  }
0x2f: {  	lr =	sadd.s32 s0, s3;
	s0 =	sld [smem:$0x3FA8]  }
0x30: {  	s3 =	sld [smem:$0x3FAB]  }
0x31: {  	[smem:$0x3FB4] =	sst s10  }
0x32: {  	s10 =	sld [smem:$0x3FB2];
	_ =	sdelay $0x3  }
0x33: {  	p0 =	seq.s32 s10, $0x1;
	s10 =	sld [smem:$0x3FB4];
	_ =	sdelay $0x3  }
0x34: {  	[smem:$0x3FB4] =	sst s10  }
0x35: {  	s10 =	sld [smem:$0x3FB3];
	_ =	sdelay $0x3  }
0x36: {  	p1 =	seq.s32 s10, $0x1;
	s10 =	sld [smem:$0x3FB4];
	_ =	sdelay $0x3  }
0x37: {  	[smem:$0x3FB4] =	sst s10  }
0x38: {  	s10 =	sld [smem:$0x3FB5]  }
0x39: {  	_ = 	snop;
	(pc) =	sbr.ind lr, $3  }
0x3a: {  	_ = 	snop  }
0x3b: {  	_ = 	snop  }
0x3c: {  	p2 =	seq.s32 s10, $0x1;
	s10 =	sld [smem:$0x3FB4]  }
0x3d: {  	_ =	shalt  }
0x3e: {  	_ =	shalt  }
0x3f: {  	_ =	shalt  }
0x40: {  	_ =	shalt  }
0x41: {  	_ =	shalt  }
0x42: {  	_ =	shalt  }
0x43: {  	_ =	shalt  }
0x44: {  	_ =	shalt  }
0x45: {  	_ =	shalt  }
0x46: {  	_ =	shalt  }
0x47: {  	_ =	shalt  }
0x48: {  	_ =	shalt  }
0x49: {  	_ =	shalt  }
0x4a: {  	_ =	shalt  }
0x4b: {  	_ =	shalt  }
0x4c: {  	_ =	shalt  }
0x4d: {  	_ =	shalt  }
0x4e: {  	_ =	shalt  }
0x4f: {  	_ =	shalt  }
0x50: {  	_ =	shalt  }
0x51: {  	_ =	shalt  }
0x52: {  	_ =	shalt  }
0x53: {  	_ =	shalt  }
0x54: {  	_ =	shalt  }
0x55: {  	_ =	shalt  }
0x56: {  	_ =	shalt  }
0x57: {  	_ =	shalt  }
0x58: {  	_ =	shalt  }
0x59: {  	_ =	shalt  }
0x5a: {  	_ =	shalt  }
0x5b: {  	_ =	shalt  }
0x5c: {  	_ =	shalt  }
0x5d: {  	_ =	shalt  }
0x5e: {  	_ =	shalt  }
0x5f: {  	_ =	shalt  }
0x60: {  	_ =	shalt  }
0x61: {  	_ =	shalt  }
0x62: {  	_ =	shalt  }
0x63: {  	_ =	shalt  }
0x64: {  	_ =	shalt  }
0x65: {  	_ =	shalt  }
0x66: {  	_ =	shalt  }
0x67: {  	_ =	shalt  }
0x68: {  	_ =	shalt  }
0x69: {  	_ =	shalt  }
0x6a: {  	_ =	shalt  }
0x6b: {  	_ =	shalt  }
0x6c: {  	_ =	shalt  }
0x6d: {  	_ =	shalt  }
0x6e: {  	_ =	shalt  }
0x6f: {  	_ =	shalt  }
0x70: {  	_ =	shalt  }
0x71: {  	_ =	shalt  }
0x72: {  	_ =	shalt  }
0x73: {  	_ =	shalt  }
0x74: {  	_ =	shalt  }
0x75: {  	_ =	shalt  }
0x76: {  	_ =	shalt  }
0x77: {  	_ =	shalt  }
0x78: {  	_ =	shalt  }
0x79: {  	_ =	shalt  }
0x7a: {  	_ =	shalt  }
0x7b: {  	_ =	shalt  }
0x7c: {  	_ =	shalt  }
0x7d: {  	_ =	shalt  }
0x7e: {  	_ =	shalt  }
0x7f: {  	_ =	shalt  }
0x80: {  	_ =	shalt  }
0x81: {  	_ =	shalt  }
0x82: {  	_ =	shalt  }
0x83: {  	_ =	shalt  }
0x84: {  	_ =	shalt  }
0x85: {  	_ =	shalt  }
0x86: {  	_ =	shalt  }
0x87: {  	_ =	shalt  }
.Lfunc_end0:
.L_simem_size_0:
called_computation.1_lowered:
.L_overlay_start_0:
0x88: {  	s2 =	sld [smem:$0x3FD9]  }
0x89: {  	s3 =	sld [smem:$0x3FFE];
	_ =	sdelay $0x1  }
0x8a: {  	s1 =	srdreg.scid  }
0x8b: {  	s0 =	sand.u32 $0x1, s1  }
0x8c: {  	s17 =	sshll.u32 s0, $0xA;
	s2 =	sadd.s32 s3, s2  }
0x8d: {  	s2 =	sadd.s32 s2, s17  }
0x8e: {  	[smem:$0x3FC0] =	sst s2  }
0x8f: {  	_ = 	snop  }
0x90: {  	s2 =	sld [smem:$0x3FD0];
	(tm) =	ssettm $0x1  }
0x91: {  	s18 =	sld [smem:$0x3FFB];
	_ =	sdelay $0x3  }
0x92: {  	_ =	strace s18  }
0x93: {  	s3 =	sld [smem:$0x3FFC];
	_ =	sdelay $0x3  }
0x94: {  	_ =	strace s3  }
0x95: {  	s3 =	sld [smem:$0x3FFD];
	_ =	sdelay $0x3  }
0x96: {  	_ =	strace s3  }
0x97: {  	_ =	strace $0x8FFFFFFF  }
0x98: {  	s19 =	sld [smem:$0x3FDB];
	_ =	sdelay $0x1  }
0x99: {  	s4 =	simm.s32 $_scs_section_size  }
0x9a: {  	s5 =	simm.s32 $_size__tile_overlayer_lowered;
	s6 =	simm.s32 $_tile_overlayer_lowered  }
0x9b: {  	s22 =	simm.s32 $0x1BFF;
	s21 =	sshll.u32 s6, $0x1;
	s3 =	sadd.s32 s4, s19  }
0x9c: {  	s7 =	simm.s32 $0x0;
	s20 =	sshll.u32 s5, $0x1;
	s5 =	sadd.s32 s21, s3  }
0x9d: {  	[timem:s7], [sflag:s22] =	dma.local [hbm:s5], s20  }
0x9e: {  	_ =	swait.ge [sflag:s22], s20  }
0x9f: {  	s4 =	ssub.s32 $0x0, s20;
	[sflag:s22] =	ssyncset.done $0x0  }
0xa0: {  	[sflag:s22] =	ssyncadd.s32 s4;
	_ =	sdelay $0x1  }
0xa1: {  	s23 =	simm.s32 $0x1B8B  }
0xa2: {  	_ =	swait.ge [sflag:s23], $0x1  }
0xa3: {  	[sflag:s23] =	ssyncset.done $0x0  }
0xa4: {  	s25 =	simm.s32 $0x1B8E;
	s24 =	sld [smem:$0x3FFE];
	[sflag:s23] =	ssyncadd.s32 $0xFFFFFFFF  }
0xa5: {  	s26 =	simm.s32 $execute0_lowered;
	[smem:$0x3FD2] =	sst s25  }
0xa6: {  	s5 =	sshll.u32 s26, $0x1;
	_ =	strace $0x80000046;
	[dreg:$0x1] =	wrdreg $0xFFFFFFFF  }
0xa7: {  	s28 =	simm.s32 $_size_execute0_lowered;
	s3 =	sadd.s32 s3, s5;
	[dreg:$0x0] =	wrdreg $0x0  }
0xa8: {  	s5 =	sshll.u32 s28, $0x1;
	[dreg:$0x2] =	wrdreg s3  }
0xa9: {  	[dreg:$0x3] =	wrdreg s5  }
0xaa: {  	[dreg:$0x4] =	wrdreg $0xC0  }
0xab: {  	_ =	task [dreg:s7], $0x5FFFF  }
0xac: {  	[dreg:$0x1] =	wrdreg $0xFFFFFFFF  }
0xad: {  	[dreg:$0x0] =	wrdreg $0x60  }
0xae: {  	[dreg:$0x2] =	wrdreg s24  }
0xaf: {  	[dreg:$0x3] =	wrdreg s2  }
0xb0: {  	[dreg:$0x4] =	wrdreg $0x0  }
0xb1: {  	[dreg:$0x5] =	wrdreg $0xA  }
0xb2: {  	_ =	task.clear_ibuf [dreg:s7], $0x6FFFF;
	_ =	strace $0x90000046  }
0xb3: {  	s29 =	simm.s32 $0xA;
	_ =	strace $0x80000048  }
0xb4: {  	_ =	swait.ge [sflag:s29], $0x1  }
0xb5: {  	[sflag:s29] =	ssyncadd.s32 $0xFFFFFFFF  }
0xb6: {  	_ =	strace $0x90000048  }
0xb7: {  	_ =	sfence  }
0xb8: {  	s30 =	sld [smem:$0x0];
	_ =	sdelay $0x2  }
0xb9: {  	s31 =	sshll.u32 s1, $0xD;
	s1 =	sshrl.u32 s1, $0x2  }
0xba: {  	s3 =	sand.u32 $0x4000, s31;
	s1 =	sadd.s32 s1, s30  }
0xbb: {  	s0 =	sor.u32 s3, s0;
	s1 =	sshll.u32 s1, $0x11  }
0xbc: {  	s0 =	sor.u32 s1, s0  }
0xbd: {  	s0 =	sadd.s32 $0x8F2B, s0  }
0xbe: {  	[sflag:s0] =	ssyncadd.remote.s32 $0x1  }
0xbf: {  	_ =	sfence.sel $0xFFFF  }
0xc0: {  	[dreg:$0x0] =	wrdreg $0xFFFFFFFF;
	(pc) =	sbr.abs _section_cstart, $3  }
0xc1: {  	[dreg:$0x1] =	wrdreg $0xFFFFFFFF  }
0xc2: {  	_ =	task.clear_ibuf [dreg:s7], $0x2FFFF;
	_ =	strace $0x9FFFFFFF  }
0xc3: {  	(tm) =	ssettm $0x7FFFFFFF  }
tec
execute0_lowered:
.L_overlay_start_1:
0x0: {  	(tag) =	ssettag $0x1  }
0x1: {  	s5 =	rddreg [dreg:$0x0]  }
0x2: {  	s16 =	rddreg [dreg:$0x1]  }
0x3: {  	s2 =	rddreg [dreg:$0x2]  }
0x4: {  	s0 =	rddreg [dreg:$0x3];
	s1 =	stileid.u32  }
0x5: {  	s3 =	simm.s32 $0x0;
	s6 =	srdreg.scid;
	s17 =	smul.u32 $0x9E0, s1  }
0x6: {  	s23 =	simm.s32 $0x1;
	[smem:$0x7FF] =	sst s3;
	s9 =	smul.u32 $0x280, s1  }
0x7: {  	s4 =	sadd.s32 $0xC000, s5;
	s12 =	sand.u32 $0x1, s6;
	s24 =	smul.u32 $0x50000, s1  }
0x8: {  	s14 =	sadd.s32 $0x34000, s5;
	_ =	strace $0x80000047;
	s20 =	smul.u32 $0x2800, s12  }
0x9: {  	s25 =	ssub.s32 $0x2, s12;
	s31 =	smul.u32 $0x4F0, s12;
	s18 =	sadd.s32 s17, s5  }
0xa: {  	s7 =	sshrl.u32 s25, $0x1;
	s6 =	sshrl.u32 s24, $0x2;
	s10 =	sadd.s32 $0x80, s9  }
0xb: {  	s13 =	sadd.s32 $0x100, s9;
	s19 =	sadd.s32 $0x180, s9;
	s21 =	sadd.s32 $0x200, s9  }
0xc: {  	s17 =	sadd.s32 s17, s16;
	s24 =	simm.s32 $0x0;
	s15 =	ssub.s32 s25, s7  }
0xd: {  	s5 =	sadd.s32 s6, s2;
	s26 =	sshll.u32 s10, $0x7;
	s28 =	sshll.u32 s13, $0x7  }
0xe: {  	s8 =	sshll.u32 s19, $0x7;
	s11 =	sshll.u32 s21, $0x7;
	s22 =	sadd.s32 s9, s20  }
0xf: {  	s10 =	sadd.s32 s20, s10;
	s13 =	sadd.s32 s20, s13;
	s19 =	sadd.s32 s20, s19  }
0x10: {  	s20 =	sadd.s32 s20, s21;
	s18 =	sadd.s32 s31, s18;
	s17 =	sadd.s32 s31, s17  }
0x11: {  	s21 =	simm.s32 $0x14080;
	s6 =	sadd.s32 s26, s2;
	s7 =	sadd.s32 s28, s2  }
0x12: {  	s8 =	sadd.s32 s8, s2;
	s9 =	sadd.s32 s11, s2;
	s29 =	sshll.u32 s22, $0x4  }
0x13: {  	s30 =	sshll.u32 s10, $0x4;
	s13 =	sshll.u32 s13, $0x4;
	s19 =	sshll.u32 s19, $0x4  }
0x14: {  	s20 =	sshll.u32 s20, $0x4;
	s15 =	smax.u32 s15, $0x1;
	s16 =	sadd.s32 $0x2200, s18  }
0x15: {  	s18 =	simm.s32 $0x14100;
	s22 =	simm.s32 $0x80;
	s10 =	sadd.s32 s14, s29  }
0x16: {  	s11 =	sadd.s32 s14, s30;
	s12 =	sadd.s32 s14, s13;
	s13 =	sadd.s32 s14, s19  }
0x17: {  	v0 =	vimm.f32 $0.0e+00;
	s14 =	sadd.s32 s14, s20;
	s19 =	simm.s32 $0x2;
	s20 =	simm.s32 $0x14000  }
.LBB2_1:
0x18: {  	s25 =	simm.s32 $0x0;
	s26 =	simm.s32 $0x200  }
.LBB2_2:
0x19: {  	p0 =	sne.s32 s26, $0xFE00;
	[tilespmem:s25+$0x14170] =	vst v0  }
0x1a: {  	[tilespmem:s25+$0x14100] =	vst v0  }
0x1b: {  	[tilespmem:s25+$0x14110] =	vst v0  }
.Ltmp0:
0x1c: {  	[tilespmem:s25+$0x14120] =	vst v0;
	(pc) =	sbr.rel @p0 .LBB2_2-.Ltmp0, $4  }
0x1d: {  	[tilespmem:s25+$0x14130] =	vst v0  }
0x1e: {  	[tilespmem:s25+$0x14140] =	vst v0  }
0x1f: {  	[tilespmem:s25+$0x14150] =	vst v0  }
0x20: {  	[tilespmem:s25+$0x14160] =	vst v0;
	s25 =	sshra.s32 s26, $0x2;
	s26 =	sadd.s32 $0x200, s26  }
0x21: {  	[tilespmem:s25+$0x14170] =	vst v0  }
0x22: {  	[tilespmem:s25+$0x14100] =	vst v0  }
0x23: {  	[tilespmem:s25+$0x14110] =	vst v0  }
0x24: {  	[tilespmem:s25+$0x14120] =	vst v0  }
0x25: {  	[tilespmem:s25+$0x14130] =	vst v0  }
0x26: {  	[tilespmem:s25+$0x14140] =	vst v0  }
0x27: {  	[tilespmem:s25+$0x14150] =	vst v0  }
0x28: {  	[tilespmem:s25+$0x14160] =	vst v0  }
0x29: {  	[spmem:s5] =	stream.linear.scatter [tilespmem:s18], [sflag:$0x2], $0x4000, $0x38;
	[tilespmem:$0x18100] =	vst v63  }
0x2a: {  	_ =	swait.ge [sflag:s19], $0x4000  }
0x2b: {  	[sflag:s19] =	ssyncset.done $0x0  }
0x2c: {  	[sflag:s19] =	ssyncadd.s32 $0xFFFFC000  }
0x2d: {  	[spmem:s6] =	stream.linear.scatter [tilespmem:s18], [sflag:$0x2], $0x4000, $0x38;
	[tilespmem:$0x18100] =	vst v63  }
0x2e: {  	_ =	swait.ge [sflag:s19], $0x4000  }
0x2f: {  	[sflag:s19] =	ssyncset.done $0x0  }
0x30: {  	[sflag:s19] =	ssyncadd.s32 $0xFFFFC000  }
0x31: {  	[spmem:s7] =	stream.linear.scatter [tilespmem:s18], [sflag:$0x2], $0x4000, $0x38;
	[tilespmem:$0x18100] =	vst v63  }
0x32: {  	_ =	swait.ge [sflag:s19], $0x4000  }
0x33: {  	[sflag:s19] =	ssyncset.done $0x0  }
0x34: {  	[sflag:s19] =	ssyncadd.s32 $0xFFFFC000  }
0x35: {  	[spmem:s8] =	stream.linear.scatter [tilespmem:s18], [sflag:$0x2], $0x4000, $0x38;
	[tilespmem:$0x18100] =	vst v63  }
0x36: {  	_ =	swait.ge [sflag:s19], $0x4000  }
0x37: {  	[sflag:s19] =	ssyncset.done $0x0  }
0x38: {  	[sflag:s19] =	ssyncadd.s32 $0xFFFFC000  }
0x39: {  	[spmem:s9] =	stream.linear.scatter [tilespmem:s18], [sflag:$0x2], $0x4000, $0x38;
	[tilespmem:$0x18100] =	vst v63  }
0x3a: {  	_ =	swait.ge [sflag:s19], $0x4000  }
0x3b: {  	[sflag:s19] =	ssyncset.done $0x0  }
0x3c: {  	[sflag:s19] =	ssyncadd.s32 $0xFFFFC000  }
0x3d: {  	s30 =	sadd.s32 $0x0, s17;
	[bflag:$0x0] =	sbarrier.arrive $0xFFFF  }
0x3e: {  	[tilespmem:s20], [sflag:$0x2] =	stream.linear.gather [hbm4b:s30+s3], $0x80, $0x38;
	[tilespmem:$0x18100] =	vst v63  }
0x3f: {  	_ =	swait.ge [sflag:s19], $0x80  }
0x40: {  	[sflag:s19] =	ssyncset.done $0x0  }
0x41: {  	s31 =	sadd.s32 $0x0, s16;
	[sflag:s19] =	ssyncadd.s32 $0xFFFFFF80  }
0x42: {  	[tilespmem:s21], [sflag:$0x2] =	stream.linear.gather [hbm4b:s31+s3], $0x80, $0x38;
	[tilespmem:$0x18100] =	vst v63  }
0x43: {  	_ =	swait.ge [sflag:s19], $0x80  }
0x44: {  	[sflag:s19] =	ssyncset.done $0x0  }
0x45: {  	[sflag:s19] =	ssyncadd.s32 $0xFFFFFF80  }
0x46: {  	[tilespmem:s18], [sflag:$0x1] =	stream.indirect.gather [hbm4b:s4+s22], $0x80, s20, s22, $0xb8;
	[tilespmem:$0x18100] =	vst v63  }
0x47: {  	_ =	swait.ge [sflag:s23], $0x4000  }
0x48: {  	[sflag:s23] =	ssyncset.done $0x0  }
0x49: {  	[sflag:s23] =	ssyncadd.s32 $0xFFFFC000  }
0x4a: {  	[spmem:s2] =	stream.indirect.scatter.add.f32 [tilespmem:s18], [sflag:$0x2], $0x80, s21, s22, $0xb8;
	[tilespmem:$0x18100] =	vst v63  }
0x4b: {  	_ =	swait.ge [sflag:s19], $0x4000  }
0x4c: {  	s25 =	simm.s32 $0x10;
	s26 =	simm.s32 $0x20;
	[sflag:s19] =	ssyncset.done $0x0  }
.LBB2_4:
0x4d: {  	s28 =	sadd.s32 s25, s17  }
0x4e: {  	[sflag:s19] =	ssyncadd.s32 $0xFFFFC000;
	s29 =	smov.u32 s26;
	s30 =	sadd.s32 $0x10, s26  }
0x4f: {  	[tilespmem:s20], [sflag:$0x2] =	stream.linear.gather [hbm4b:s28+s3], $0x80, $0x38;
	[tilespmem:$0x18100] =	vst v63  }
0x50: {  	p0 =	sne.s32 s26, $0x4E0;
	_ =	swait.ge [sflag:s19], $0x80  }
0x51: {  	[sflag:s19] =	ssyncset.done $0x0  }
0x52: {  	s26 =	sadd.s32 s25, s16;
	s25 =	smov.u32 s29;
	[sflag:s19] =	ssyncadd.s32 $0xFFFFFF80  }
0x53: {  	[tilespmem:s21], [sflag:$0x2] =	stream.linear.gather [hbm4b:s26+s3], $0x80, $0x38;
	[tilespmem:$0x18100] =	vst v63  }
0x54: {  	_ =	swait.ge [sflag:s19], $0x80  }
0x55: {  	[sflag:s19] =	ssyncset.done $0x0  }
0x56: {  	[sflag:s19] =	ssyncadd.s32 $0xFFFFFF80  }
0x57: {  	[tilespmem:s18], [sflag:$0x1] =	stream.indirect.gather [hbm4b:s4+s22], $0x80, s20, s22, $0xb8;
	[tilespmem:$0x18100] =	vst v63  }
0x58: {  	_ =	swait.ge [sflag:s23], $0x4000  }
.Ltmp1:
0x59: {  	[sflag:s23] =	ssyncset.done $0x0;
	(pc) =	sbr.rel @p0 .LBB2_4-.Ltmp1, $4  }
0x5a: {  	[sflag:s23] =	ssyncadd.s32 $0xFFFFC000  }
0x5b: {  	[spmem:s2] =	stream.indirect.scatter.add.f32 [tilespmem:s18], [sflag:$0x2], $0x80, s21, s22, $0xb8;
	[tilespmem:$0x18100] =	vst v63  }
0x5c: {  	_ =	swait.ge [sflag:s19], $0x4000  }
0x5d: {  	s26 =	smov.u32 s30;
	[sflag:s19] =	ssyncset.done $0x0  }
0x5e: {  	s26 =	sadd.s32 s25, s17;
	[sflag:s19] =	ssyncadd.s32 $0xFFFFC000  }
0x5f: {  	[tilespmem:s20], [sflag:$0x2] =	stream.linear.gather [hbm4b:s26+s3], $0x80, $0x38;
	[tilespmem:$0x18100] =	vst v63  }
0x60: {  	_ =	swait.ge [sflag:s19], $0x80  }
0x61: {  	[sflag:s19] =	ssyncset.done $0x0  }
0x62: {  	s29 =	sadd.s32 s25, s16;
	[sflag:s19] =	ssyncadd.s32 $0xFFFFFF80  }
0x63: {  	[tilespmem:s21], [sflag:$0x2] =	stream.linear.gather [hbm4b:s29+s3], $0x80, $0x38;
	[tilespmem:$0x18100] =	vst v63  }
0x64: {  	_ =	swait.ge [sflag:s19], $0x80  }
0x65: {  	[sflag:s19] =	ssyncset.done $0x0  }
0x66: {  	[sflag:s19] =	ssyncadd.s32 $0xFFFFFF80  }
0x67: {  	[tilespmem:s18], [sflag:$0x1] =	stream.indirect.gather [hbm4b:s4+s22], $0x80, s20, s22, $0xb8;
	[tilespmem:$0x18100] =	vst v63  }
0x68: {  	_ =	swait.ge [sflag:s23], $0x4000  }
0x69: {  	[sflag:s23] =	ssyncset.done $0x0  }
0x6a: {  	[sflag:s23] =	ssyncadd.s32 $0xFFFFC000  }
0x6b: {  	[spmem:s2] =	stream.indirect.scatter.add.f32 [tilespmem:s18], [sflag:$0x2], $0x80, s21, s22, $0xb8;
	[tilespmem:$0x18100] =	vst v63  }
0x6c: {  	_ =	swait.ge [sflag:s19], $0x4000  }
0x6d: {  	[sflag:s19] =	ssyncset.done $0x0  }
0x6e: {  	s30 =	sshll.u32 s1, $0x6;
	[sflag:s19] =	ssyncadd.s32 $0xFFFFC000  }
0x6f: {  	s31 =	sshrl.u32 s5, $0x3;
	s25 =	sor.u32 $0x1C02, s30;
	[bflag:$0x0] =	sbarrier.arrive $0xFFFF  }
0x70: {  	[hbm:s10], [sflag:s25] =	dma.local [spmem:s31], $0x800  }
0x71: {  	_ =	swait.ge [sflag:s19], $0x800  }
0x72: {  	[sflag:s19] =	ssyncset.done $0x0  }
0x73: {  	s28 =	sshrl.u32 s6, $0x3;
	[sflag:s19] =	ssyncadd.s32 $0xFFFFF800  }
0x74: {  	[hbm:s11], [sflag:s25] =	dma.local [spmem:s28], $0x800  }
0x75: {  	_ =	swait.ge [sflag:s19], $0x800  }
0x76: {  	[sflag:s19] =	ssyncset.done $0x0  }
0x77: {  	s29 =	sshrl.u32 s7, $0x3;
	[sflag:s19] =	ssyncadd.s32 $0xFFFFF800  }
0x78: {  	[hbm:s12], [sflag:s25] =	dma.local [spmem:s29], $0x800  }
0x79: {  	_ =	swait.ge [sflag:s19], $0x800  }
0x7a: {  	[sflag:s19] =	ssyncset.done $0x0  }
0x7b: {  	s30 =	sshrl.u32 s8, $0x3;
	[sflag:s19] =	ssyncadd.s32 $0xFFFFF800  }
0x7c: {  	[hbm:s13], [sflag:s25] =	dma.local [spmem:s30], $0x800  }
0x7d: {  	s24 =	sadd.s32 $0x1, s24;
	_ =	swait.ge [sflag:s19], $0x800  }
0x7e: {  	p0 =	sne.s32 s24, s15;
	[sflag:s19] =	ssyncset.done $0x0  }
.Ltmp2:
0x7f: {  	s31 =	sshrl.u32 s9, $0x3;
	[sflag:s19] =	ssyncadd.s32 $0xFFFFF800;
	(pc) =	sbr.rel @p0 .LBB2_1-.Ltmp2, $4  }
0x80: {  	[hbm:s14], [sflag:s25] =	dma.local [spmem:s31], $0x800  }
0x81: {  	_ =	swait.ge [sflag:s19], $0x800  }
0x82: {  	[sflag:s19] =	ssyncset.done $0x0  }
0x83: {  	[sflag:s19] =	ssyncadd.s32 $0xFFFFF800  }
0x84: {  	_ =	sfence.sel $0x180000  }
0x85: {  	[bflag:$0x0] =	sbarrier.arrive $0xFFFF  }
0x86: {  	p0 =	sne.s32 s1, $0x0;
	_ =	strace $0x90000047  }
0x87: {  	s0 =	sadd.s32 @!p0 $0x100000, s0;
	[bflag:$0x2] =	sbarrier.arrive $0xFFFF  }
0x88: {  	[sflag:s0] =	ssyncadd.tile.s32 @!p0 $0x1;
	_ =	shalt  }
.Lfunc_end2:
_tile_overlayer_lowered:
.L_overlay_start_2:
0x89: {  	(tag) =	ssettag $0x2  }
0x8a: {  	s0 =	rddreg [dreg:$0x0];
	s2 =	stileid.u32  }
0x8b: {  	s1 =	rddreg [dreg:$0x1];
	p0 =	sne.s32 s2, $0x0  }
0x8c: {  	s3 =	rddreg [dreg:$0x2];
	[bflag:$0x3] =	sbarrier.arrive $0xFFFF;
	s2 =	simm.s32 @!p0 $0x1C02  }
0x8d: {  	[timem:s3], [sflag:s2] =	dma.local @!p0 [hbm:s0], s1  }
0x8e: {  	s0 =	simm.s32 @!p0 $0x2  }
0x8f: {  	_ =	swait.ge @!p0 [sflag:s0], s1  }
0x90: {  	s1 =	ssub.s32 @!p0 $0x0, s1;
	[sflag:s0] =	ssyncset.done @!p0 $0x0  }
0x91: {  	[sflag:s0] =	ssyncadd.s32 @!p0 s1  }
0x92: {  	[bflag:$0x3] =	sbarrier.arrive $0xFFFF  }
0x93: {  	_ =	shalt  }

// kernel: kernel.16.cloned.1.call-start
scs
__scs_entry_jumppad:
0x0: {  	(pc) =	sbr.rel $0x88, $3  }
0x1: {  	(tag) =	ssettag $0x0;
	lr =	simm.s32 $0x1  }
0x2: {  	[smem:$0x3F99] =	sst lr;
	_ =	strace $0xD0000000  }
0x3: {  	_ = 	snop  }
0x4: {  	_ = 	snop  }
0x5: {  	_ = 	snop  }
0x6: {  	_ = 	snop  }
0x7: {  	_ = 	snop  }
__scs_overlays_trampoline_lowered:
0x8: {  	[smem:$0x3FA8] =	sst s0  }
0x9: {  	[smem:$0x3FA9] =	sst s1  }
0xa: {  	[smem:$0x3FAA] =	sst s2  }
0xb: {  	[smem:$0x3FAB] =	sst s3  }
0xc: {  	[smem:$0x3FAC] =	sst s4  }
0xd: {  	[smem:$0x3FAD] =	sst s5  }
0xe: {  	[smem:$0x3FAE] =	sst s6  }
0xf: {  	[smem:$0x3FAF] =	sst s7  }
0x10: {  	[smem:$0x3FB0] =	sst s8  }
0x11: {  	[smem:$0x3FB1] =	sst s9;
	s0 =	simm.s32 @!p0 $0x0  }
0x12: {  	s1 =	sld [smem:$0x3F97];
	s0 =	simm.s32 @p0 $0x1  }
0x13: {  	[smem:$0x3FB2] =	sst s0;
	s0 =	simm.s32 @!p1 $0x0  }
0x14: {  	s2 =	sld [smem:$0x3F96];
	s0 =	simm.s32 @p1 $0x1  }
0x15: {  	[smem:$0x3FB3] =	sst s0;
	s0 =	simm.s32 @!p2 $0x0  }
0x16: {  	s3 =	sld [smem:$0x3FDB];
	s0 =	simm.s32 @p2 $0x1  }
0x17: {  	s4 =	simm.s32 $0x1BF5;
	[smem:$0x3FB5] =	sst s0  }
0x18: {  	s0 =	sld [smem:$0x3F98];
	_ =	swait.ge [sflag:s4], $0x0  }
0x19: {  	s7 =	sld [smem:$0x3F99]  }
0x1a: {  	s8 =	sadd.s32 $0xFFFFE003, lr  }
0x1b: {  	s9 =	sadd.s32 $0xFFFFFEF7, lr;
	s5 =	simm.s32 $0xFFFFFFFF;
	p2 =	slt.u32 s8, $0xFFFFF086  }
0x1c: {  	p1 =	slt.u32 s9, $0xF7A;
	s5 =	simm.s32 @!p2 $0x0  }
0x1d: {  	s5 =	simm.s32 @p1 $0x1;
	p0 =	seq.s32 s7, s2  }
0x1e: {  	s7 =	smul.u32 @!p0 $0xF7A, s2;
	p2 =	seq.s32 @!p0 s5, $0x0  }
0x1f: {  	s9 =	smul.u32 $0xF7A, s1;
	s8 =	simm.s32 @!p0 $0x1BF5;
	p2 =	por !p2, p0  }
0x20: {  	[sflag:s8] =	ssyncset.s32 @!p0 $0xFFFFF086;
	s6 =	sadd.s32 @!p0 s3, s7;
	s7 =	simm.s32 @!p0 $0x108  }
0x21: {  	s3 =	sadd.s32 s3, s9;
	s6 =	sadd.s32 @!p0 $0x88, s6;
	s7 =	simm.s32 @p2 $0x1082  }
0x22: {  	[simem:s7], [sflag:s8] =	dma.local @!p0 [hbm:s6], $0xF7A  }
0x23: {  	s9 =	sor.u32 $0xD0000000, s2;
	s6 =	simm.s32 $0x108;
	_ =	swait.ge @!p0 [sflag:s8], $0x0  }
0x24: {  	s3 =	sadd.s32 $0x88, s3;
	s6 =	simm.s32 @!p1 $0x1082;
	[sflag:s4] =	ssyncset.s32 $0xFFFFF086  }
0x25: {  	[simem:s6], [sflag:s4] =	dma.local [hbm:s3], $0xF7A  }
0x26: {  	[smem:$0x3F99] =	sst s1;
	(tag) =	ssettag s2;
	_ =	strace s9  }
0x27: {  	s1 =	sld [smem:$0x3FA9]  }
0x28: {  	s2 =	sld [smem:$0x3FAA]  }
0x29: {  	s4 =	sld [smem:$0x3FAC]  }
0x2a: {  	p0 =	seq.s32 s5, $0x0;
	s5 =	sld [smem:$0x3FAD]  }
0x2b: {  	s6 =	sld [smem:$0x3FAE]  }
0x2c: {  	s7 =	sld [smem:$0x3FAF]  }
0x2d: {  	s3 =	simm.s32 $0x108;
	s8 =	sld [smem:$0x3FB0]  }
0x2e: {  	s3 =	simm.s32 @!p0 $0x1082;
	s9 =	sld [smem:$0x3FB1]  }
0x2f: {  	lr =	sadd.s32 s0, s3;
	s0 =	sld [smem:$0x3FA8]  }
0x30: {  	s3 =	sld [smem:$0x3FAB]  }
0x31: {  	[smem:$0x3FB4] =	sst s10  }
0x32: {  	s10 =	sld [smem:$0x3FB2];
	_ =	sdelay $0x3  }
0x33: {  	p0 =	seq.s32 s10, $0x1;
	s10 =	sld [smem:$0x3FB4];
	_ =	sdelay $0x3  }
0x34: {  	[smem:$0x3FB4] =	sst s10  }
0x35: {  	s10 =	sld [smem:$0x3FB3];
	_ =	sdelay $0x3  }
0x36: {  	p1 =	seq.s32 s10, $0x1;
	s10 =	sld [smem:$0x3FB4];
	_ =	sdelay $0x3  }
0x37: {  	[smem:$0x3FB4] =	sst s10  }
0x38: {  	s10 =	sld [smem:$0x3FB5]  }
0x39: {  	_ = 	snop;
	(pc) =	sbr.ind lr, $3  }
0x3a: {  	_ = 	snop  }
0x3b: {  	_ = 	snop  }
0x3c: {  	p2 =	seq.s32 s10, $0x1;
	s10 =	sld [smem:$0x3FB4]  }
0x3d: {  	_ =	shalt  }
0x3e: {  	_ =	shalt  }
0x3f: {  	_ =	shalt  }
0x40: {  	_ =	shalt  }
0x41: {  	_ =	shalt  }
0x42: {  	_ =	shalt  }
0x43: {  	_ =	shalt  }
0x44: {  	_ =	shalt  }
0x45: {  	_ =	shalt  }
0x46: {  	_ =	shalt  }
0x47: {  	_ =	shalt  }
0x48: {  	_ =	shalt  }
0x49: {  	_ =	shalt  }
0x4a: {  	_ =	shalt  }
0x4b: {  	_ =	shalt  }
0x4c: {  	_ =	shalt  }
0x4d: {  	_ =	shalt  }
0x4e: {  	_ =	shalt  }
0x4f: {  	_ =	shalt  }
0x50: {  	_ =	shalt  }
0x51: {  	_ =	shalt  }
0x52: {  	_ =	shalt  }
0x53: {  	_ =	shalt  }
0x54: {  	_ =	shalt  }
0x55: {  	_ =	shalt  }
0x56: {  	_ =	shalt  }
0x57: {  	_ =	shalt  }
0x58: {  	_ =	shalt  }
0x59: {  	_ =	shalt  }
0x5a: {  	_ =	shalt  }
0x5b: {  	_ =	shalt  }
0x5c: {  	_ =	shalt  }
0x5d: {  	_ =	shalt  }
0x5e: {  	_ =	shalt  }
0x5f: {  	_ =	shalt  }
0x60: {  	_ =	shalt  }
0x61: {  	_ =	shalt  }
0x62: {  	_ =	shalt  }
0x63: {  	_ =	shalt  }
0x64: {  	_ =	shalt  }
0x65: {  	_ =	shalt  }
0x66: {  	_ =	shalt  }
0x67: {  	_ =	shalt  }
0x68: {  	_ =	shalt  }
0x69: {  	_ =	shalt  }
0x6a: {  	_ =	shalt  }
0x6b: {  	_ =	shalt  }
0x6c: {  	_ =	shalt  }
0x6d: {  	_ =	shalt  }
0x6e: {  	_ =	shalt  }
0x6f: {  	_ =	shalt  }
0x70: {  	_ =	shalt  }
0x71: {  	_ =	shalt  }
0x72: {  	_ =	shalt  }
0x73: {  	_ =	shalt  }
0x74: {  	_ =	shalt  }
0x75: {  	_ =	shalt  }
0x76: {  	_ =	shalt  }
0x77: {  	_ =	shalt  }
0x78: {  	_ =	shalt  }
0x79: {  	_ =	shalt  }
0x7a: {  	_ =	shalt  }
0x7b: {  	_ =	shalt  }
0x7c: {  	_ =	shalt  }
0x7d: {  	_ =	shalt  }
0x7e: {  	_ =	shalt  }
0x7f: {  	_ =	shalt  }
0x80: {  	_ =	shalt  }
0x81: {  	_ =	shalt  }
0x82: {  	_ =	shalt  }
0x83: {  	_ =	shalt  }
0x84: {  	_ =	shalt  }
0x85: {  	_ =	shalt  }
0x86: {  	_ =	shalt  }
0x87: {  	_ =	shalt  }
.Lfunc_end0:
.L_simem_size_0:
called_computation.2_lowered:
.L_overlay_start_0:
0x88: {  	s2 =	sld [smem:$0x3FD9]  }
0x89: {  	s3 =	sld [smem:$0x3FFE];
	_ =	sdelay $0x1  }
0x8a: {  	s1 =	srdreg.scid  }
0x8b: {  	s0 =	sand.u32 $0x1, s1  }
0x8c: {  	s17 =	sshll.u32 s0, $0xA;
	s2 =	sadd.s32 s3, s2  }
0x8d: {  	s2 =	sadd.s32 s2, s17  }
0x8e: {  	[smem:$0x3FC0] =	sst s2  }
0x8f: {  	_ = 	snop  }
0x90: {  	s2 =	sld [smem:$0x3FD0];
	(tm) =	ssettm $0x1  }
0x91: {  	s18 =	sld [smem:$0x3FFB];
	_ =	sdelay $0x3  }
0x92: {  	_ =	strace s18  }
0x93: {  	s3 =	sld [smem:$0x3FFC];
	_ =	sdelay $0x3  }
0x94: {  	_ =	strace s3  }
0x95: {  	s3 =	sld [smem:$0x3FFD];
	_ =	sdelay $0x3  }
0x96: {  	_ =	strace s3  }
0x97: {  	_ =	strace $0x8FFFFFFF  }
0x98: {  	s19 =	sld [smem:$0x3FDB];
	_ =	sdelay $0x1  }
0x99: {  	s4 =	simm.s32 $_scs_section_size  }
0x9a: {  	s5 =	simm.s32 $_size__tile_overlayer_lowered;
	s6 =	simm.s32 $_tile_overlayer_lowered  }
0x9b: {  	s22 =	simm.s32 $0x1BFF;
	s21 =	sshll.u32 s6, $0x1;
	s3 =	sadd.s32 s4, s19  }
0x9c: {  	s7 =	simm.s32 $0x0;
	s20 =	sshll.u32 s5, $0x1;
	s5 =	sadd.s32 s21, s3  }
0x9d: {  	[timem:s7], [sflag:s22] =	dma.local [hbm:s5], s20  }
0x9e: {  	_ =	swait.ge [sflag:s22], s20  }
0x9f: {  	s4 =	ssub.s32 $0x0, s20;
	[sflag:s22] =	ssyncset.done $0x0  }
0xa0: {  	[sflag:s22] =	ssyncadd.s32 s4;
	_ =	sdelay $0x1  }
0xa1: {  	s23 =	simm.s32 $0x1B8B  }
0xa2: {  	_ =	swait.ge [sflag:s23], $0x1  }
0xa3: {  	[sflag:s23] =	ssyncset.done $0x0  }
0xa4: {  	s25 =	simm.s32 $0x1B8E;
	s24 =	sld [smem:$0x3FFE];
	[sflag:s23] =	ssyncadd.s32 $0xFFFFFFFF  }
0xa5: {  	s26 =	simm.s32 $execute0_lowered;
	[smem:$0x3FD2] =	sst s25  }
0xa6: {  	s5 =	sshll.u32 s26, $0x1;
	_ =	strace $0x8000004C;
	[dreg:$0x1] =	wrdreg $0xFFFFFFFF  }
0xa7: {  	s28 =	simm.s32 $_size_execute0_lowered;
	s3 =	sadd.s32 s3, s5;
	[dreg:$0x0] =	wrdreg $0x0  }
0xa8: {  	s5 =	sshll.u32 s28, $0x1;
	[dreg:$0x2] =	wrdreg s3  }
0xa9: {  	[dreg:$0x3] =	wrdreg s5  }
0xaa: {  	[dreg:$0x4] =	wrdreg $0xC0  }
0xab: {  	_ =	task [dreg:s7], $0x5FFFF  }
0xac: {  	[dreg:$0x1] =	wrdreg $0xFFFFFFFF  }
0xad: {  	[dreg:$0x0] =	wrdreg $0x60  }
0xae: {  	[dreg:$0x2] =	wrdreg s24  }
0xaf: {  	[dreg:$0x3] =	wrdreg s2  }
0xb0: {  	[dreg:$0x4] =	wrdreg $0x0  }
0xb1: {  	[dreg:$0x5] =	wrdreg $0x9  }
0xb2: {  	_ =	task.clear_ibuf [dreg:s7], $0x6FFFF;
	_ =	strace $0x9000004C  }
0xb3: {  	s29 =	simm.s32 $0x9;
	_ =	strace $0x8000004E  }
0xb4: {  	_ =	swait.ge [sflag:s29], $0x1  }
0xb5: {  	[sflag:s29] =	ssyncadd.s32 $0xFFFFFFFF  }
0xb6: {  	_ =	strace $0x9000004E  }
0xb7: {  	_ =	sfence  }
0xb8: {  	s30 =	sld [smem:$0x0];
	_ =	sdelay $0x2  }
0xb9: {  	s31 =	sshll.u32 s1, $0xD;
	s1 =	sshrl.u32 s1, $0x2  }
0xba: {  	s3 =	sand.u32 $0x4000, s31;
	s1 =	sadd.s32 s1, s30  }
0xbb: {  	s0 =	sor.u32 s3, s0;
	s1 =	sshll.u32 s1, $0x11  }
0xbc: {  	s0 =	sor.u32 s1, s0  }
0xbd: {  	s0 =	sadd.s32 $0x8F2B, s0  }
0xbe: {  	[sflag:s0] =	ssyncadd.remote.s32 $0x1  }
0xbf: {  	_ =	sfence.sel $0xFFFF  }
0xc0: {  	[dreg:$0x0] =	wrdreg $0xFFFFFFFF;
	(pc) =	sbr.abs _section_cstart, $3  }
0xc1: {  	[dreg:$0x1] =	wrdreg $0xFFFFFFFF  }
0xc2: {  	_ =	task.clear_ibuf [dreg:s7], $0x2FFFF;
	_ =	strace $0x9FFFFFFF  }
0xc3: {  	(tm) =	ssettm $0x7FFFFFFF  }
tec
execute0_lowered:
.L_overlay_start_1:
0x0: {  	(tag) =	ssettag $0x1  }
0x1: {  	s5 =	rddreg [dreg:$0x0]  }
0x2: {  	s16 =	rddreg [dreg:$0x1]  }
0x3: {  	s2 =	rddreg [dreg:$0x2]  }
0x4: {  	s0 =	rddreg [dreg:$0x3];
	s1 =	stileid.u32  }
0x5: {  	s3 =	simm.s32 $0x0;
	s6 =	srdreg.scid;
	s17 =	smul.u32 $0x9E0, s1  }
0x6: {  	s23 =	simm.s32 $0x1;
	[smem:$0x7FF] =	sst s3;
	s9 =	smul.u32 $0x280, s1  }
0x7: {  	s4 =	sadd.s32 $0xC000, s5;
	s12 =	sand.u32 $0x1, s6;
	s24 =	smul.u32 $0x50000, s1  }
0x8: {  	s14 =	sadd.s32 $0x34000, s5;
	_ =	strace $0x8000004D;
	s20 =	smul.u32 $0x2800, s12  }
0x9: {  	s25 =	ssub.s32 $0x2, s12;
	s31 =	smul.u32 $0x4F0, s12;
	s18 =	sadd.s32 s17, s5  }
0xa: {  	s7 =	sshrl.u32 s25, $0x1;
	s6 =	sshrl.u32 s24, $0x2;
	s10 =	sadd.s32 $0x80, s9  }
0xb: {  	s13 =	sadd.s32 $0x100, s9;
	s19 =	sadd.s32 $0x180, s9;
	s21 =	sadd.s32 $0x200, s9  }
0xc: {  	s17 =	sadd.s32 s17, s16;
	s24 =	simm.s32 $0x0;
	s15 =	ssub.s32 s25, s7  }
0xd: {  	s5 =	sadd.s32 s6, s2;
	s26 =	sshll.u32 s10, $0x7;
	s28 =	sshll.u32 s13, $0x7  }
0xe: {  	s8 =	sshll.u32 s19, $0x7;
	s11 =	sshll.u32 s21, $0x7;
	s22 =	sadd.s32 s9, s20  }
0xf: {  	s10 =	sadd.s32 s20, s10;
	s13 =	sadd.s32 s20, s13;
	s19 =	sadd.s32 s20, s19  }
0x10: {  	s20 =	sadd.s32 s20, s21;
	s18 =	sadd.s32 s31, s18;
	s17 =	sadd.s32 s31, s17  }
0x11: {  	s21 =	simm.s32 $0x14080;
	s6 =	sadd.s32 s26, s2;
	s7 =	sadd.s32 s28, s2  }
0x12: {  	s8 =	sadd.s32 s8, s2;
	s9 =	sadd.s32 s11, s2;
	s29 =	sshll.u32 s22, $0x4  }
0x13: {  	s30 =	sshll.u32 s10, $0x4;
	s13 =	sshll.u32 s13, $0x4;
	s19 =	sshll.u32 s19, $0x4  }
0x14: {  	s20 =	sshll.u32 s20, $0x4;
	s15 =	smax.u32 s15, $0x1;
	s16 =	sadd.s32 $0x2200, s18  }
0x15: {  	s18 =	simm.s32 $0x14100;
	s22 =	simm.s32 $0x80;
	s10 =	sadd.s32 s14, s29  }
0x16: {  	s11 =	sadd.s32 s14, s30;
	s12 =	sadd.s32 s14, s13;
	s13 =	sadd.s32 s14, s19  }
0x17: {  	v0 =	vimm.f32 $0.0e+00;
	s14 =	sadd.s32 s14, s20;
	s19 =	simm.s32 $0x2;
	s20 =	simm.s32 $0x14000  }
.LBB2_1:
0x18: {  	s25 =	simm.s32 $0x0;
	s26 =	simm.s32 $0x200  }
.LBB2_2:
0x19: {  	p0 =	sne.s32 s26, $0xFE00;
	[tilespmem:s25+$0x14170] =	vst v0  }
0x1a: {  	[tilespmem:s25+$0x14100] =	vst v0  }
0x1b: {  	[tilespmem:s25+$0x14110] =	vst v0  }
.Ltmp0:
0x1c: {  	[tilespmem:s25+$0x14120] =	vst v0;
	(pc) =	sbr.rel @p0 .LBB2_2-.Ltmp0, $4  }
0x1d: {  	[tilespmem:s25+$0x14130] =	vst v0  }
0x1e: {  	[tilespmem:s25+$0x14140] =	vst v0  }
0x1f: {  	[tilespmem:s25+$0x14150] =	vst v0  }
0x20: {  	[tilespmem:s25+$0x14160] =	vst v0;
	s25 =	sshra.s32 s26, $0x2;
	s26 =	sadd.s32 $0x200, s26  }
0x21: {  	[tilespmem:s25+$0x14170] =	vst v0  }
0x22: {  	[tilespmem:s25+$0x14100] =	vst v0  }
0x23: {  	[tilespmem:s25+$0x14110] =	vst v0  }
0x24: {  	[tilespmem:s25+$0x14120] =	vst v0  }
0x25: {  	[tilespmem:s25+$0x14130] =	vst v0  }
0x26: {  	[tilespmem:s25+$0x14140] =	vst v0  }
0x27: {  	[tilespmem:s25+$0x14150] =	vst v0  }
0x28: {  	[tilespmem:s25+$0x14160] =	vst v0  }
0x29: {  	[spmem:s5] =	stream.linear.scatter [tilespmem:s18], [sflag:$0x2], $0x4000, $0x38;
	[tilespmem:$0x18100] =	vst v63  }
0x2a: {  	_ =	swait.ge [sflag:s19], $0x4000  }
0x2b: {  	[sflag:s19] =	ssyncset.done $0x0  }
0x2c: {  	[sflag:s19] =	ssyncadd.s32 $0xFFFFC000  }
0x2d: {  	[spmem:s6] =	stream.linear.scatter [tilespmem:s18], [sflag:$0x2], $0x4000, $0x38;
	[tilespmem:$0x18100] =	vst v63  }
0x2e: {  	_ =	swait.ge [sflag:s19], $0x4000  }
0x2f: {  	[sflag:s19] =	ssyncset.done $0x0  }
0x30: {  	[sflag:s19] =	ssyncadd.s32 $0xFFFFC000  }
0x31: {  	[spmem:s7] =	stream.linear.scatter [tilespmem:s18], [sflag:$0x2], $0x4000, $0x38;
	[tilespmem:$0x18100] =	vst v63  }
0x32: {  	_ =	swait.ge [sflag:s19], $0x4000  }
0x33: {  	[sflag:s19] =	ssyncset.done $0x0  }
0x34: {  	[sflag:s19] =	ssyncadd.s32 $0xFFFFC000  }
0x35: {  	[spmem:s8] =	stream.linear.scatter [tilespmem:s18], [sflag:$0x2], $0x4000, $0x38;
	[tilespmem:$0x18100] =	vst v63  }
0x36: {  	_ =	swait.ge [sflag:s19], $0x4000  }
0x37: {  	[sflag:s19] =	ssyncset.done $0x0  }
0x38: {  	[sflag:s19] =	ssyncadd.s32 $0xFFFFC000  }
0x39: {  	[spmem:s9] =	stream.linear.scatter [tilespmem:s18], [sflag:$0x2], $0x4000, $0x38;
	[tilespmem:$0x18100] =	vst v63  }
0x3a: {  	_ =	swait.ge [sflag:s19], $0x4000  }
0x3b: {  	[sflag:s19] =	ssyncset.done $0x0  }
0x3c: {  	[sflag:s19] =	ssyncadd.s32 $0xFFFFC000  }
0x3d: {  	s30 =	sadd.s32 $0x0, s17;
	[bflag:$0x0] =	sbarrier.arrive $0xFFFF  }
0x3e: {  	[tilespmem:s20], [sflag:$0x2] =	stream.linear.gather [hbm4b:s30+s3], $0x80, $0x38;
	[tilespmem:$0x18100] =	vst v63  }
0x3f: {  	_ =	swait.ge [sflag:s19], $0x80  }
0x40: {  	[sflag:s19] =	ssyncset.done $0x0  }
0x41: {  	s31 =	sadd.s32 $0x0, s16;
	[sflag:s19] =	ssyncadd.s32 $0xFFFFFF80  }
0x42: {  	[tilespmem:s21], [sflag:$0x2] =	stream.linear.gather [hbm4b:s31+s3], $0x80, $0x38;
	[tilespmem:$0x18100] =	vst v63  }
0x43: {  	_ =	swait.ge [sflag:s19], $0x80  }
0x44: {  	[sflag:s19] =	ssyncset.done $0x0  }
0x45: {  	[sflag:s19] =	ssyncadd.s32 $0xFFFFFF80  }
0x46: {  	[tilespmem:s18], [sflag:$0x1] =	stream.indirect.gather [hbm4b:s4+s22], $0x80, s20, s22, $0xb8;
	[tilespmem:$0x18100] =	vst v63  }
0x47: {  	_ =	swait.ge [sflag:s23], $0x4000  }
0x48: {  	[sflag:s23] =	ssyncset.done $0x0  }
0x49: {  	[sflag:s23] =	ssyncadd.s32 $0xFFFFC000  }
0x4a: {  	[spmem:s2] =	stream.indirect.scatter.add.f32 [tilespmem:s18], [sflag:$0x2], $0x80, s21, s22, $0xb8;
	[tilespmem:$0x18100] =	vst v63  }
0x4b: {  	_ =	swait.ge [sflag:s19], $0x4000  }
0x4c: {  	s25 =	simm.s32 $0x10;
	s26 =	simm.s32 $0x20;
	[sflag:s19] =	ssyncset.done $0x0  }
.LBB2_4:
0x4d: {  	s28 =	sadd.s32 s25, s17  }
0x4e: {  	[sflag:s19] =	ssyncadd.s32 $0xFFFFC000;
	s29 =	smov.u32 s26;
	s30 =	sadd.s32 $0x10, s26  }
0x4f: {  	[tilespmem:s20], [sflag:$0x2] =	stream.linear.gather [hbm4b:s28+s3], $0x80, $0x38;
	[tilespmem:$0x18100] =	vst v63  }
0x50: {  	p0 =	sne.s32 s26, $0x4E0;
	_ =	swait.ge [sflag:s19], $0x80  }
0x51: {  	[sflag:s19] =	ssyncset.done $0x0  }
0x52: {  	s26 =	sadd.s32 s25, s16;
	s25 =	smov.u32 s29;
	[sflag:s19] =	ssyncadd.s32 $0xFFFFFF80  }
0x53: {  	[tilespmem:s21], [sflag:$0x2] =	stream.linear.gather [hbm4b:s26+s3], $0x80, $0x38;
	[tilespmem:$0x18100] =	vst v63  }
0x54: {  	_ =	swait.ge [sflag:s19], $0x80  }
0x55: {  	[sflag:s19] =	ssyncset.done $0x0  }
0x56: {  	[sflag:s19] =	ssyncadd.s32 $0xFFFFFF80  }
0x57: {  	[tilespmem:s18], [sflag:$0x1] =	stream.indirect.gather [hbm4b:s4+s22], $0x80, s20, s22, $0xb8;
	[tilespmem:$0x18100] =	vst v63  }
0x58: {  	_ =	swait.ge [sflag:s23], $0x4000  }
.Ltmp1:
0x59: {  	[sflag:s23] =	ssyncset.done $0x0;
	(pc) =	sbr.rel @p0 .LBB2_4-.Ltmp1, $4  }
0x5a: {  	[sflag:s23] =	ssyncadd.s32 $0xFFFFC000  }
0x5b: {  	[spmem:s2] =	stream.indirect.scatter.add.f32 [tilespmem:s18], [sflag:$0x2], $0x80, s21, s22, $0xb8;
	[tilespmem:$0x18100] =	vst v63  }
0x5c: {  	_ =	swait.ge [sflag:s19], $0x4000  }
0x5d: {  	s26 =	smov.u32 s30;
	[sflag:s19] =	ssyncset.done $0x0  }
0x5e: {  	s26 =	sadd.s32 s25, s17;
	[sflag:s19] =	ssyncadd.s32 $0xFFFFC000  }
0x5f: {  	[tilespmem:s20], [sflag:$0x2] =	stream.linear.gather [hbm4b:s26+s3], $0x80, $0x38;
	[tilespmem:$0x18100] =	vst v63  }
0x60: {  	_ =	swait.ge [sflag:s19], $0x80  }
0x61: {  	[sflag:s19] =	ssyncset.done $0x0  }
0x62: {  	s29 =	sadd.s32 s25, s16;
	[sflag:s19] =	ssyncadd.s32 $0xFFFFFF80  }
0x63: {  	[tilespmem:s21], [sflag:$0x2] =	stream.linear.gather [hbm4b:s29+s3], $0x80, $0x38;
	[tilespmem:$0x18100] =	vst v63  }
0x64: {  	_ =	swait.ge [sflag:s19], $0x80  }
0x65: {  	[sflag:s19] =	ssyncset.done $0x0  }
0x66: {  	[sflag:s19] =	ssyncadd.s32 $0xFFFFFF80  }
0x67: {  	[tilespmem:s18], [sflag:$0x1] =	stream.indirect.gather [hbm4b:s4+s22], $0x80, s20, s22, $0xb8;
	[tilespmem:$0x18100] =	vst v63  }
0x68: {  	_ =	swait.ge [sflag:s23], $0x4000  }
0x69: {  	[sflag:s23] =	ssyncset.done $0x0  }
0x6a: {  	[sflag:s23] =	ssyncadd.s32 $0xFFFFC000  }
0x6b: {  	[spmem:s2] =	stream.indirect.scatter.add.f32 [tilespmem:s18], [sflag:$0x2], $0x80, s21, s22, $0xb8;
	[tilespmem:$0x18100] =	vst v63  }
0x6c: {  	_ =	swait.ge [sflag:s19], $0x4000  }
0x6d: {  	[sflag:s19] =	ssyncset.done $0x0  }
0x6e: {  	s30 =	sshll.u32 s1, $0x6;
	[sflag:s19] =	ssyncadd.s32 $0xFFFFC000  }
0x6f: {  	s31 =	sshrl.u32 s5, $0x3;
	s25 =	sor.u32 $0x1C02, s30;
	[bflag:$0x0] =	sbarrier.arrive $0xFFFF  }
0x70: {  	[hbm:s10], [sflag:s25] =	dma.local [spmem:s31], $0x800  }
0x71: {  	_ =	swait.ge [sflag:s19], $0x800  }
0x72: {  	[sflag:s19] =	ssyncset.done $0x0  }
0x73: {  	s28 =	sshrl.u32 s6, $0x3;
	[sflag:s19] =	ssyncadd.s32 $0xFFFFF800  }
0x74: {  	[hbm:s11], [sflag:s25] =	dma.local [spmem:s28], $0x800  }
0x75: {  	_ =	swait.ge [sflag:s19], $0x800  }
0x76: {  	[sflag:s19] =	ssyncset.done $0x0  }
0x77: {  	s29 =	sshrl.u32 s7, $0x3;
	[sflag:s19] =	ssyncadd.s32 $0xFFFFF800  }
0x78: {  	[hbm:s12], [sflag:s25] =	dma.local [spmem:s29], $0x800  }
0x79: {  	_ =	swait.ge [sflag:s19], $0x800  }
0x7a: {  	[sflag:s19] =	ssyncset.done $0x0  }
0x7b: {  	s30 =	sshrl.u32 s8, $0x3;
	[sflag:s19] =	ssyncadd.s32 $0xFFFFF800  }
0x7c: {  	[hbm:s13], [sflag:s25] =	dma.local [spmem:s30], $0x800  }
0x7d: {  	s24 =	sadd.s32 $0x1, s24;
	_ =	swait.ge [sflag:s19], $0x800  }
0x7e: {  	p0 =	sne.s32 s24, s15;
	[sflag:s19] =	ssyncset.done $0x0  }
.Ltmp2:
0x7f: {  	s31 =	sshrl.u32 s9, $0x3;
	[sflag:s19] =	ssyncadd.s32 $0xFFFFF800;
	(pc) =	sbr.rel @p0 .LBB2_1-.Ltmp2, $4  }
0x80: {  	[hbm:s14], [sflag:s25] =	dma.local [spmem:s31], $0x800  }
0x81: {  	_ =	swait.ge [sflag:s19], $0x800  }
0x82: {  	[sflag:s19] =	ssyncset.done $0x0  }
0x83: {  	[sflag:s19] =	ssyncadd.s32 $0xFFFFF800  }
0x84: {  	_ =	sfence.sel $0x180000  }
0x85: {  	[bflag:$0x0] =	sbarrier.arrive $0xFFFF  }
0x86: {  	p0 =	sne.s32 s1, $0x0;
	_ =	strace $0x9000004D  }
0x87: {  	s0 =	sadd.s32 @!p0 $0x100000, s0;
	[bflag:$0x2] =	sbarrier.arrive $0xFFFF  }
0x88: {  	[sflag:s0] =	ssyncadd.tile.s32 @!p0 $0x1;
	_ =	shalt  }
.Lfunc_end2:
_tile_overlayer_lowered:
.L_overlay_start_2:
0x89: {  	(tag) =	ssettag $0x2  }
0x8a: {  	s0 =	rddreg [dreg:$0x0];
	s2 =	stileid.u32  }
0x8b: {  	s1 =	rddreg [dreg:$0x1];
	p0 =	sne.s32 s2, $0x0  }
0x8c: {  	s3 =	rddreg [dreg:$0x2];
	[bflag:$0x3] =	sbarrier.arrive $0xFFFF;
	s2 =	simm.s32 @!p0 $0x1C02  }
0x8d: {  	[timem:s3], [sflag:s2] =	dma.local @!p0 [hbm:s0], s1  }
0x8e: {  	s0 =	simm.s32 @!p0 $0x2  }
0x8f: {  	_ =	swait.ge @!p0 [sflag:s0], s1  }
0x90: {  	s1 =	ssub.s32 @!p0 $0x0, s1;
	[sflag:s0] =	ssyncset.done @!p0 $0x0  }
0x91: {  	[sflag:s0] =	ssyncadd.s32 @!p0 s1  }
0x92: {  	[bflag:$0x3] =	sbarrier.arrive $0xFFFF  }
0x93: {  	_ =	shalt  }

// kernel: kernel.19.cloned.1.call-start
scs
__scs_entry_jumppad:
0x0: {  	(pc) =	sbr.rel $0x88, $3  }
0x1: {  	(tag) =	ssettag $0x0;
	lr =	simm.s32 $0x1  }
0x2: {  	[smem:$0x3F99] =	sst lr;
	_ =	strace $0xD0000000  }
0x3: {  	_ = 	snop  }
0x4: {  	_ = 	snop  }
0x5: {  	_ = 	snop  }
0x6: {  	_ = 	snop  }
0x7: {  	_ = 	snop  }
__scs_overlays_trampoline_lowered:
0x8: {  	[smem:$0x3FA8] =	sst s0  }
0x9: {  	[smem:$0x3FA9] =	sst s1  }
0xa: {  	[smem:$0x3FAA] =	sst s2  }
0xb: {  	[smem:$0x3FAB] =	sst s3  }
0xc: {  	[smem:$0x3FAC] =	sst s4  }
0xd: {  	[smem:$0x3FAD] =	sst s5  }
0xe: {  	[smem:$0x3FAE] =	sst s6  }
0xf: {  	[smem:$0x3FAF] =	sst s7  }
0x10: {  	[smem:$0x3FB0] =	sst s8  }
0x11: {  	[smem:$0x3FB1] =	sst s9;
	s0 =	simm.s32 @!p0 $0x0  }
0x12: {  	s1 =	sld [smem:$0x3F97];
	s0 =	simm.s32 @p0 $0x1  }
0x13: {  	[smem:$0x3FB2] =	sst s0;
	s0 =	simm.s32 @!p1 $0x0  }
0x14: {  	s2 =	sld [smem:$0x3F96];
	s0 =	simm.s32 @p1 $0x1  }
0x15: {  	[smem:$0x3FB3] =	sst s0;
	s0 =	simm.s32 @!p2 $0x0  }
0x16: {  	s3 =	sld [smem:$0x3FDB];
	s0 =	simm.s32 @p2 $0x1  }
0x17: {  	s4 =	simm.s32 $0x1BF5;
	[smem:$0x3FB5] =	sst s0  }
0x18: {  	s0 =	sld [smem:$0x3F98];
	_ =	swait.ge [sflag:s4], $0x0  }
0x19: {  	s7 =	sld [smem:$0x3F99]  }
0x1a: {  	s8 =	sadd.s32 $0xFFFFE003, lr  }
0x1b: {  	s9 =	sadd.s32 $0xFFFFFEF7, lr;
	s5 =	simm.s32 $0xFFFFFFFF;
	p2 =	slt.u32 s8, $0xFFFFF086  }
0x1c: {  	p1 =	slt.u32 s9, $0xF7A;
	s5 =	simm.s32 @!p2 $0x0  }
0x1d: {  	s5 =	simm.s32 @p1 $0x1;
	p0 =	seq.s32 s7, s2  }
0x1e: {  	s7 =	smul.u32 @!p0 $0xF7A, s2;
	p2 =	seq.s32 @!p0 s5, $0x0  }
0x1f: {  	s9 =	smul.u32 $0xF7A, s1;
	s8 =	simm.s32 @!p0 $0x1BF5;
	p2 =	por !p2, p0  }
0x20: {  	[sflag:s8] =	ssyncset.s32 @!p0 $0xFFFFF086;
	s6 =	sadd.s32 @!p0 s3, s7;
	s7 =	simm.s32 @!p0 $0x108  }
0x21: {  	s3 =	sadd.s32 s3, s9;
	s6 =	sadd.s32 @!p0 $0x88, s6;
	s7 =	simm.s32 @p2 $0x1082  }
0x22: {  	[simem:s7], [sflag:s8] =	dma.local @!p0 [hbm:s6], $0xF7A  }
0x23: {  	s9 =	sor.u32 $0xD0000000, s2;
	s6 =	simm.s32 $0x108;
	_ =	swait.ge @!p0 [sflag:s8], $0x0  }
0x24: {  	s3 =	sadd.s32 $0x88, s3;
	s6 =	simm.s32 @!p1 $0x1082;
	[sflag:s4] =	ssyncset.s32 $0xFFFFF086  }
0x25: {  	[simem:s6], [sflag:s4] =	dma.local [hbm:s3], $0xF7A  }
0x26: {  	[smem:$0x3F99] =	sst s1;
	(tag) =	ssettag s2;
	_ =	strace s9  }
0x27: {  	s1 =	sld [smem:$0x3FA9]  }
0x28: {  	s2 =	sld [smem:$0x3FAA]  }
0x29: {  	s4 =	sld [smem:$0x3FAC]  }
0x2a: {  	p0 =	seq.s32 s5, $0x0;
	s5 =	sld [smem:$0x3FAD]  }
0x2b: {  	s6 =	sld [smem:$0x3FAE]  }
0x2c: {  	s7 =	sld [smem:$0x3FAF]  }
0x2d: {  	s3 =	simm.s32 $0x108;
	s8 =	sld [smem:$0x3FB0]  }
0x2e: {  	s3 =	simm.s32 @!p0 $0x1082;
	s9 =	sld [smem:$0x3FB1]  }
0x2f: {  	lr =	sadd.s32 s0, s3;
	s0 =	sld [smem:$0x3FA8]  }
0x30: {  	s3 =	sld [smem:$0x3FAB]  }
0x31: {  	[smem:$0x3FB4] =	sst s10  }
0x32: {  	s10 =	sld [smem:$0x3FB2];
	_ =	sdelay $0x3  }
0x33: {  	p0 =	seq.s32 s10, $0x1;
	s10 =	sld [smem:$0x3FB4];
	_ =	sdelay $0x3  }
0x34: {  	[smem:$0x3FB4] =	sst s10  }
0x35: {  	s10 =	sld [smem:$0x3FB3];
	_ =	sdelay $0x3  }
0x36: {  	p1 =	seq.s32 s10, $0x1;
	s10 =	sld [smem:$0x3FB4];
	_ =	sdelay $0x3  }
0x37: {  	[smem:$0x3FB4] =	sst s10  }
0x38: {  	s10 =	sld [smem:$0x3FB5]  }
0x39: {  	_ = 	snop;
	(pc) =	sbr.ind lr, $3  }
0x3a: {  	_ = 	snop  }
0x3b: {  	_ = 	snop  }
0x3c: {  	p2 =	seq.s32 s10, $0x1;
	s10 =	sld [smem:$0x3FB4]  }
0x3d: {  	_ =	shalt  }
0x3e: {  	_ =	shalt  }
0x3f: {  	_ =	shalt  }
0x40: {  	_ =	shalt  }
0x41: {  	_ =	shalt  }
0x42: {  	_ =	shalt  }
0x43: {  	_ =	shalt  }
0x44: {  	_ =	shalt  }
0x45: {  	_ =	shalt  }
0x46: {  	_ =	shalt  }
0x47: {  	_ =	shalt  }
0x48: {  	_ =	shalt  }
0x49: {  	_ =	shalt  }
0x4a: {  	_ =	shalt  }
0x4b: {  	_ =	shalt  }
0x4c: {  	_ =	shalt  }
0x4d: {  	_ =	shalt  }
0x4e: {  	_ =	shalt  }
0x4f: {  	_ =	shalt  }
0x50: {  	_ =	shalt  }
0x51: {  	_ =	shalt  }
0x52: {  	_ =	shalt  }
0x53: {  	_ =	shalt  }
0x54: {  	_ =	shalt  }
0x55: {  	_ =	shalt  }
0x56: {  	_ =	shalt  }
0x57: {  	_ =	shalt  }
0x58: {  	_ =	shalt  }
0x59: {  	_ =	shalt  }
0x5a: {  	_ =	shalt  }
0x5b: {  	_ =	shalt  }
0x5c: {  	_ =	shalt  }
0x5d: {  	_ =	shalt  }
0x5e: {  	_ =	shalt  }
0x5f: {  	_ =	shalt  }
0x60: {  	_ =	shalt  }
0x61: {  	_ =	shalt  }
0x62: {  	_ =	shalt  }
0x63: {  	_ =	shalt  }
0x64: {  	_ =	shalt  }
0x65: {  	_ =	shalt  }
0x66: {  	_ =	shalt  }
0x67: {  	_ =	shalt  }
0x68: {  	_ =	shalt  }
0x69: {  	_ =	shalt  }
0x6a: {  	_ =	shalt  }
0x6b: {  	_ =	shalt  }
0x6c: {  	_ =	shalt  }
0x6d: {  	_ =	shalt  }
0x6e: {  	_ =	shalt  }
0x6f: {  	_ =	shalt  }
0x70: {  	_ =	shalt  }
0x71: {  	_ =	shalt  }
0x72: {  	_ =	shalt  }
0x73: {  	_ =	shalt  }
0x74: {  	_ =	shalt  }
0x75: {  	_ =	shalt  }
0x76: {  	_ =	shalt  }
0x77: {  	_ =	shalt  }
0x78: {  	_ =	shalt  }
0x79: {  	_ =	shalt  }
0x7a: {  	_ =	shalt  }
0x7b: {  	_ =	shalt  }
0x7c: {  	_ =	shalt  }
0x7d: {  	_ =	shalt  }
0x7e: {  	_ =	shalt  }
0x7f: {  	_ =	shalt  }
0x80: {  	_ =	shalt  }
0x81: {  	_ =	shalt  }
0x82: {  	_ =	shalt  }
0x83: {  	_ =	shalt  }
0x84: {  	_ =	shalt  }
0x85: {  	_ =	shalt  }
0x86: {  	_ =	shalt  }
0x87: {  	_ =	shalt  }
.Lfunc_end0:
.L_simem_size_0:
called_computation.3_lowered:
.L_overlay_start_0:
0x88: {  	s2 =	sld [smem:$0x3FD9]  }
0x89: {  	s3 =	sld [smem:$0x3FFE];
	_ =	sdelay $0x1  }
0x8a: {  	s1 =	srdreg.scid  }
0x8b: {  	s0 =	sand.u32 $0x1, s1  }
0x8c: {  	s17 =	sshll.u32 s0, $0xA;
	s2 =	sadd.s32 s3, s2  }
0x8d: {  	s2 =	sadd.s32 s2, s17  }
0x8e: {  	[smem:$0x3FC0] =	sst s2  }
0x8f: {  	_ = 	snop  }
0x90: {  	s2 =	sld [smem:$0x3FD0];
	(tm) =	ssettm $0x1  }
0x91: {  	s18 =	sld [smem:$0x3FFB];
	_ =	sdelay $0x3  }
0x92: {  	_ =	strace s18  }
0x93: {  	s3 =	sld [smem:$0x3FFC];
	_ =	sdelay $0x3  }
0x94: {  	_ =	strace s3  }
0x95: {  	s3 =	sld [smem:$0x3FFD];
	_ =	sdelay $0x3  }
0x96: {  	_ =	strace s3  }
0x97: {  	_ =	strace $0x8FFFFFFF  }
0x98: {  	s19 =	sld [smem:$0x3FDB];
	_ =	sdelay $0x1  }
0x99: {  	s4 =	simm.s32 $_scs_section_size  }
0x9a: {  	s5 =	simm.s32 $_size__tile_overlayer_lowered;
	s6 =	simm.s32 $_tile_overlayer_lowered  }
0x9b: {  	s22 =	simm.s32 $0x1BFF;
	s21 =	sshll.u32 s6, $0x1;
	s3 =	sadd.s32 s4, s19  }
0x9c: {  	s7 =	simm.s32 $0x0;
	s20 =	sshll.u32 s5, $0x1;
	s5 =	sadd.s32 s21, s3  }
0x9d: {  	[timem:s7], [sflag:s22] =	dma.local [hbm:s5], s20  }
0x9e: {  	_ =	swait.ge [sflag:s22], s20  }
0x9f: {  	s4 =	ssub.s32 $0x0, s20;
	[sflag:s22] =	ssyncset.done $0x0  }
0xa0: {  	[sflag:s22] =	ssyncadd.s32 s4;
	_ =	sdelay $0x1  }
0xa1: {  	s23 =	simm.s32 $0x1B8B  }
0xa2: {  	_ =	swait.ge [sflag:s23], $0x1  }
0xa3: {  	[sflag:s23] =	ssyncset.done $0x0  }
0xa4: {  	s25 =	simm.s32 $0x1B8E;
	s24 =	sld [smem:$0x3FFE];
	[sflag:s23] =	ssyncadd.s32 $0xFFFFFFFF  }
0xa5: {  	s26 =	simm.s32 $execute0_lowered;
	[smem:$0x3FD2] =	sst s25  }
0xa6: {  	s5 =	sshll.u32 s26, $0x1;
	_ =	strace $0x8000004F;
	[dreg:$0x1] =	wrdreg $0xFFFFFFFF  }
0xa7: {  	s28 =	simm.s32 $_size_execute0_lowered;
	s3 =	sadd.s32 s3, s5;
	[dreg:$0x0] =	wrdreg $0x0  }
0xa8: {  	s5 =	sshll.u32 s28, $0x1;
	[dreg:$0x2] =	wrdreg s3  }
0xa9: {  	[dreg:$0x3] =	wrdreg s5  }
0xaa: {  	[dreg:$0x4] =	wrdreg $0xC0  }
0xab: {  	_ =	task [dreg:s7], $0x5FFFF  }
0xac: {  	[dreg:$0x1] =	wrdreg $0xFFFFFFFF  }
0xad: {  	[dreg:$0x0] =	wrdreg $0x60  }
0xae: {  	[dreg:$0x2] =	wrdreg s24  }
0xaf: {  	[dreg:$0x3] =	wrdreg s2  }
0xb0: {  	[dreg:$0x4] =	wrdreg $0x0  }
0xb1: {  	[dreg:$0x5] =	wrdreg $0x9  }
0xb2: {  	_ =	task.clear_ibuf [dreg:s7], $0x6FFFF;
	_ =	strace $0x9000004F  }
0xb3: {  	s29 =	simm.s32 $0x9;
	_ =	strace $0x80000051  }
0xb4: {  	_ =	swait.ge [sflag:s29], $0x1  }
0xb5: {  	[sflag:s29] =	ssyncadd.s32 $0xFFFFFFFF  }
0xb6: {  	_ =	strace $0x90000051  }
0xb7: {  	_ =	sfence  }
0xb8: {  	s30 =	sld [smem:$0x0];
	_ =	sdelay $0x2  }
0xb9: {  	s31 =	sshll.u32 s1, $0xD;
	s1 =	sshrl.u32 s1, $0x2  }
0xba: {  	s3 =	sand.u32 $0x4000, s31;
	s1 =	sadd.s32 s1, s30  }
0xbb: {  	s0 =	sor.u32 s3, s0;
	s1 =	sshll.u32 s1, $0x11  }
0xbc: {  	s0 =	sor.u32 s1, s0  }
0xbd: {  	s0 =	sadd.s32 $0x8F2B, s0  }
0xbe: {  	[sflag:s0] =	ssyncadd.remote.s32 $0x1  }
0xbf: {  	_ =	sfence.sel $0xFFFF  }
0xc0: {  	[dreg:$0x0] =	wrdreg $0xFFFFFFFF;
	(pc) =	sbr.abs _section_cstart, $3  }
0xc1: {  	[dreg:$0x1] =	wrdreg $0xFFFFFFFF  }
0xc2: {  	_ =	task.clear_ibuf [dreg:s7], $0x2FFFF;
	_ =	strace $0x9FFFFFFF  }
0xc3: {  	(tm) =	ssettm $0x7FFFFFFF  }
tec
execute0_lowered:
.L_overlay_start_1:
0x0: {  	(tag) =	ssettag $0x1  }
0x1: {  	s5 =	rddreg [dreg:$0x0]  }
0x2: {  	s16 =	rddreg [dreg:$0x1]  }
0x3: {  	s2 =	rddreg [dreg:$0x2]  }
0x4: {  	s0 =	rddreg [dreg:$0x3];
	s1 =	stileid.u32  }
0x5: {  	s3 =	simm.s32 $0x0;
	s6 =	srdreg.scid;
	s17 =	smul.u32 $0x9E0, s1  }
0x6: {  	s23 =	simm.s32 $0x1;
	[smem:$0x7FF] =	sst s3;
	s9 =	smul.u32 $0x280, s1  }
0x7: {  	s4 =	sadd.s32 $0xC000, s5;
	s12 =	sand.u32 $0x1, s6;
	s24 =	smul.u32 $0x50000, s1  }
0x8: {  	s14 =	sadd.s32 $0x34000, s5;
	_ =	strace $0x80000050;
	s20 =	smul.u32 $0x2800, s12  }
0x9: {  	s25 =	ssub.s32 $0x2, s12;
	s31 =	smul.u32 $0x4F0, s12;
	s18 =	sadd.s32 s17, s5  }
0xa: {  	s7 =	sshrl.u32 s25, $0x1;
	s6 =	sshrl.u32 s24, $0x2;
	s10 =	sadd.s32 $0x80, s9  }
0xb: {  	s13 =	sadd.s32 $0x100, s9;
	s19 =	sadd.s32 $0x180, s9;
	s21 =	sadd.s32 $0x200, s9  }
0xc: {  	s17 =	sadd.s32 s17, s16;
	s24 =	simm.s32 $0x0;
	s15 =	ssub.s32 s25, s7  }
0xd: {  	s5 =	sadd.s32 s6, s2;
	s26 =	sshll.u32 s10, $0x7;
	s28 =	sshll.u32 s13, $0x7  }
0xe: {  	s8 =	sshll.u32 s19, $0x7;
	s11 =	sshll.u32 s21, $0x7;
	s22 =	sadd.s32 s9, s20  }
0xf: {  	s10 =	sadd.s32 s20, s10;
	s13 =	sadd.s32 s20, s13;
	s19 =	sadd.s32 s20, s19  }
0x10: {  	s20 =	sadd.s32 s20, s21;
	s18 =	sadd.s32 s31, s18;
	s17 =	sadd.s32 s31, s17  }
0x11: {  	s21 =	simm.s32 $0x14080;
	s6 =	sadd.s32 s26, s2;
	s7 =	sadd.s32 s28, s2  }
0x12: {  	s8 =	sadd.s32 s8, s2;
	s9 =	sadd.s32 s11, s2;
	s29 =	sshll.u32 s22, $0x4  }
0x13: {  	s30 =	sshll.u32 s10, $0x4;
	s13 =	sshll.u32 s13, $0x4;
	s19 =	sshll.u32 s19, $0x4  }
0x14: {  	s20 =	sshll.u32 s20, $0x4;
	s15 =	smax.u32 s15, $0x1;
	s16 =	sadd.s32 $0x2200, s18  }
0x15: {  	s18 =	simm.s32 $0x14100;
	s22 =	simm.s32 $0x80;
	s10 =	sadd.s32 s14, s29  }
0x16: {  	s11 =	sadd.s32 s14, s30;
	s12 =	sadd.s32 s14, s13;
	s13 =	sadd.s32 s14, s19  }
0x17: {  	v0 =	vimm.f32 $0.0e+00;
	s14 =	sadd.s32 s14, s20;
	s19 =	simm.s32 $0x2;
	s20 =	simm.s32 $0x14000  }
.LBB2_1:
0x18: {  	s25 =	simm.s32 $0x0;
	s26 =	simm.s32 $0x200  }
.LBB2_2:
0x19: {  	p0 =	sne.s32 s26, $0xFE00;
	[tilespmem:s25+$0x14170] =	vst v0  }
0x1a: {  	[tilespmem:s25+$0x14100] =	vst v0  }
0x1b: {  	[tilespmem:s25+$0x14110] =	vst v0  }
.Ltmp0:
0x1c: {  	[tilespmem:s25+$0x14120] =	vst v0;
	(pc) =	sbr.rel @p0 .LBB2_2-.Ltmp0, $4  }
0x1d: {  	[tilespmem:s25+$0x14130] =	vst v0  }
0x1e: {  	[tilespmem:s25+$0x14140] =	vst v0  }
0x1f: {  	[tilespmem:s25+$0x14150] =	vst v0  }
0x20: {  	[tilespmem:s25+$0x14160] =	vst v0;
	s25 =	sshra.s32 s26, $0x2;
	s26 =	sadd.s32 $0x200, s26  }
0x21: {  	[tilespmem:s25+$0x14170] =	vst v0  }
0x22: {  	[tilespmem:s25+$0x14100] =	vst v0  }
0x23: {  	[tilespmem:s25+$0x14110] =	vst v0  }
0x24: {  	[tilespmem:s25+$0x14120] =	vst v0  }
0x25: {  	[tilespmem:s25+$0x14130] =	vst v0  }
0x26: {  	[tilespmem:s25+$0x14140] =	vst v0  }
0x27: {  	[tilespmem:s25+$0x14150] =	vst v0  }
0x28: {  	[tilespmem:s25+$0x14160] =	vst v0  }
0x29: {  	[spmem:s5] =	stream.linear.scatter [tilespmem:s18], [sflag:$0x2], $0x4000, $0x38;
	[tilespmem:$0x18100] =	vst v63  }
0x2a: {  	_ =	swait.ge [sflag:s19], $0x4000  }
0x2b: {  	[sflag:s19] =	ssyncset.done $0x0  }
0x2c: {  	[sflag:s19] =	ssyncadd.s32 $0xFFFFC000  }
0x2d: {  	[spmem:s6] =	stream.linear.scatter [tilespmem:s18], [sflag:$0x2], $0x4000, $0x38;
	[tilespmem:$0x18100] =	vst v63  }
0x2e: {  	_ =	swait.ge [sflag:s19], $0x4000  }
0x2f: {  	[sflag:s19] =	ssyncset.done $0x0  }
0x30: {  	[sflag:s19] =	ssyncadd.s32 $0xFFFFC000  }
0x31: {  	[spmem:s7] =	stream.linear.scatter [tilespmem:s18], [sflag:$0x2], $0x4000, $0x38;
	[tilespmem:$0x18100] =	vst v63  }
0x32: {  	_ =	swait.ge [sflag:s19], $0x4000  }
0x33: {  	[sflag:s19] =	ssyncset.done $0x0  }
0x34: {  	[sflag:s19] =	ssyncadd.s32 $0xFFFFC000  }
0x35: {  	[spmem:s8] =	stream.linear.scatter [tilespmem:s18], [sflag:$0x2], $0x4000, $0x38;
	[tilespmem:$0x18100] =	vst v63  }
0x36: {  	_ =	swait.ge [sflag:s19], $0x4000  }
0x37: {  	[sflag:s19] =	ssyncset.done $0x0  }
0x38: {  	[sflag:s19] =	ssyncadd.s32 $0xFFFFC000  }
0x39: {  	[spmem:s9] =	stream.linear.scatter [tilespmem:s18], [sflag:$0x2], $0x4000, $0x38;
	[tilespmem:$0x18100] =	vst v63  }
0x3a: {  	_ =	swait.ge [sflag:s19], $0x4000  }
0x3b: {  	[sflag:s19] =	ssyncset.done $0x0  }
0x3c: {  	[sflag:s19] =	ssyncadd.s32 $0xFFFFC000  }
0x3d: {  	s30 =	sadd.s32 $0x0, s17;
	[bflag:$0x0] =	sbarrier.arrive $0xFFFF  }
0x3e: {  	[tilespmem:s20], [sflag:$0x2] =	stream.linear.gather [hbm4b:s30+s3], $0x80, $0x38;
	[tilespmem:$0x18100] =	vst v63  }
0x3f: {  	_ =	swait.ge [sflag:s19], $0x80  }
0x40: {  	[sflag:s19] =	ssyncset.done $0x0  }
0x41: {  	s31 =	sadd.s32 $0x0, s16;
	[sflag:s19] =	ssyncadd.s32 $0xFFFFFF80  }
0x42: {  	[tilespmem:s21], [sflag:$0x2] =	stream.linear.gather [hbm4b:s31+s3], $0x80, $0x38;
	[tilespmem:$0x18100] =	vst v63  }
0x43: {  	_ =	swait.ge [sflag:s19], $0x80  }
0x44: {  	[sflag:s19] =	ssyncset.done $0x0  }
0x45: {  	[sflag:s19] =	ssyncadd.s32 $0xFFFFFF80  }
0x46: {  	[tilespmem:s18], [sflag:$0x1] =	stream.indirect.gather [hbm4b:s4+s22], $0x80, s20, s22, $0xb8;
	[tilespmem:$0x18100] =	vst v63  }
0x47: {  	_ =	swait.ge [sflag:s23], $0x4000  }
0x48: {  	[sflag:s23] =	ssyncset.done $0x0  }
0x49: {  	[sflag:s23] =	ssyncadd.s32 $0xFFFFC000  }
0x4a: {  	[spmem:s2] =	stream.indirect.scatter.add.f32 [tilespmem:s18], [sflag:$0x2], $0x80, s21, s22, $0xb8;
	[tilespmem:$0x18100] =	vst v63  }
0x4b: {  	_ =	swait.ge [sflag:s19], $0x4000  }
0x4c: {  	s25 =	simm.s32 $0x10;
	s26 =	simm.s32 $0x20;
	[sflag:s19] =	ssyncset.done $0x0  }
.LBB2_4:
0x4d: {  	s28 =	sadd.s32 s25, s17  }
0x4e: {  	[sflag:s19] =	ssyncadd.s32 $0xFFFFC000;
	s29 =	smov.u32 s26;
	s30 =	sadd.s32 $0x10, s26  }
0x4f: {  	[tilespmem:s20], [sflag:$0x2] =	stream.linear.gather [hbm4b:s28+s3], $0x80, $0x38;
	[tilespmem:$0x18100] =	vst v63  }
0x50: {  	p0 =	sne.s32 s26, $0x4E0;
	_ =	swait.ge [sflag:s19], $0x80  }
0x51: {  	[sflag:s19] =	ssyncset.done $0x0  }
0x52: {  	s26 =	sadd.s32 s25, s16;
	s25 =	smov.u32 s29;
	[sflag:s19] =	ssyncadd.s32 $0xFFFFFF80  }
0x53: {  	[tilespmem:s21], [sflag:$0x2] =	stream.linear.gather [hbm4b:s26+s3], $0x80, $0x38;
	[tilespmem:$0x18100] =	vst v63  }
0x54: {  	_ =	swait.ge [sflag:s19], $0x80  }
0x55: {  	[sflag:s19] =	ssyncset.done $0x0  }
0x56: {  	[sflag:s19] =	ssyncadd.s32 $0xFFFFFF80  }
0x57: {  	[tilespmem:s18], [sflag:$0x1] =	stream.indirect.gather [hbm4b:s4+s22], $0x80, s20, s22, $0xb8;
	[tilespmem:$0x18100] =	vst v63  }
0x58: {  	_ =	swait.ge [sflag:s23], $0x4000  }
.Ltmp1:
0x59: {  	[sflag:s23] =	ssyncset.done $0x0;
	(pc) =	sbr.rel @p0 .LBB2_4-.Ltmp1, $4  }
0x5a: {  	[sflag:s23] =	ssyncadd.s32 $0xFFFFC000  }
0x5b: {  	[spmem:s2] =	stream.indirect.scatter.add.f32 [tilespmem:s18], [sflag:$0x2], $0x80, s21, s22, $0xb8;
	[tilespmem:$0x18100] =	vst v63  }
0x5c: {  	_ =	swait.ge [sflag:s19], $0x4000  }
0x5d: {  	s26 =	smov.u32 s30;
	[sflag:s19] =	ssyncset.done $0x0  }
0x5e: {  	s26 =	sadd.s32 s25, s17;
	[sflag:s19] =	ssyncadd.s32 $0xFFFFC000  }
0x5f: {  	[tilespmem:s20], [sflag:$0x2] =	stream.linear.gather [hbm4b:s26+s3], $0x80, $0x38;
	[tilespmem:$0x18100] =	vst v63  }
0x60: {  	_ =	swait.ge [sflag:s19], $0x80  }
0x61: {  	[sflag:s19] =	ssyncset.done $0x0  }
0x62: {  	s29 =	sadd.s32 s25, s16;
	[sflag:s19] =	ssyncadd.s32 $0xFFFFFF80  }
0x63: {  	[tilespmem:s21], [sflag:$0x2] =	stream.linear.gather [hbm4b:s29+s3], $0x80, $0x38;
	[tilespmem:$0x18100] =	vst v63  }
0x64: {  	_ =	swait.ge [sflag:s19], $0x80  }
0x65: {  	[sflag:s19] =	ssyncset.done $0x0  }
0x66: {  	[sflag:s19] =	ssyncadd.s32 $0xFFFFFF80  }
0x67: {  	[tilespmem:s18], [sflag:$0x1] =	stream.indirect.gather [hbm4b:s4+s22], $0x80, s20, s22, $0xb8;
	[tilespmem:$0x18100] =	vst v63  }
0x68: {  	_ =	swait.ge [sflag:s23], $0x4000  }
0x69: {  	[sflag:s23] =	ssyncset.done $0x0  }
0x6a: {  	[sflag:s23] =	ssyncadd.s32 $0xFFFFC000  }
0x6b: {  	[spmem:s2] =	stream.indirect.scatter.add.f32 [tilespmem:s18], [sflag:$0x2], $0x80, s21, s22, $0xb8;
	[tilespmem:$0x18100] =	vst v63  }
0x6c: {  	_ =	swait.ge [sflag:s19], $0x4000  }
0x6d: {  	[sflag:s19] =	ssyncset.done $0x0  }
0x6e: {  	s30 =	sshll.u32 s1, $0x6;
	[sflag:s19] =	ssyncadd.s32 $0xFFFFC000  }
0x6f: {  	s31 =	sshrl.u32 s5, $0x3;
	s25 =	sor.u32 $0x1C02, s30;
	[bflag:$0x0] =	sbarrier.arrive $0xFFFF  }
0x70: {  	[hbm:s10], [sflag:s25] =	dma.local [spmem:s31], $0x800  }
0x71: {  	_ =	swait.ge [sflag:s19], $0x800  }
0x72: {  	[sflag:s19] =	ssyncset.done $0x0  }
0x73: {  	s28 =	sshrl.u32 s6, $0x3;
	[sflag:s19] =	ssyncadd.s32 $0xFFFFF800  }
0x74: {  	[hbm:s11], [sflag:s25] =	dma.local [spmem:s28], $0x800  }
0x75: {  	_ =	swait.ge [sflag:s19], $0x800  }
0x76: {  	[sflag:s19] =	ssyncset.done $0x0  }
0x77: {  	s29 =	sshrl.u32 s7, $0x3;
	[sflag:s19] =	ssyncadd.s32 $0xFFFFF800  }
0x78: {  	[hbm:s12], [sflag:s25] =	dma.local [spmem:s29], $0x800  }
0x79: {  	_ =	swait.ge [sflag:s19], $0x800  }
0x7a: {  	[sflag:s19] =	ssyncset.done $0x0  }
0x7b: {  	s30 =	sshrl.u32 s8, $0x3;
	[sflag:s19] =	ssyncadd.s32 $0xFFFFF800  }
0x7c: {  	[hbm:s13], [sflag:s25] =	dma.local [spmem:s30], $0x800  }
0x7d: {  	s24 =	sadd.s32 $0x1, s24;
	_ =	swait.ge [sflag:s19], $0x800  }
0x7e: {  	p0 =	sne.s32 s24, s15;
	[sflag:s19] =	ssyncset.done $0x0  }
.Ltmp2:
0x7f: {  	s31 =	sshrl.u32 s9, $0x3;
	[sflag:s19] =	ssyncadd.s32 $0xFFFFF800;
	(pc) =	sbr.rel @p0 .LBB2_1-.Ltmp2, $4  }
0x80: {  	[hbm:s14], [sflag:s25] =	dma.local [spmem:s31], $0x800  }
0x81: {  	_ =	swait.ge [sflag:s19], $0x800  }
0x82: {  	[sflag:s19] =	ssyncset.done $0x0  }
0x83: {  	[sflag:s19] =	ssyncadd.s32 $0xFFFFF800  }
0x84: {  	_ =	sfence.sel $0x180000  }
0x85: {  	[bflag:$0x0] =	sbarrier.arrive $0xFFFF  }
0x86: {  	p0 =	sne.s32 s1, $0x0;
	_ =	strace $0x90000050  }
0x87: {  	s0 =	sadd.s32 @!p0 $0x100000, s0;
	[bflag:$0x2] =	sbarrier.arrive $0xFFFF  }
0x88: {  	[sflag:s0] =	ssyncadd.tile.s32 @!p0 $0x1;
	_ =	shalt  }
.Lfunc_end2:
_tile_overlayer_lowered:
.L_overlay_start_2:
0x89: {  	(tag) =	ssettag $0x2  }
0x8a: {  	s0 =	rddreg [dreg:$0x0];
	s2 =	stileid.u32  }
0x8b: {  	s1 =	rddreg [dreg:$0x1];
	p0 =	sne.s32 s2, $0x0  }
0x8c: {  	s3 =	rddreg [dreg:$0x2];
	[bflag:$0x3] =	sbarrier.arrive $0xFFFF;
	s2 =	simm.s32 @!p0 $0x1C02  }
0x8d: {  	[timem:s3], [sflag:s2] =	dma.local @!p0 [hbm:s0], s1  }
0x8e: {  	s0 =	simm.s32 @!p0 $0x2  }
0x8f: {  	_ =	swait.ge @!p0 [sflag:s0], s1  }
0x90: {  	s1 =	ssub.s32 @!p0 $0x0, s1;
	[sflag:s0] =	ssyncset.done @!p0 $0x0  }
0x91: {  	[sflag:s0] =	ssyncadd.s32 @!p0 s1  }
0x92: {  	[bflag:$0x3] =	sbarrier.arrive $0xFFFF  }
0x93: {  	_ =	shalt  }

</sc_bundles>
